<compile_context>
chip_gen: v7x
topology: tpu7x:2x2x1
jax: 0.10.2.dev20260603
libtpu: 0.0.44.dev20260713+nightly
codegen_flags: <defaults>
</compile_context>

<pallas_src>
import functools

import jax
import jax.numpy as jnp
from jax import lax
from jax.experimental import pallas as pl
from jax.experimental.pallas import tpu as pltpu
from jax.experimental.pallas import tpu_sc as plsc

NC, NS = 2, 16
NW = NC * NS
L = 16

NN = 50000
NP = 50048
PAD_SLOT = 50040
E = 800000
CHUNK = E // NW
CPAD = 25088
EP = NW * CPAD
NROW = EP // 128
SBLK = 512
NSB = CPAD // SBLK
NRL = 500
D = 32


def _mesh():
    return plsc.VectorSubcoreMesh(
        core_axis_name="c", subcore_axis_name="s", num_cores=NC, num_subcores=NS
    )


def _k1_body(hidden, vi1, vj1, rel1, rel_tab, coef, bvec, owvec,
             numer_o, denom_o,
             P2, Q2, denom_loc, hi_rows, hj_rows,
             vi_sbf, vj_sbf, rel_sbf, numer_sbf,
             coef_v, bvec_v, owvec_v, sem):
    wid = lax.axis_index("s") * NC + lax.axis_index("c")

    pltpu.sync_copy(coef, coef_v)
    pltpu.sync_copy(bvec, bvec_v)
    pltpu.sync_copy(owvec, owvec_v)
    pltpu.sync_copy(rel_tab, hi_rows.at[pl.ds(0, NRL)])

    a0 = coef_v[0, pl.ds(0, L)]
    a1 = coef_v[0, pl.ds(L, L)]
    b0 = coef_v[1, pl.ds(0, L)]
    b1 = coef_v[1, pl.ds(L, L)]
    c0 = coef_v[2, pl.ds(0, L)]
    c1 = coef_v[2, pl.ds(L, L)]
    d0 = coef_v[3, pl.ds(0, L)]
    d1 = coef_v[3, pl.ds(L, L)]

    def pq_body(r, _):
        r0 = hi_rows[r, pl.ds(0, L)]
        r1 = hi_rows[r, pl.ds(L, L)]
        P2[r, pl.ds(0, L)] = a0 + r0 * b0
        P2[r, pl.ds(L, L)] = a1 + r1 * b1
        Q2[r, pl.ds(0, L)] = c0 + r0 * d0
        Q2[r, pl.ds(L, L)] = c1 + r1 * d1
        return 0

    lax.fori_loop(0, NRL, pq_body, 0)

    zv = jnp.zeros((L,), jnp.float32)

    def zero_body(i, _):
        denom_loc[pl.ds(i * L, L)] = zv
        return 0

    lax.fori_loop(0, NP // L, zero_body, 0)

    iota = lax.iota(jnp.int32, L)

    def sb_body(sb, _):
        base = wid * CPAD + sb * SBLK
        pltpu.sync_copy(vi1.at[pl.ds(base, SBLK)], vi_sbf)
        pltpu.sync_copy(vj1.at[pl.ds(base, SBLK)], vj_sbf)
        pltpu.sync_copy(rel1.at[pl.ds(base, SBLK)], rel_sbf)
        cps = []
        for j in range(4):
            cps.append(pltpu.async_copy(
                hidden.at[vi_sbf.at[pl.ds(j * 128, 128)]],
                hi_rows.at[pl.ds(j * 128, 128)], sem))
            cps.append(pltpu.async_copy(
                hidden.at[vj_sbf.at[pl.ds(j * 128, 128)]],
                hj_rows.at[pl.ds(j * 128, 128)], sem))
        for cp in cps:
            cp.wait()

        def g_body(g, _):
            e16 = g * L
            vi_ids = vi_sbf[pl.ds(e16, L)]
            rel_ids = rel_sbf[pl.ds(e16, L)]
            erow = e16 + iota
            acc = jnp.zeros((L,), jnp.float32)
            for d in range(D):
                dd = jnp.bitwise_and(iota + d, D - 1)
                hi_d = plsc.load_gather(hi_rows, [erow, dd])
                hj_d = plsc.load_gather(hj_rows, [erow, dd])
                p_d = plsc.load_gather(P2, [rel_ids, dd])
                q_d = plsc.load_gather(Q2, [rel_ids, dd])
                b_d = plsc.load_gather(bvec_v, [dd])
                ow_d = plsc.load_gather(owvec_v, [dd])
                s = hi_d * p_d + hj_d * q_d + b_d
                acc = acc + jnp.maximum(s, 0.0) * ow_d
            numer = jnp.exp(acc)
            numer_sbf[pl.ds(e16, L)] = numer
            plsc.addupdate_scatter(denom_loc, [vi_ids], numer)
            return 0

        lax.fori_loop(0, SBLK // L, g_body, 0)
        pltpu.sync_copy(numer_sbf, numer_o.at[pl.ds(base, SBLK)])
        return 0

    lax.fori_loop(0, NSB, sb_body, 0)
    pltpu.sync_copy(denom_loc, denom_o.at[wid])


def _k2_body(vi1, vj1, numer1, att2, den2,
             out_o,
             ratio, out_loc, att_t, den_t, vi_sbf, vj_sbf, num_sbf, sem):
    wid = lax.axis_index("s") * NC + lax.axis_index("c")

    zv = jnp.zeros((L,), jnp.float32)

    def zero_body(i, _):
        out_loc[pl.ds(i * L, L)] = zv
        return 0

    lax.fori_loop(0, NP // L, zero_body, 0)

    def ratio_chunk(c, _):
        pltpu.sync_copy(att2.at[pl.ds(c * 23, 23)], att_t)
        pltpu.sync_copy(den2.at[pl.ds(c * 23, 23)], den_t)

        def rr_body(rr, _):
            off = (c * 23 + rr) * 128
            for k in range(8):
                a = att_t[rr, pl.ds(k * L, L)]
                dn = den_t[rr, pl.ds(k * L, L)]
                ratio[pl.ds(off + k * L, L)] = a / dn
            return 0

        lax.fori_loop(0, 23, rr_body, 0)
        return 0

    lax.fori_loop(0, 17, ratio_chunk, 0)

    def sb_body(sb, _):
        base = wid * CPAD + sb * SBLK
        pltpu.sync_copy(vi1.at[pl.ds(base, SBLK)], vi_sbf)
        pltpu.sync_copy(vj1.at[pl.ds(base, SBLK)], vj_sbf)
        pltpu.sync_copy(numer1.at[pl.ds(base, SBLK)], num_sbf)

        def g_body(g, _):
            e16 = g * L
            vi_ids = vi_sbf[pl.ds(e16, L)]
            vj_ids = vj_sbf[pl.ds(e16, L)]
            nmr = num_sbf[pl.ds(e16, L)]
            rat = plsc.load_gather(ratio, [vi_ids])
            plsc.addupdate_scatter(out_loc, [vj_ids], nmr * rat)
            return 0

        lax.fori_loop(0, SBLK // L, g_body, 0)
        return 0

    lax.fori_loop(0, NSB, sb_body, 0)
    pltpu.sync_copy(out_loc, out_o.at[wid])


@functools.partial(
    pl.kernel,
    out_type=(
        jax.ShapeDtypeStruct((EP,), jnp.float32),
        jax.ShapeDtypeStruct((NW, NP), jnp.float32),
    ),
    mesh=_mesh(),
    scratch_types=[
        pltpu.VMEM((NRL, D), jnp.float32),
        pltpu.VMEM((NRL, D), jnp.float32),
        pltpu.VMEM((NP,), jnp.float32),
        pltpu.VMEM((SBLK, D), jnp.float32),
        pltpu.VMEM((SBLK, D), jnp.float32),
        pltpu.VMEM((SBLK,), jnp.int32),
        pltpu.VMEM((SBLK,), jnp.int32),
        pltpu.VMEM((SBLK,), jnp.int32),
        pltpu.VMEM((SBLK,), jnp.float32),
        pltpu.VMEM((4, D), jnp.float32),
        pltpu.VMEM((D,), jnp.float32),
        pltpu.VMEM((D,), jnp.float32),
        pltpu.SemaphoreType.DMA,
    ],
    compiler_params=pltpu.CompilerParams(needs_layout_passes=False, use_tc_tiling_on_sc=False),
    name="attflow_k1",
)
def _k1(*args):
    _k1_body(*args)


@functools.partial(
    pl.kernel,
    out_type=jax.ShapeDtypeStruct((NW, NP), jnp.float32),
    mesh=_mesh(),
    scratch_types=[
        pltpu.VMEM((NP,), jnp.float32),
        pltpu.VMEM((NP,), jnp.float32),
        pltpu.VMEM((23, 128), jnp.float32),
        pltpu.VMEM((23, 128), jnp.float32),
        pltpu.VMEM((SBLK,), jnp.int32),
        pltpu.VMEM((SBLK,), jnp.int32),
        pltpu.VMEM((SBLK,), jnp.float32),
        pltpu.SemaphoreType.DMA,
    ],
    compiler_params=pltpu.CompilerParams(needs_layout_passes=False, use_tc_tiling_on_sc=False),
    name="attflow_k2",
)
def _k2(*args):
    _k2_body(*args)


def kernel(hidden, node_attention, query, rel_table, ws, b, out_w, out_b,
           W_con, b_con, W_uncon, b_uncon, selected_edges):
    f32 = jnp.float32
    con = jnp.tanh(query @ W_con + b_con)
    uncon = jnp.tanh(query @ W_uncon + b_uncon)
    A = con * ws[0] + uncon * ws[2]
    B = con * ws[1] + uncon * ws[3]
    C = con * ws[4] + uncon * ws[6]
    Dv = con * ws[5] + uncon * ws[7]
    coef = jnp.stack([A, B, C, Dv]).astype(f32)
    bvec = b.astype(f32)
    owvec = out_w.astype(f32)

    se = selected_edges
    vi = se[:, 1]
    vj = se[:, 2]
    rel = se[:, 3]

    def pad_edges(x, fill):
        xr = x.reshape(NW, CHUNK)
        xr = jnp.pad(xr, ((0, 0), (0, CPAD - CHUNK)), constant_values=fill)
        return xr.reshape(EP)

    vi1 = pad_edges(vi, PAD_SLOT)
    vj1 = pad_edges(vj, PAD_SLOT)
    rel1 = pad_edges(rel, 0)

    hidden_p = jnp.pad(hidden, ((0, NP - NN), (0, 0))).astype(f32)
    att_p = jnp.pad(node_attention, (0, NP - NN)).astype(f32)

    numer, denom_part = _k1(hidden_p, vi1, vj1, rel1,
                            rel_table.astype(f32), coef, bvec, owvec)
    denom = jnp.sum(denom_part, axis=0).reshape(NP // 128, 128)
    att2 = att_p.reshape(NP // 128, 128)

    out_part = _k2(vi1, vj1, numer, att2, denom)
    return jnp.sum(out_part, axis=0)[:NN].reshape(1, NN)

# --- scband reference (transcript-rebuilt; emitter-appended) ---
"""Pipeline reference for scband-attention-flow-29042568855564 (READ-ONLY COPY).

The authoritative reference and input builder live on the scoring server;
editing this copy changes nothing except your own understanding.
"""

import jax, jax.numpy as jnp
import numpy as np

N_NODES = 50000
N_REL = 500
D = 32
E = 800000
DQ = 128
INTERACT = [[0, 3], [0, 2, 3], [0, 4], [0, 2, 4], [1, 3], [1, 2, 3], [1, 4], [1, 2, 4]]


def setup_inputs(seed: int = 0):
    rng = np.random.default_rng(0)
    vi = np.sort(rng.integers(0, N_NODES, size=E)).astype(np.int32)
    vj = rng.integers(0, N_NODES, size=E).astype(np.int32)
    rel = rng.integers(0, N_REL, size=E).astype(np.int32)
    idx = np.zeros(E, dtype=np.int32)
    _, idx_vi = np.unique(vi, return_inverse=True)
    _, idx_vj = np.unique(vj, return_inverse=True)
    selected_edges = np.stack([idx, vi, vj, rel, idx_vi.astype(np.int32), idx_vj.astype(np.int32), vi, vj], axis=1).astype(np.int32)
    key = jax.random.key(seed)
    ks = jax.random.split(key, 10)
    hidden = jax.random.normal(ks[0], (N_NODES, D), dtype=jnp.float32)
    node_attention = jax.random.uniform(ks[1], (N_NODES,), dtype=jnp.float32)
    node_attention = node_attention / jnp.sum(node_attention)
    query = jax.random.normal(ks[2], (DQ,), dtype=jnp.float32)
    sc = 1.0 / np.sqrt(D)
    rel_table = jax.random.normal(ks[3], (N_REL, D), dtype=jnp.float32) * 0.05
    ws = jax.random.normal(ks[4], (8, D), dtype=jnp.float32) * sc
    b = jnp.zeros((D,), jnp.float32)
    out_w = jax.random.normal(ks[5], (D,), dtype=jnp.float32) * sc
    out_b = jnp.zeros((D,), jnp.float32)
    W_con = jax.random.normal(ks[6], (DQ, D), dtype=jnp.float32) / np.sqrt(DQ)
    b_con = jnp.zeros((D,), jnp.float32)
    W_uncon = jax.random.normal(ks[7], (DQ, D), dtype=jnp.float32) / np.sqrt(DQ)
    b_uncon = jnp.zeros((D,), jnp.float32)
    return {"hidden": hidden, "node_attention": node_attention, "query": query, "rel_table": rel_table, "ws": ws, "b": b, "out_w": out_w, "out_b": out_b, "W_con": W_con, "b_con": b_con, "W_uncon": W_uncon, "b_uncon": b_uncon, "selected_edges": jnp.asarray(selected_edges)}


def _f_transition(inputs, ws, b, out_w, out_b):
    # F layer: sum_k ws[k] * prod(inputs[i] for i in INTERACT[k]) + b, relu, * out_w + out_b
    out = None
    for k, idxs in enumerate(INTERACT):
        x = 1.0
        for i in idxs:
            x = x * inputs[i]
        term = x * ws[k]
        out = term if out is None else out + term
    out = out + b
    out = jax.nn.relu(out)
    out = out * out_w + out_b
    return out


def _sparse_softmax(logits, seg, nseg):
    m = jax.ops.segment_max(logits, seg, num_segments=nseg)
    e = jnp.exp(logits - m[seg])
    s = jax.ops.segment_sum(e, seg, num_segments=nseg)
    return e / s[seg]


def reference(hidden, node_attention, query, rel_table, ws, b, out_w, out_b, W_con, b_con, W_uncon, b_uncon, selected_edges):
    se = selected_edges
    idx_vi = se[:, 4]
    idx_vj = se[:, 5]
    nseg_vi = hidden.shape[0]
    nseg_vj = hidden.shape[0]
    # Node2Edge_v2: gather per-edge endpoint hidden states
    hidden_vi = jnp.take(hidden, se[:, 6], axis=0)
    hidden_vj = jnp.take(hidden, se[:, 7], axis=0)
    # relation embedding lookup
    rel_emb = jnp.take(rel_table, se[:, 3], axis=0)
    # query projections (proj_con / proj_uncon, tanh Dense)
    con = jnp.tanh(query @ W_con + b_con)
    uncon = jnp.tanh(query @ W_uncon + b_uncon)
    # f_transition over [hidden_vi, hidden_vj, rel_emb, con, uncon]
    trans_vec = _f_transition([hidden_vi, hidden_vj, rel_emb, con, uncon], ws, b, out_w, out_b)
    logits = jnp.sum(trans_vec, axis=-1)
    # NeighborSoftmax at vi (sorted segment softmax)
    trans = _sparse_softmax(logits, idx_vi, nseg_vi)
    # attention flow: gather node attention at vi, multiply, aggregate (sum) at vj
    att_vi = jnp.take(node_attention, se[:, 1], axis=0)
    edge_att = trans * att_vi
    agg = jax.ops.segment_sum(edge_att, idx_vj, num_segments=nseg_vj)
    rows = jax.ops.segment_max(se[:, 0], idx_vj, num_segments=nseg_vj)
    cols = jax.ops.segment_max(se[:, 2], idx_vj, num_segments=nseg_vj)
    new_att = jnp.zeros((1, N_NODES), jnp.float32).at[rows, cols].add(agg)
    return new_att

if __name__ == "__main__":
    import jax
    _d = setup_inputs()
    print(jax.jit(kernel)(*tuple(_d.values())))

</pallas_src>

<mosaic_0001>
#map = affine_map<(d0, d1) -> (0, 0)>
#map1 = affine_map<(d0, d1) -> (0)>
module attributes {stable_mosaic.version = 14 : i64} {
  func.func @attflow_k1(%arg0: i32, %arg1: i32, %arg2: memref<50048x32xf32, #tpu.memory_space<hbm>>, %arg3: memref<802816xi32, #tpu.memory_space<hbm>>, %arg4: memref<802816xi32, #tpu.memory_space<hbm>>, %arg5: memref<802816xi32, #tpu.memory_space<hbm>>, %arg6: memref<500x32xf32, #tpu.memory_space<hbm>>, %arg7: memref<4x32xf32, #tpu.memory_space<hbm>>, %arg8: memref<32xf32, #tpu.memory_space<hbm>>, %arg9: memref<32xf32, #tpu.memory_space<hbm>>, %arg10: memref<802816xf32, #tpu.memory_space<hbm>>, %arg11: memref<32x50048xf32, #tpu.memory_space<hbm>>, %arg12: memref<500x32xf32, #tpu.memory_space<vmem>>, %arg13: memref<500x32xf32, #tpu.memory_space<vmem>>, %arg14: memref<50048xf32, #tpu.memory_space<vmem>>, %arg15: memref<512x32xf32, #tpu.memory_space<vmem>>, %arg16: memref<512x32xf32, #tpu.memory_space<vmem>>, %arg17: memref<512xi32, #tpu.memory_space<vmem>>, %arg18: memref<512xi32, #tpu.memory_space<vmem>>, %arg19: memref<512xi32, #tpu.memory_space<vmem>>, %arg20: memref<512xf32, #tpu.memory_space<vmem>>, %arg21: memref<4x32xf32, #tpu.memory_space<vmem>>, %arg22: memref<32xf32, #tpu.memory_space<vmem>>, %arg23: memref<32xf32, #tpu.memory_space<vmem>>, %arg24: memref<!tpu.dma_semaphore, #tpu.memory_space<semaphore_mem>>) attributes {dimension_semantics = [#tpu.dimension_semantics<core_parallel>, #tpu.dimension_semantics<subcore_parallel>], iteration_bounds = array<i64: 2, 16>, scalar_prefetch = 0 : i64, scratch_operands = 13 : i64, tpu.core_type = #tpu.core_type<sc_vector_subcore>, window_params = [{transform_indices = #map}, {transform_indices = #map1}, {transform_indices = #map1}, {transform_indices = #map1}, {transform_indices = #map}, {transform_indices = #map}, {transform_indices = #map1}, {transform_indices = #map1}, {transform_indices = #map1}, {transform_indices = #map}]} {
    %mul3A = arith.constant 2 : i32
    %mul3A_0 = arith.muli %arg1, %mul3A : i32
    %add3A = arith.addi %mul3A_0, %arg0 : i32
    "tpu.region"() ({
      %run_scoped3A = tpu.sem_alloc : memref<!tpu.dma_semaphore, #tpu.memory_space<semaphore_mem>>
      tpu.enqueue_dma source(%arg7 : memref<4x32xf32, #tpu.memory_space<hbm>>) target(%arg21 : memref<4x32xf32, #tpu.memory_space<vmem>>) target_semaphore(%run_scoped3A : memref<!tpu.dma_semaphore, #tpu.memory_space<semaphore_mem>>)
      tpu.wait_dma2 semaphore(%run_scoped3A : memref<!tpu.dma_semaphore, #tpu.memory_space<semaphore_mem>>) src(%arg7 : memref<4x32xf32, #tpu.memory_space<hbm>>) dst(%arg21 : memref<4x32xf32, #tpu.memory_space<vmem>>)
      tpu.yield
    }) : () -> ()
    "tpu.region"() ({
      %run_scoped3A = tpu.sem_alloc : memref<!tpu.dma_semaphore, #tpu.memory_space<semaphore_mem>>
      tpu.enqueue_dma source(%arg8 : memref<32xf32, #tpu.memory_space<hbm>>) target(%arg22 : memref<32xf32, #tpu.memory_space<vmem>>) target_semaphore(%run_scoped3A : memref<!tpu.dma_semaphore, #tpu.memory_space<semaphore_mem>>)
      tpu.wait_dma2 semaphore(%run_scoped3A : memref<!tpu.dma_semaphore, #tpu.memory_space<semaphore_mem>>) src(%arg8 : memref<32xf32, #tpu.memory_space<hbm>>) dst(%arg22 : memref<32xf32, #tpu.memory_space<vmem>>)
      tpu.yield
    }) : () -> ()
    "tpu.region"() ({
      %run_scoped3A = tpu.sem_alloc : memref<!tpu.dma_semaphore, #tpu.memory_space<semaphore_mem>>
      tpu.enqueue_dma source(%arg9 : memref<32xf32, #tpu.memory_space<hbm>>) target(%arg23 : memref<32xf32, #tpu.memory_space<vmem>>) target_semaphore(%run_scoped3A : memref<!tpu.dma_semaphore, #tpu.memory_space<semaphore_mem>>)
      tpu.wait_dma2 semaphore(%run_scoped3A : memref<!tpu.dma_semaphore, #tpu.memory_space<semaphore_mem>>) src(%arg9 : memref<32xf32, #tpu.memory_space<hbm>>) dst(%arg23 : memref<32xf32, #tpu.memory_space<vmem>>)
      tpu.yield
    }) : () -> ()
    "tpu.region"() ({
      %run_scoped3A = tpu.sem_alloc : memref<!tpu.dma_semaphore, #tpu.memory_space<semaphore_mem>>
      %dma_start3A = arith.constant 0 : i32
      %dma_start3A_53 = arith.constant 0 : i32
      %dma_start3A_54 = tpu.memref_slice %arg15[%dma_start3A, %dma_start3A_53] : memref<512x32xf32, #tpu.memory_space<vmem>> -> memref<500x32xf32, #tpu.memory_space<vmem>>
      %dma_start3A_55 = arith.constant 0 : i32
      %dma_start3A_56 = arith.constant 0 : i32
      %dma_start3A_57 = tpu.memref_slice %arg15[%dma_start3A_55, %dma_start3A_56] : memref<512x32xf32, #tpu.memory_space<vmem>> -> memref<500x32xf32, #tpu.memory_space<vmem>>
      tpu.enqueue_dma source(%arg6 : memref<500x32xf32, #tpu.memory_space<hbm>>) target(%dma_start3A_57 : memref<500x32xf32, #tpu.memory_space<vmem>>) target_semaphore(%run_scoped3A : memref<!tpu.dma_semaphore, #tpu.memory_space<semaphore_mem>>)
      %dma_wait3A = arith.constant 0 : i32
      %dma_wait3A_58 = arith.constant 0 : i32
      %dma_wait3A_59 = tpu.memref_slice %arg15[%dma_wait3A, %dma_wait3A_58] : memref<512x32xf32, #tpu.memory_space<vmem>> -> memref<500x32xf32, #tpu.memory_space<vmem>>
      %dma_wait3A_60 = arith.constant 0 : i32
      %dma_wait3A_61 = arith.constant 0 : i32
      %dma_wait3A_62 = tpu.memref_slice %arg15[%dma_wait3A_60, %dma_wait3A_61] : memref<512x32xf32, #tpu.memory_space<vmem>> -> memref<500x32xf32, #tpu.memory_space<vmem>>
      tpu.wait_dma2 semaphore(%run_scoped3A : memref<!tpu.dma_semaphore, #tpu.memory_space<semaphore_mem>>) src(%arg6 : memref<500x32xf32, #tpu.memory_space<hbm>>) dst(%dma_wait3A_62 : memref<500x32xf32, #tpu.memory_space<vmem>>)
      tpu.yield
    }) : () -> ()
    %get3A = arith.constant 0 : i32
    %get3A_1 = arith.index_cast %get3A : i32 to index
    %get3A_2 = arith.constant 0 : index
    %get3A_3 = tpu.vector_load %arg21[%get3A_1, %get3A_2] {strides = array<i32>} : memref<4x32xf32, #tpu.memory_space<vmem>>, vector<16xf32>,
    %get3A_4 = arith.constant 0 : i32
    %get3A_5 = arith.index_cast %get3A_4 : i32 to index
    %get3A_6 = arith.constant 16 : index
    %get3A_7 = tpu.vector_load %arg21[%get3A_5, %get3A_6] {strides = array<i32>} : memref<4x32xf32, #tpu.memory_space<vmem>>, vector<16xf32>,
    %get3A_8 = arith.constant 1 : i32
    %get3A_9 = arith.index_cast %get3A_8 : i32 to index
    %get3A_10 = arith.constant 0 : index
    %get3A_11 = tpu.vector_load %arg21[%get3A_9, %get3A_10] {strides = array<i32>} : memref<4x32xf32, #tpu.memory_space<vmem>>, vector<16xf32>,
    %get3A_12 = arith.constant 1 : i32
    %get3A_13 = arith.index_cast %get3A_12 : i32 to index
    %get3A_14 = arith.constant 16 : index
    %get3A_15 = tpu.vector_load %arg21[%get3A_13, %get3A_14] {strides = array<i32>} : memref<4x32xf32, #tpu.memory_space<vmem>>, vector<16xf32>,
    %get3A_16 = arith.constant 2 : i32
    %get3A_17 = arith.index_cast %get3A_16 : i32 to index
    %get3A_18 = arith.constant 0 : index
    %get3A_19 = tpu.vector_load %arg21[%get3A_17, %get3A_18] {strides = array<i32>} : memref<4x32xf32, #tpu.memory_space<vmem>>, vector<16xf32>,
    %get3A_20 = arith.constant 2 : i32
    %get3A_21 = arith.index_cast %get3A_20 : i32 to index
    %get3A_22 = arith.constant 16 : index
    %get3A_23 = tpu.vector_load %arg21[%get3A_21, %get3A_22] {strides = array<i32>} : memref<4x32xf32, #tpu.memory_space<vmem>>, vector<16xf32>,
    %get3A_24 = arith.constant 3 : i32
    %get3A_25 = arith.index_cast %get3A_24 : i32 to index
    %get3A_26 = arith.constant 0 : index
    %get3A_27 = tpu.vector_load %arg21[%get3A_25, %get3A_26] {strides = array<i32>} : memref<4x32xf32, #tpu.memory_space<vmem>>, vector<16xf32>,
    %get3A_28 = arith.constant 3 : i32
    %get3A_29 = arith.index_cast %get3A_28 : i32 to index
    %get3A_30 = arith.constant 16 : index
    %get3A_31 = tpu.vector_load %arg21[%get3A_29, %get3A_30] {strides = array<i32>} : memref<4x32xf32, #tpu.memory_space<vmem>>, vector<16xf32>,
    %scan3A = arith.constant 0 : i32
    %scan3A_32 = arith.constant 0 : i32
    %scan3A_33 = arith.constant 500 : i32
    %scan3A_34 = arith.addi %scan3A_32, %scan3A_33 : i32
    %scan3A_35 = arith.constant 1 : i32
    %scan3A_36 = scf.for %scan3A_53 = %scan3A_32 to %scan3A_34 step %scan3A_35 iter_args(%scan3A_54 = %scan3A) -> (i32)  : i32 {
      %get3A_55 = arith.index_cast %scan3A_53 : i32 to index
      %get3A_56 = arith.constant 0 : index
      %get3A_57 = tpu.vector_load %arg15[%get3A_55, %get3A_56] {strides = array<i32>} : memref<512x32xf32, #tpu.memory_space<vmem>>, vector<16xf32>,
      %get3A_58 = arith.index_cast %scan3A_53 : i32 to index
      %get3A_59 = arith.constant 16 : index
      %get3A_60 = tpu.vector_load %arg15[%get3A_58, %get3A_59] {strides = array<i32>} : memref<512x32xf32, #tpu.memory_space<vmem>>, vector<16xf32>,
      %mul3A_61 = arith.mulf %get3A_57, %get3A_11 : vector<16xf32>
      %add3A_62 = arith.addf %get3A_3, %mul3A_61 : vector<16xf32>
      %swap3A = arith.index_cast %scan3A_53 : i32 to index
      %swap3A_63 = arith.constant 0 : index
      %swap3A_64 = tpu.vector_load %arg12[%swap3A, %swap3A_63] {strides = array<i32>} : memref<500x32xf32, #tpu.memory_space<vmem>>, vector<16xf32>,
      tpu.vector_store %arg12[%swap3A, %swap3A_63], %add3A_62 {strides = array<i32>} : memref<500x32xf32, #tpu.memory_space<vmem>>, vector<16xf32>,
      %mul3A_65 = arith.mulf %get3A_60, %get3A_15 : vector<16xf32>
      %add3A_66 = arith.addf %get3A_7, %mul3A_65 : vector<16xf32>
      %swap3A_67 = arith.index_cast %scan3A_53 : i32 to index
      %swap3A_68 = arith.constant 16 : index
      %swap3A_69 = tpu.vector_load %arg12[%swap3A_67, %swap3A_68] {strides = array<i32>} : memref<500x32xf32, #tpu.memory_space<vmem>>, vector<16xf32>,
      tpu.vector_store %arg12[%swap3A_67, %swap3A_68], %add3A_66 {strides = array<i32>} : memref<500x32xf32, #tpu.memory_space<vmem>>, vector<16xf32>,
      %mul3A_70 = arith.mulf %get3A_57, %get3A_27 : vector<16xf32>
      %add3A_71 = arith.addf %get3A_19, %mul3A_70 : vector<16xf32>
      %swap3A_72 = arith.index_cast %scan3A_53 : i32 to index
      %swap3A_73 = arith.constant 0 : index
      %swap3A_74 = tpu.vector_load %arg13[%swap3A_72, %swap3A_73] {strides = array<i32>} : memref<500x32xf32, #tpu.memory_space<vmem>>, vector<16xf32>,
      tpu.vector_store %arg13[%swap3A_72, %swap3A_73], %add3A_71 {strides = array<i32>} : memref<500x32xf32, #tpu.memory_space<vmem>>, vector<16xf32>,
      %mul3A_75 = arith.mulf %get3A_60, %get3A_31 : vector<16xf32>
      %add3A_76 = arith.addf %get3A_23, %mul3A_75 : vector<16xf32>
      %swap3A_77 = arith.index_cast %scan3A_53 : i32 to index
      %swap3A_78 = arith.constant 16 : index
      %swap3A_79 = tpu.vector_load %arg13[%swap3A_77, %swap3A_78] {strides = array<i32>} : memref<500x32xf32, #tpu.memory_space<vmem>>, vector<16xf32>,
      tpu.vector_store %arg13[%swap3A_77, %swap3A_78], %add3A_76 {strides = array<i32>} : memref<500x32xf32, #tpu.memory_space<vmem>>, vector<16xf32>,
      %scan3A_80 = arith.constant 0 : i32
      scf.yield %scan3A_80 : i32
    }
    %scan3A_37 = arith.constant 500 : i32
    %broadcast_in_dim3A = arith.constant 0.000000e+00 : f32
    %broadcast_in_dim3A_38 = vector.broadcast %broadcast_in_dim3A : f32 to vector<16xf32>
    %scan3A_39 = arith.constant 0 : i32
    %scan3A_40 = arith.constant 0 : i32
    %scan3A_41 = arith.constant 3128 : i32
    %scan3A_42 = arith.addi %scan3A_40, %scan3A_41 : i32
    %scan3A_43 = arith.constant 1 : i32
    %scan3A_44 = scf.for %scan3A_53 = %scan3A_40 to %scan3A_42 step %scan3A_43 iter_args(%scan3A_54 = %scan3A_39) -> (i32)  : i32 {
      %mul3A_55 = arith.constant 16 : i32
      %mul3A_56 = arith.muli %scan3A_53, %mul3A_55 : i32
      %swap3A = arith.index_cast %mul3A_56 : i32 to index
      %swap3A_57 = tpu.vector_load %arg14[%swap3A] {strides = array<i32>} : memref<50048xf32, #tpu.memory_space<vmem>>, vector<16xf32>,
      tpu.vector_store %arg14[%swap3A], %broadcast_in_dim3A_38 {strides = array<i32>} : memref<50048xf32, #tpu.memory_space<vmem>>, vector<16xf32>,
      %scan3A_58 = arith.constant 0 : i32
      scf.yield %scan3A_58 : i32
    }
    %scan3A_45 = arith.constant 3128 : i32
    %iota3A = tpu.iota {dimensions = array<i32: 0>} : vector<16xi32>
    %scan3A_46 = arith.constant 0 : i32
    %scan3A_47 = arith.constant 0 : i32
    %scan3A_48 = arith.constant 49 : i32
    %scan3A_49 = arith.addi %scan3A_47, %scan3A_48 : i32
    %scan3A_50 = arith.constant 1 : i32
    %scan3A_51 = scf.for %scan3A_53 = %scan3A_47 to %scan3A_49 step %scan3A_50 iter_args(%scan3A_54 = %scan3A_46) -> (i32)  : i32 {
      %mul3A_55 = arith.constant 25088 : i32
      %mul3A_56 = arith.muli %add3A, %mul3A_55 : i32
      %mul3A_57 = arith.constant 512 : i32
      %mul3A_58 = arith.muli %scan3A_53, %mul3A_57 : i32
      %add3A_59 = arith.addi %mul3A_56, %mul3A_58 : i32
      "tpu.region"() ({
        %run_scoped3A = tpu.sem_alloc : memref<!tpu.dma_semaphore, #tpu.memory_space<semaphore_mem>>
        %dma_start3A_194 = tpu.memref_slice %arg3[%add3A_59] : memref<802816xi32, #tpu.memory_space<hbm>> -> memref<512xi32, #tpu.memory_space<hbm>>
        %dma_start3A_195 = tpu.memref_slice %arg3[%add3A_59] : memref<802816xi32, #tpu.memory_space<hbm>> -> memref<512xi32, #tpu.memory_space<hbm>>
        tpu.enqueue_dma source(%dma_start3A_195 : memref<512xi32, #tpu.memory_space<hbm>>) target(%arg17 : memref<512xi32, #tpu.memory_space<vmem>>) target_semaphore(%run_scoped3A : memref<!tpu.dma_semaphore, #tpu.memory_space<semaphore_mem>>)
        %dma_wait3A_196 = tpu.memref_slice %arg3[%add3A_59] : memref<802816xi32, #tpu.memory_space<hbm>> -> memref<512xi32, #tpu.memory_space<hbm>>
        %dma_wait3A_197 = tpu.memref_slice %arg3[%add3A_59] : memref<802816xi32, #tpu.memory_space<hbm>> -> memref<512xi32, #tpu.memory_space<hbm>>
        tpu.wait_dma2 semaphore(%run_scoped3A : memref<!tpu.dma_semaphore, #tpu.memory_space<semaphore_mem>>) src(%dma_wait3A_197 : memref<512xi32, #tpu.memory_space<hbm>>) dst(%arg17 : memref<512xi32, #tpu.memory_space<vmem>>)
        tpu.yield
      }) : () -> ()
      "tpu.region"() ({
        %run_scoped3A = tpu.sem_alloc : memref<!tpu.dma_semaphore, #tpu.memory_space<semaphore_mem>>
        %dma_start3A_194 = tpu.memref_slice %arg4[%add3A_59] : memref<802816xi32, #tpu.memory_space<hbm>> -> memref<512xi32, #tpu.memory_space<hbm>>
        %dma_start3A_195 = tpu.memref_slice %arg4[%add3A_59] : memref<802816xi32, #tpu.memory_space<hbm>> -> memref<512xi32, #tpu.memory_space<hbm>>
        tpu.enqueue_dma source(%dma_start3A_195 : memref<512xi32, #tpu.memory_space<hbm>>) target(%arg18 : memref<512xi32, #tpu.memory_space<vmem>>) target_semaphore(%run_scoped3A : memref<!tpu.dma_semaphore, #tpu.memory_space<semaphore_mem>>)
        %dma_wait3A_196 = tpu.memref_slice %arg4[%add3A_59] : memref<802816xi32, #tpu.memory_space<hbm>> -> memref<512xi32, #tpu.memory_space<hbm>>
        %dma_wait3A_197 = tpu.memref_slice %arg4[%add3A_59] : memref<802816xi32, #tpu.memory_space<hbm>> -> memref<512xi32, #tpu.memory_space<hbm>>
        tpu.wait_dma2 semaphore(%run_scoped3A : memref<!tpu.dma_semaphore, #tpu.memory_space<semaphore_mem>>) src(%dma_wait3A_197 : memref<512xi32, #tpu.memory_space<hbm>>) dst(%arg18 : memref<512xi32, #tpu.memory_space<vmem>>)
        tpu.yield
      }) : () -> ()
      "tpu.region"() ({
        %run_scoped3A = tpu.sem_alloc : memref<!tpu.dma_semaphore, #tpu.memory_space<semaphore_mem>>
        %dma_start3A_194 = tpu.memref_slice %arg5[%add3A_59] : memref<802816xi32, #tpu.memory_space<hbm>> -> memref<512xi32, #tpu.memory_space<hbm>>
        %dma_start3A_195 = tpu.memref_slice %arg5[%add3A_59] : memref<802816xi32, #tpu.memory_space<hbm>> -> memref<512xi32, #tpu.memory_space<hbm>>
        tpu.enqueue_dma source(%dma_start3A_195 : memref<512xi32, #tpu.memory_space<hbm>>) target(%arg19 : memref<512xi32, #tpu.memory_space<vmem>>) target_semaphore(%run_scoped3A : memref<!tpu.dma_semaphore, #tpu.memory_space<semaphore_mem>>)
        %dma_wait3A_196 = tpu.memref_slice %arg5[%add3A_59] : memref<802816xi32, #tpu.memory_space<hbm>> -> memref<512xi32, #tpu.memory_space<hbm>>
        %dma_wait3A_197 = tpu.memref_slice %arg5[%add3A_59] : memref<802816xi32, #tpu.memory_space<hbm>> -> memref<512xi32, #tpu.memory_space<hbm>>
        tpu.wait_dma2 semaphore(%run_scoped3A : memref<!tpu.dma_semaphore, #tpu.memory_space<semaphore_mem>>) src(%dma_wait3A_197 : memref<512xi32, #tpu.memory_space<hbm>>) dst(%arg19 : memref<512xi32, #tpu.memory_space<vmem>>)
        tpu.yield
      }) : () -> ()
      %dma_start3A = arith.constant 0 : i32
      %dma_start3A_60 = arith.constant 0 : i32
      %dma_start3A_61 = tpu.memref_slice %arg15[%dma_start3A, %dma_start3A_60] : memref<512x32xf32, #tpu.memory_space<vmem>> -> memref<128x32xf32, #tpu.memory_space<vmem>>
      %dma_start3A_62 = arith.constant 0 : i32
      %dma_start3A_63 = tpu.memref_slice %arg17[%dma_start3A_62] : memref<512xi32, #tpu.memory_space<vmem>> -> memref<128xi32, #tpu.memory_space<vmem>>
      %dma_start3A_64 = arith.constant 0 : i32
      %dma_start3A_65 = arith.constant 0 : i32
      %dma_start3A_66 = tpu.memref_slice %arg2[%dma_start3A_64, %dma_start3A_65] : memref<50048x32xf32, #tpu.memory_space<hbm>> -> memref<50048x32xf32, #tpu.memory_space<hbm>>
      tpu.enqueue_indirect_dma source(%dma_start3A_66 : memref<50048x32xf32, #tpu.memory_space<hbm>>) target(%dma_start3A_61 : memref<128x32xf32, #tpu.memory_space<vmem>>) offsets(%dma_start3A_63 : memref<128xi32, #tpu.memory_space<vmem>>) semaphore(%arg24 : memref<!tpu.dma_semaphore, #tpu.memory_space<semaphore_mem>>)
      %dma_start3A_67 = arith.constant 0 : i32
      %dma_start3A_68 = arith.constant 0 : i32
      %dma_start3A_69 = tpu.memref_slice %arg16[%dma_start3A_67, %dma_start3A_68] : memref<512x32xf32, #tpu.memory_space<vmem>> -> memref<128x32xf32, #tpu.memory_space<vmem>>
      %dma_start3A_70 = arith.constant 0 : i32
      %dma_start3A_71 = tpu.memref_slice %arg18[%dma_start3A_70] : memref<512xi32, #tpu.memory_space<vmem>> -> memref<128xi32, #tpu.memory_space<vmem>>
      %dma_start3A_72 = arith.constant 0 : i32
      %dma_start3A_73 = arith.constant 0 : i32
      %dma_start3A_74 = tpu.memref_slice %arg2[%dma_start3A_72, %dma_start3A_73] : memref<50048x32xf32, #tpu.memory_space<hbm>> -> memref<50048x32xf32, #tpu.memory_space<hbm>>
      tpu.enqueue_indirect_dma source(%dma_start3A_74 : memref<50048x32xf32, #tpu.memory_space<hbm>>) target(%dma_start3A_69 : memref<128x32xf32, #tpu.memory_space<vmem>>) offsets(%dma_start3A_71 : memref<128xi32, #tpu.memory_space<vmem>>) semaphore(%arg24 : memref<!tpu.dma_semaphore, #tpu.memory_space<semaphore_mem>>)
      %dma_start3A_75 = arith.constant 128 : i32
      %dma_start3A_76 = arith.constant 0 : i32
      %dma_start3A_77 = tpu.memref_slice %arg15[%dma_start3A_75, %dma_start3A_76] : memref<512x32xf32, #tpu.memory_space<vmem>> -> memref<128x32xf32, #tpu.memory_space<vmem>>
      %dma_start3A_78 = arith.constant 128 : i32
      %dma_start3A_79 = tpu.memref_slice %arg17[%dma_start3A_78] : memref<512xi32, #tpu.memory_space<vmem>> -> memref<128xi32, #tpu.memory_space<vmem>>
      %dma_start3A_80 = arith.constant 0 : i32
      %dma_start3A_81 = arith.constant 0 : i32
      %dma_start3A_82 = tpu.memref_slice %arg2[%dma_start3A_80, %dma_start3A_81] : memref<50048x32xf32, #tpu.memory_space<hbm>> -> memref<50048x32xf32, #tpu.memory_space<hbm>>
      tpu.enqueue_indirect_dma source(%dma_start3A_82 : memref<50048x32xf32, #tpu.memory_space<hbm>>) target(%dma_start3A_77 : memref<128x32xf32, #tpu.memory_space<vmem>>) offsets(%dma_start3A_79 : memref<128xi32, #tpu.memory_space<vmem>>) semaphore(%arg24 : memref<!tpu.dma_semaphore, #tpu.memory_space<semaphore_mem>>)
      %dma_start3A_83 = arith.constant 128 : i32
      %dma_start3A_84 = arith.constant 0 : i32
      %dma_start3A_85 = tpu.memref_slice %arg16[%dma_start3A_83, %dma_start3A_84] : memref<512x32xf32, #tpu.memory_space<vmem>> -> memref<128x32xf32, #tpu.memory_space<vmem>>
      %dma_start3A_86 = arith.constant 128 : i32
      %dma_start3A_87 = tpu.memref_slice %arg18[%dma_start3A_86] : memref<512xi32, #tpu.memory_space<vmem>> -> memref<128xi32, #tpu.memory_space<vmem>>
      %dma_start3A_88 = arith.constant 0 : i32
      %dma_start3A_89 = arith.constant 0 : i32
      %dma_start3A_90 = tpu.memref_slice %arg2[%dma_start3A_88, %dma_start3A_89] : memref<50048x32xf32, #tpu.memory_space<hbm>> -> memref<50048x32xf32, #tpu.memory_space<hbm>>
      tpu.enqueue_indirect_dma source(%dma_start3A_90 : memref<50048x32xf32, #tpu.memory_space<hbm>>) target(%dma_start3A_85 : memref<128x32xf32, #tpu.memory_space<vmem>>) offsets(%dma_start3A_87 : memref<128xi32, #tpu.memory_space<vmem>>) semaphore(%arg24 : memref<!tpu.dma_semaphore, #tpu.memory_space<semaphore_mem>>)
      %dma_start3A_91 = arith.constant 256 : i32
      %dma_start3A_92 = arith.constant 0 : i32
      %dma_start3A_93 = tpu.memref_slice %arg15[%dma_start3A_91, %dma_start3A_92] : memref<512x32xf32, #tpu.memory_space<vmem>> -> memref<128x32xf32, #tpu.memory_space<vmem>>
      %dma_start3A_94 = arith.constant 256 : i32
      %dma_start3A_95 = tpu.memref_slice %arg17[%dma_start3A_94] : memref<512xi32, #tpu.memory_space<vmem>> -> memref<128xi32, #tpu.memory_space<vmem>>
      %dma_start3A_96 = arith.constant 0 : i32
      %dma_start3A_97 = arith.constant 0 : i32
      %dma_start3A_98 = tpu.memref_slice %arg2[%dma_start3A_96, %dma_start3A_97] : memref<50048x32xf32, #tpu.memory_space<hbm>> -> memref<50048x32xf32, #tpu.memory_space<hbm>>
      tpu.enqueue_indirect_dma source(%dma_start3A_98 : memref<50048x32xf32, #tpu.memory_space<hbm>>) target(%dma_start3A_93 : memref<128x32xf32, #tpu.memory_space<vmem>>) offsets(%dma_start3A_95 : memref<128xi32, #tpu.memory_space<vmem>>) semaphore(%arg24 : memref<!tpu.dma_semaphore, #tpu.memory_space<semaphore_mem>>)
      %dma_start3A_99 = arith.constant 256 : i32
      %dma_start3A_100 = arith.constant 0 : i32
      %dma_start3A_101 = tpu.memref_slice %arg16[%dma_start3A_99, %dma_start3A_100] : memref<512x32xf32, #tpu.memory_space<vmem>> -> memref<128x32xf32, #tpu.memory_space<vmem>>
      %dma_start3A_102 = arith.constant 256 : i32
      %dma_start3A_103 = tpu.memref_slice %arg18[%dma_start3A_102] : memref<512xi32, #tpu.memory_space<vmem>> -> memref<128xi32, #tpu.memory_space<vmem>>
      %dma_start3A_104 = arith.constant 0 : i32
      %dma_start3A_105 = arith.constant 0 : i32
      %dma_start3A_106 = tpu.memref_slice %arg2[%dma_start3A_104, %dma_start3A_105] : memref<50048x32xf32, #tpu.memory_space<hbm>> -> memref<50048x32xf32, #tpu.memory_space<hbm>>
      tpu.enqueue_indirect_dma source(%dma_start3A_106 : memref<50048x32xf32, #tpu.memory_space<hbm>>) target(%dma_start3A_101 : memref<128x32xf32, #tpu.memory_space<vmem>>) offsets(%dma_start3A_103 : memref<128xi32, #tpu.memory_space<vmem>>) semaphore(%arg24 : memref<!tpu.dma_semaphore, #tpu.memory_space<semaphore_mem>>)
      %dma_start3A_107 = arith.constant 384 : i32
      %dma_start3A_108 = arith.constant 0 : i32
      %dma_start3A_109 = tpu.memref_slice %arg15[%dma_start3A_107, %dma_start3A_108] : memref<512x32xf32, #tpu.memory_space<vmem>> -> memref<128x32xf32, #tpu.memory_space<vmem>>
      %dma_start3A_110 = arith.constant 384 : i32
      %dma_start3A_111 = tpu.memref_slice %arg17[%dma_start3A_110] : memref<512xi32, #tpu.memory_space<vmem>> -> memref<128xi32, #tpu.memory_space<vmem>>
      %dma_start3A_112 = arith.constant 0 : i32
      %dma_start3A_113 = arith.constant 0 : i32
      %dma_start3A_114 = tpu.memref_slice %arg2[%dma_start3A_112, %dma_start3A_113] : memref<50048x32xf32, #tpu.memory_space<hbm>> -> memref<50048x32xf32, #tpu.memory_space<hbm>>
      tpu.enqueue_indirect_dma source(%dma_start3A_114 : memref<50048x32xf32, #tpu.memory_space<hbm>>) target(%dma_start3A_109 : memref<128x32xf32, #tpu.memory_space<vmem>>) offsets(%dma_start3A_111 : memref<128xi32, #tpu.memory_space<vmem>>) semaphore(%arg24 : memref<!tpu.dma_semaphore, #tpu.memory_space<semaphore_mem>>)
      %dma_start3A_115 = arith.constant 384 : i32
      %dma_start3A_116 = arith.constant 0 : i32
      %dma_start3A_117 = tpu.memref_slice %arg16[%dma_start3A_115, %dma_start3A_116] : memref<512x32xf32, #tpu.memory_space<vmem>> -> memref<128x32xf32, #tpu.memory_space<vmem>>
      %dma_start3A_118 = arith.constant 384 : i32
      %dma_start3A_119 = tpu.memref_slice %arg18[%dma_start3A_118] : memref<512xi32, #tpu.memory_space<vmem>> -> memref<128xi32, #tpu.memory_space<vmem>>
      %dma_start3A_120 = arith.constant 0 : i32
      %dma_start3A_121 = arith.constant 0 : i32
      %dma_start3A_122 = tpu.memref_slice %arg2[%dma_start3A_120, %dma_start3A_121] : memref<50048x32xf32, #tpu.memory_space<hbm>> -> memref<50048x32xf32, #tpu.memory_space<hbm>>
      tpu.enqueue_indirect_dma source(%dma_start3A_122 : memref<50048x32xf32, #tpu.memory_space<hbm>>) target(%dma_start3A_117 : memref<128x32xf32, #tpu.memory_space<vmem>>) offsets(%dma_start3A_119 : memref<128xi32, #tpu.memory_space<vmem>>) semaphore(%arg24 : memref<!tpu.dma_semaphore, #tpu.memory_space<semaphore_mem>>)
      %dma_wait3A = arith.constant 0 : i32
      %dma_wait3A_123 = arith.constant 0 : i32
      %dma_wait3A_124 = tpu.memref_slice %arg15[%dma_wait3A, %dma_wait3A_123] : memref<512x32xf32, #tpu.memory_space<vmem>> -> memref<128x32xf32, #tpu.memory_space<vmem>>
      %dma_wait3A_125 = arith.constant 0 : i32
      %dma_wait3A_126 = tpu.memref_slice %arg17[%dma_wait3A_125] : memref<512xi32, #tpu.memory_space<vmem>> -> memref<128xi32, #tpu.memory_space<vmem>>
      %dma_wait3A_127 = arith.constant 0 : i32
      %dma_wait3A_128 = arith.constant 0 : i32
      %dma_wait3A_129 = tpu.memref_slice %arg2[%dma_wait3A_127, %dma_wait3A_128] : memref<50048x32xf32, #tpu.memory_space<hbm>> -> memref<50048x32xf32, #tpu.memory_space<hbm>>
      tpu.wait_indirect_dma semaphore(%arg24 : memref<!tpu.dma_semaphore, #tpu.memory_space<semaphore_mem>>) src(%dma_wait3A_129 : memref<50048x32xf32, #tpu.memory_space<hbm>>) dst(%dma_wait3A_124 : memref<128x32xf32, #tpu.memory_space<vmem>>)
      %dma_wait3A_130 = arith.constant 0 : i32
      %dma_wait3A_131 = arith.constant 0 : i32
      %dma_wait3A_132 = tpu.memref_slice %arg16[%dma_wait3A_130, %dma_wait3A_131] : memref<512x32xf32, #tpu.memory_space<vmem>> -> memref<128x32xf32, #tpu.memory_space<vmem>>
      %dma_wait3A_133 = arith.constant 0 : i32
      %dma_wait3A_134 = tpu.memref_slice %arg18[%dma_wait3A_133] : memref<512xi32, #tpu.memory_space<vmem>> -> memref<128xi32, #tpu.memory_space<vmem>>
      %dma_wait3A_135 = arith.constant 0 : i32
      %dma_wait3A_136 = arith.constant 0 : i32
      %dma_wait3A_137 = tpu.memref_slice %arg2[%dma_wait3A_135, %dma_wait3A_136] : memref<50048x32xf32, #tpu.memory_space<hbm>> -> memref<50048x32xf32, #tpu.memory_space<hbm>>
      tpu.wait_indirect_dma semaphore(%arg24 : memref<!tpu.dma_semaphore, #tpu.memory_space<semaphore_mem>>) src(%dma_wait3A_137 : memref<50048x32xf32, #tpu.memory_space<hbm>>) dst(%dma_wait3A_132 : memref<128x32xf32, #tpu.memory_space<vmem>>)
      %dma_wait3A_138 = arith.constant 128 : i32
      %dma_wait3A_139 = arith.constant 0 : i32
      %dma_wait3A_140 = tpu.memref_slice %arg15[%dma_wait3A_138, %dma_wait3A_139] : memref<512x32xf32, #tpu.memory_space<vmem>> -> memref<128x32xf32, #tpu.memory_space<vmem>>
      %dma_wait3A_141 = arith.constant 128 : i32
      %dma_wait3A_142 = tpu.memref_slice %arg17[%dma_wait3A_141] : memref<512xi32, #tpu.memory_space<vmem>> -> memref<128xi32, #tpu.memory_space<vmem>>
      %dma_wait3A_143 = arith.constant 0 : i32
      %dma_wait3A_144 = arith.constant 0 : i32
      %dma_wait3A_145 = tpu.memref_slice %arg2[%dma_wait3A_143, %dma_wait3A_144] : memref<50048x32xf32, #tpu.memory_space<hbm>> -> memref<50048x32xf32, #tpu.memory_space<hbm>>
      tpu.wait_indirect_dma semaphore(%arg24 : memref<!tpu.dma_semaphore, #tpu.memory_space<semaphore_mem>>) src(%dma_wait3A_145 : memref<50048x32xf32, #tpu.memory_space<hbm>>) dst(%dma_wait3A_140 : memref<128x32xf32, #tpu.memory_space<vmem>>)
      %dma_wait3A_146 = arith.constant 128 : i32
      %dma_wait3A_147 = arith.constant 0 : i32
      %dma_wait3A_148 = tpu.memref_slice %arg16[%dma_wait3A_146, %dma_wait3A_147] : memref<512x32xf32, #tpu.memory_space<vmem>> -> memref<128x32xf32, #tpu.memory_space<vmem>>
      %dma_wait3A_149 = arith.constant 128 : i32
      %dma_wait3A_150 = tpu.memref_slice %arg18[%dma_wait3A_149] : memref<512xi32, #tpu.memory_space<vmem>> -> memref<128xi32, #tpu.memory_space<vmem>>
      %dma_wait3A_151 = arith.constant 0 : i32
      %dma_wait3A_152 = arith.constant 0 : i32
      %dma_wait3A_153 = tpu.memref_slice %arg2[%dma_wait3A_151, %dma_wait3A_152] : memref<50048x32xf32, #tpu.memory_space<hbm>> -> memref<50048x32xf32, #tpu.memory_space<hbm>>
      tpu.wait_indirect_dma semaphore(%arg24 : memref<!tpu.dma_semaphore, #tpu.memory_space<semaphore_mem>>) src(%dma_wait3A_153 : memref<50048x32xf32, #tpu.memory_space<hbm>>) dst(%dma_wait3A_148 : memref<128x32xf32, #tpu.memory_space<vmem>>)
      %dma_wait3A_154 = arith.constant 256 : i32
      %dma_wait3A_155 = arith.constant 0 : i32
      %dma_wait3A_156 = tpu.memref_slice %arg15[%dma_wait3A_154, %dma_wait3A_155] : memref<512x32xf32, #tpu.memory_space<vmem>> -> memref<128x32xf32, #tpu.memory_space<vmem>>
      %dma_wait3A_157 = arith.constant 256 : i32
      %dma_wait3A_158 = tpu.memref_slice %arg17[%dma_wait3A_157] : memref<512xi32, #tpu.memory_space<vmem>> -> memref<128xi32, #tpu.memory_space<vmem>>
      %dma_wait3A_159 = arith.constant 0 : i32
      %dma_wait3A_160 = arith.constant 0 : i32
      %dma_wait3A_161 = tpu.memref_slice %arg2[%dma_wait3A_159, %dma_wait3A_160] : memref<50048x32xf32, #tpu.memory_space<hbm>> -> memref<50048x32xf32, #tpu.memory_space<hbm>>
      tpu.wait_indirect_dma semaphore(%arg24 : memref<!tpu.dma_semaphore, #tpu.memory_space<semaphore_mem>>) src(%dma_wait3A_161 : memref<50048x32xf32, #tpu.memory_space<hbm>>) dst(%dma_wait3A_156 : memref<128x32xf32, #tpu.memory_space<vmem>>)
      %dma_wait3A_162 = arith.constant 256 : i32
      %dma_wait3A_163 = arith.constant 0 : i32
      %dma_wait3A_164 = tpu.memref_slice %arg16[%dma_wait3A_162, %dma_wait3A_163] : memref<512x32xf32, #tpu.memory_space<vmem>> -> memref<128x32xf32, #tpu.memory_space<vmem>>
      %dma_wait3A_165 = arith.constant 256 : i32
      %dma_wait3A_166 = tpu.memref_slice %arg18[%dma_wait3A_165] : memref<512xi32, #tpu.memory_space<vmem>> -> memref<128xi32, #tpu.memory_space<vmem>>
      %dma_wait3A_167 = arith.constant 0 : i32
      %dma_wait3A_168 = arith.constant 0 : i32
      %dma_wait3A_169 = tpu.memref_slice %arg2[%dma_wait3A_167, %dma_wait3A_168] : memref<50048x32xf32, #tpu.memory_space<hbm>> -> memref<50048x32xf32, #tpu.memory_space<hbm>>
      tpu.wait_indirect_dma semaphore(%arg24 : memref<!tpu.dma_semaphore, #tpu.memory_space<semaphore_mem>>) src(%dma_wait3A_169 : memref<50048x32xf32, #tpu.memory_space<hbm>>) dst(%dma_wait3A_164 : memref<128x32xf32, #tpu.memory_space<vmem>>)
      %dma_wait3A_170 = arith.constant 384 : i32
      %dma_wait3A_171 = arith.constant 0 : i32
      %dma_wait3A_172 = tpu.memref_slice %arg15[%dma_wait3A_170, %dma_wait3A_171] : memref<512x32xf32, #tpu.memory_space<vmem>> -> memref<128x32xf32, #tpu.memory_space<vmem>>
      %dma_wait3A_173 = arith.constant 384 : i32
      %dma_wait3A_174 = tpu.memref_slice %arg17[%dma_wait3A_173] : memref<512xi32, #tpu.memory_space<vmem>> -> memref<128xi32, #tpu.memory_space<vmem>>
      %dma_wait3A_175 = arith.constant 0 : i32
      %dma_wait3A_176 = arith.constant 0 : i32
      %dma_wait3A_177 = tpu.memref_slice %arg2[%dma_wait3A_175, %dma_wait3A_176] : memref<50048x32xf32, #tpu.memory_space<hbm>> -> memref<50048x32xf32, #tpu.memory_space<hbm>>
      tpu.wait_indirect_dma semaphore(%arg24 : memref<!tpu.dma_semaphore, #tpu.memory_space<semaphore_mem>>) src(%dma_wait3A_177 : memref<50048x32xf32, #tpu.memory_space<hbm>>) dst(%dma_wait3A_172 : memref<128x32xf32, #tpu.memory_space<vmem>>)
      %dma_wait3A_178 = arith.constant 384 : i32
      %dma_wait3A_179 = arith.constant 0 : i32
      %dma_wait3A_180 = tpu.memref_slice %arg16[%dma_wait3A_178, %dma_wait3A_179] : memref<512x32xf32, #tpu.memory_space<vmem>> -> memref<128x32xf32, #tpu.memory_space<vmem>>
      %dma_wait3A_181 = arith.constant 384 : i32
      %dma_wait3A_182 = tpu.memref_slice %arg18[%dma_wait3A_181] : memref<512xi32, #tpu.memory_space<vmem>> -> memref<128xi32, #tpu.memory_space<vmem>>
      %dma_wait3A_183 = arith.constant 0 : i32
      %dma_wait3A_184 = arith.constant 0 : i32
      %dma_wait3A_185 = tpu.memref_slice %arg2[%dma_wait3A_183, %dma_wait3A_184] : memref<50048x32xf32, #tpu.memory_space<hbm>> -> memref<50048x32xf32, #tpu.memory_space<hbm>>
      tpu.wait_indirect_dma semaphore(%arg24 : memref<!tpu.dma_semaphore, #tpu.memory_space<semaphore_mem>>) src(%dma_wait3A_185 : memref<50048x32xf32, #tpu.memory_space<hbm>>) dst(%dma_wait3A_180 : memref<128x32xf32, #tpu.memory_space<vmem>>)
      %scan3A_186 = arith.constant 0 : i32
      %scan3A_187 = arith.constant 0 : i32
      %scan3A_188 = arith.constant 32 : i32
      %scan3A_189 = arith.addi %scan3A_187, %scan3A_188 : i32
      %scan3A_190 = arith.constant 1 : i32
      %scan3A_191 = scf.for %scan3A_194 = %scan3A_187 to %scan3A_189 step %scan3A_190 iter_args(%scan3A_195 = %scan3A_186) -> (i32)  : i32 {
        %mul3A_196 = arith.constant 16 : i32
        %mul3A_197 = arith.muli %scan3A_194, %mul3A_196 : i32
        %get3A_198 = arith.index_cast %mul3A_197 : i32 to index
        %get3A_199 = tpu.vector_load %arg17[%get3A_198] {strides = array<i32>} : memref<512xi32, #tpu.memory_space<vmem>>, vector<16xi32>,
        %get3A_200 = arith.index_cast %mul3A_197 : i32 to index
        %get3A_201 = tpu.vector_load %arg19[%get3A_200] {strides = array<i32>} : memref<512xi32, #tpu.memory_space<vmem>>, vector<16xi32>,
        %add3A_202 = vector.broadcast %mul3A_197 : i32 to vector<16xi32>
        %add3A_203 = arith.addi %add3A_202, %iota3A : vector<16xi32>
        %broadcast_in_dim3A_204 = arith.constant 0.000000e+00 : f32
        %broadcast_in_dim3A_205 = vector.broadcast %broadcast_in_dim3A_204 : f32 to vector<16xf32>
        %add3A_206 = arith.constant 0 : i32
        %add3A_207 = vector.broadcast %add3A_206 : i32 to vector<16xi32>
        %add3A_208 = arith.addi %iota3A, %add3A_207 : vector<16xi32>
        %and3A = arith.constant 31 : i32
        %and3A_209 = vector.broadcast %and3A : i32 to vector<16xi32>
        %and3A_210 = arith.andi %add3A_208, %and3A_209 : vector<16xi32>
        %gather3A = tpu.vector_load_idx %arg15[%add3A_203, %and3A_210] : memref<512x32xf32, #tpu.memory_space<vmem>>[vector<16xi32>, vector<16xi32>], vector<16xf32>,
        %gather3A_211 = tpu.vector_load_idx %arg16[%add3A_203, %and3A_210] : memref<512x32xf32, #tpu.memory_space<vmem>>[vector<16xi32>, vector<16xi32>], vector<16xf32>,
        %gather3A_212 = tpu.vector_load_idx %arg12[%get3A_201, %and3A_210] : memref<500x32xf32, #tpu.memory_space<vmem>>[vector<16xi32>, vector<16xi32>], vector<16xf32>,
        %gather3A_213 = tpu.vector_load_idx %arg13[%get3A_201, %and3A_210] : memref<500x32xf32, #tpu.memory_space<vmem>>[vector<16xi32>, vector<16xi32>], vector<16xf32>,
        %gather3A_214 = tpu.vector_load_idx %arg22[%and3A_210] : memref<32xf32, #tpu.memory_space<vmem>>[vector<16xi32>], vector<16xf32>,
        %gather3A_215 = tpu.vector_load_idx %arg23[%and3A_210] : memref<32xf32, #tpu.memory_space<vmem>>[vector<16xi32>], vector<16xf32>,
        %mul3A_216 = arith.mulf %gather3A, %gather3A_212 : vector<16xf32>
        %mul3A_217 = arith.mulf %gather3A_211, %gather3A_213 : vector<16xf32>
        %add3A_218 = arith.addf %mul3A_216, %mul3A_217 : vector<16xf32>
        %add3A_219 = arith.addf %add3A_218, %gather3A_214 : vector<16xf32>
        %max3A = arith.constant 0.000000e+00 : f32
        %max3A_220 = vector.broadcast %max3A : f32 to vector<16xf32>
        %max3A_221 = arith.maximumf %add3A_219, %max3A_220 : vector<16xf32>
        %mul3A_222 = arith.mulf %max3A_221, %gather3A_215 : vector<16xf32>
        %add3A_223 = arith.addf %broadcast_in_dim3A_205, %mul3A_222 : vector<16xf32>
        %add3A_224 = arith.constant 1 : i32
        %add3A_225 = vector.broadcast %add3A_224 : i32 to vector<16xi32>
        %add3A_226 = arith.addi %iota3A, %add3A_225 : vector<16xi32>
        %and3A_227 = arith.constant 31 : i32
        %and3A_228 = vector.broadcast %and3A_227 : i32 to vector<16xi32>
        %and3A_229 = arith.andi %add3A_226, %and3A_228 : vector<16xi32>
        %gather3A_230 = tpu.vector_load_idx %arg15[%add3A_203, %and3A_229] : memref<512x32xf32, #tpu.memory_space<vmem>>[vector<16xi32>, vector<16xi32>], vector<16xf32>,
        %gather3A_231 = tpu.vector_load_idx %arg16[%add3A_203, %and3A_229] : memref<512x32xf32, #tpu.memory_space<vmem>>[vector<16xi32>, vector<16xi32>], vector<16xf32>,
        %gather3A_232 = tpu.vector_load_idx %arg12[%get3A_201, %and3A_229] : memref<500x32xf32, #tpu.memory_space<vmem>>[vector<16xi32>, vector<16xi32>], vector<16xf32>,
        %gather3A_233 = tpu.vector_load_idx %arg13[%get3A_201, %and3A_229] : memref<500x32xf32, #tpu.memory_space<vmem>>[vector<16xi32>, vector<16xi32>], vector<16xf32>,
        %gather3A_234 = tpu.vector_load_idx %arg22[%and3A_229] : memref<32xf32, #tpu.memory_space<vmem>>[vector<16xi32>], vector<16xf32>,
        %gather3A_235 = tpu.vector_load_idx %arg23[%and3A_229] : memref<32xf32, #tpu.memory_space<vmem>>[vector<16xi32>], vector<16xf32>,
        %mul3A_236 = arith.mulf %gather3A_230, %gather3A_232 : vector<16xf32>
        %mul3A_237 = arith.mulf %gather3A_231, %gather3A_233 : vector<16xf32>
        %add3A_238 = arith.addf %mul3A_236, %mul3A_237 : vector<16xf32>
        %add3A_239 = arith.addf %add3A_238, %gather3A_234 : vector<16xf32>
        %max3A_240 = arith.constant 0.000000e+00 : f32
        %max3A_241 = vector.broadcast %max3A_240 : f32 to vector<16xf32>
        %max3A_242 = arith.maximumf %add3A_239, %max3A_241 : vector<16xf32>
        %mul3A_243 = arith.mulf %max3A_242, %gather3A_235 : vector<16xf32>
        %add3A_244 = arith.addf %add3A_223, %mul3A_243 : vector<16xf32>
        %add3A_245 = arith.constant 2 : i32
        %add3A_246 = vector.broadcast %add3A_245 : i32 to vector<16xi32>
        %add3A_247 = arith.addi %iota3A, %add3A_246 : vector<16xi32>
        %and3A_248 = arith.constant 31 : i32
        %and3A_249 = vector.broadcast %and3A_248 : i32 to vector<16xi32>
        %and3A_250 = arith.andi %add3A_247, %and3A_249 : vector<16xi32>
        %gather3A_251 = tpu.vector_load_idx %arg15[%add3A_203, %and3A_250] : memref<512x32xf32, #tpu.memory_space<vmem>>[vector<16xi32>, vector<16xi32>], vector<16xf32>,
        %gather3A_252 = tpu.vector_load_idx %arg16[%add3A_203, %and3A_250] : memref<512x32xf32, #tpu.memory_space<vmem>>[vector<16xi32>, vector<16xi32>], vector<16xf32>,
        %gather3A_253 = tpu.vector_load_idx %arg12[%get3A_201, %and3A_250] : memref<500x32xf32, #tpu.memory_space<vmem>>[vector<16xi32>, vector<16xi32>], vector<16xf32>,
        %gather3A_254 = tpu.vector_load_idx %arg13[%get3A_201, %and3A_250] : memref<500x32xf32, #tpu.memory_space<vmem>>[vector<16xi32>, vector<16xi32>], vector<16xf32>,
        %gather3A_255 = tpu.vector_load_idx %arg22[%and3A_250] : memref<32xf32, #tpu.memory_space<vmem>>[vector<16xi32>], vector<16xf32>,
        %gather3A_256 = tpu.vector_load_idx %arg23[%and3A_250] : memref<32xf32, #tpu.memory_space<vmem>>[vector<16xi32>], vector<16xf32>,
        %mul3A_257 = arith.mulf %gather3A_251, %gather3A_253 : vector<16xf32>
        %mul3A_258 = arith.mulf %gather3A_252, %gather3A_254 : vector<16xf32>
        %add3A_259 = arith.addf %mul3A_257, %mul3A_258 : vector<16xf32>
        %add3A_260 = arith.addf %add3A_259, %gather3A_255 : vector<16xf32>
        %max3A_261 = arith.constant 0.000000e+00 : f32
        %max3A_262 = vector.broadcast %max3A_261 : f32 to vector<16xf32>
        %max3A_263 = arith.maximumf %add3A_260, %max3A_262 : vector<16xf32>
        %mul3A_264 = arith.mulf %max3A_263, %gather3A_256 : vector<16xf32>
        %add3A_265 = arith.addf %add3A_244, %mul3A_264 : vector<16xf32>
        %add3A_266 = arith.constant 3 : i32
        %add3A_267 = vector.broadcast %add3A_266 : i32 to vector<16xi32>
        %add3A_268 = arith.addi %iota3A, %add3A_267 : vector<16xi32>
        %and3A_269 = arith.constant 31 : i32
        %and3A_270 = vector.broadcast %and3A_269 : i32 to vector<16xi32>
        %and3A_271 = arith.andi %add3A_268, %and3A_270 : vector<16xi32>
        %gather3A_272 = tpu.vector_load_idx %arg15[%add3A_203, %and3A_271] : memref<512x32xf32, #tpu.memory_space<vmem>>[vector<16xi32>, vector<16xi32>], vector<16xf32>,
        %gather3A_273 = tpu.vector_load_idx %arg16[%add3A_203, %and3A_271] : memref<512x32xf32, #tpu.memory_space<vmem>>[vector<16xi32>, vector<16xi32>], vector<16xf32>,
        %gather3A_274 = tpu.vector_load_idx %arg12[%get3A_201, %and3A_271] : memref<500x32xf32, #tpu.memory_space<vmem>>[vector<16xi32>, vector<16xi32>], vector<16xf32>,
        %gather3A_275 = tpu.vector_load_idx %arg13[%get3A_201, %and3A_271] : memref<500x32xf32, #tpu.memory_space<vmem>>[vector<16xi32>, vector<16xi32>], vector<16xf32>,
        %gather3A_276 = tpu.vector_load_idx %arg22[%and3A_271] : memref<32xf32, #tpu.memory_space<vmem>>[vector<16xi32>], vector<16xf32>,
        %gather3A_277 = tpu.vector_load_idx %arg23[%and3A_271] : memref<32xf32, #tpu.memory_space<vmem>>[vector<16xi32>], vector<16xf32>,
        %mul3A_278 = arith.mulf %gather3A_272, %gather3A_274 : vector<16xf32>
        %mul3A_279 = arith.mulf %gather3A_273, %gather3A_275 : vector<16xf32>
        %add3A_280 = arith.addf %mul3A_278, %mul3A_279 : vector<16xf32>
        %add3A_281 = arith.addf %add3A_280, %gather3A_276 : vector<16xf32>
        %max3A_282 = arith.constant 0.000000e+00 : f32
        %max3A_283 = vector.broadcast %max3A_282 : f32 to vector<16xf32>
        %max3A_284 = arith.maximumf %add3A_281, %max3A_283 : vector<16xf32>
        %mul3A_285 = arith.mulf %max3A_284, %gather3A_277 : vector<16xf32>
        %add3A_286 = arith.addf %add3A_265, %mul3A_285 : vector<16xf32>
        %add3A_287 = arith.constant 4 : i32
        %add3A_288 = vector.broadcast %add3A_287 : i32 to vector<16xi32>
        %add3A_289 = arith.addi %iota3A, %add3A_288 : vector<16xi32>
        %and3A_290 = arith.constant 31 : i32
        %and3A_291 = vector.broadcast %and3A_290 : i32 to vector<16xi32>
        %and3A_292 = arith.andi %add3A_289, %and3A_291 : vector<16xi32>
        %gather3A_293 = tpu.vector_load_idx %arg15[%add3A_203, %and3A_292] : memref<512x32xf32, #tpu.memory_space<vmem>>[vector<16xi32>, vector<16xi32>], vector<16xf32>,
        %gather3A_294 = tpu.vector_load_idx %arg16[%add3A_203, %and3A_292] : memref<512x32xf32, #tpu.memory_space<vmem>>[vector<16xi32>, vector<16xi32>], vector<16xf32>,
        %gather3A_295 = tpu.vector_load_idx %arg12[%get3A_201, %and3A_292] : memref<500x32xf32, #tpu.memory_space<vmem>>[vector<16xi32>, vector<16xi32>], vector<16xf32>,
        %gather3A_296 = tpu.vector_load_idx %arg13[%get3A_201, %and3A_292] : memref<500x32xf32, #tpu.memory_space<vmem>>[vector<16xi32>, vector<16xi32>], vector<16xf32>,
        %gather3A_297 = tpu.vector_load_idx %arg22[%and3A_292] : memref<32xf32, #tpu.memory_space<vmem>>[vector<16xi32>], vector<16xf32>,
        %gather3A_298 = tpu.vector_load_idx %arg23[%and3A_292] : memref<32xf32, #tpu.memory_space<vmem>>[vector<16xi32>], vector<16xf32>,
        %mul3A_299 = arith.mulf %gather3A_293, %gather3A_295 : vector<16xf32>
        %mul3A_300 = arith.mulf %gather3A_294, %gather3A_296 : vector<16xf32>
        %add3A_301 = arith.addf %mul3A_299, %mul3A_300 : vector<16xf32>
        %add3A_302 = arith.addf %add3A_301, %gather3A_297 : vector<16xf32>
        %max3A_303 = arith.constant 0.000000e+00 : f32
        %max3A_304 = vector.broadcast %max3A_303 : f32 to vector<16xf32>
        %max3A_305 = arith.maximumf %add3A_302, %max3A_304 : vector<16xf32>
        %mul3A_306 = arith.mulf %max3A_305, %gather3A_298 : vector<16xf32>
        %add3A_307 = arith.addf %add3A_286, %mul3A_306 : vector<16xf32>
        %add3A_308 = arith.constant 5 : i32
        %add3A_309 = vector.broadcast %add3A_308 : i32 to vector<16xi32>
        %add3A_310 = arith.addi %iota3A, %add3A_309 : vector<16xi32>
        %and3A_311 = arith.constant 31 : i32
        %and3A_312 = vector.broadcast %and3A_311 : i32 to vector<16xi32>
        %and3A_313 = arith.andi %add3A_310, %and3A_312 : vector<16xi32>
        %gather3A_314 = tpu.vector_load_idx %arg15[%add3A_203, %and3A_313] : memref<512x32xf32, #tpu.memory_space<vmem>>[vector<16xi32>, vector<16xi32>], vector<16xf32>,
        %gather3A_315 = tpu.vector_load_idx %arg16[%add3A_203, %and3A_313] : memref<512x32xf32, #tpu.memory_space<vmem>>[vector<16xi32>, vector<16xi32>], vector<16xf32>,
        %gather3A_316 = tpu.vector_load_idx %arg12[%get3A_201, %and3A_313] : memref<500x32xf32, #tpu.memory_space<vmem>>[vector<16xi32>, vector<16xi32>], vector<16xf32>,
        %gather3A_317 = tpu.vector_load_idx %arg13[%get3A_201, %and3A_313] : memref<500x32xf32, #tpu.memory_space<vmem>>[vector<16xi32>, vector<16xi32>], vector<16xf32>,
        %gather3A_318 = tpu.vector_load_idx %arg22[%and3A_313] : memref<32xf32, #tpu.memory_space<vmem>>[vector<16xi32>], vector<16xf32>,
        %gather3A_319 = tpu.vector_load_idx %arg23[%and3A_313] : memref<32xf32, #tpu.memory_space<vmem>>[vector<16xi32>], vector<16xf32>,
        %mul3A_320 = arith.mulf %gather3A_314, %gather3A_316 : vector<16xf32>
        %mul3A_321 = arith.mulf %gather3A_315, %gather3A_317 : vector<16xf32>
        %add3A_322 = arith.addf %mul3A_320, %mul3A_321 : vector<16xf32>
        %add3A_323 = arith.addf %add3A_322, %gather3A_318 : vector<16xf32>
        %max3A_324 = arith.constant 0.000000e+00 : f32
        %max3A_325 = vector.broadcast %max3A_324 : f32 to vector<16xf32>
        %max3A_326 = arith.maximumf %add3A_323, %max3A_325 : vector<16xf32>
        %mul3A_327 = arith.mulf %max3A_326, %gather3A_319 : vector<16xf32>
        %add3A_328 = arith.addf %add3A_307, %mul3A_327 : vector<16xf32>
        %add3A_329 = arith.constant 6 : i32
        %add3A_330 = vector.broadcast %add3A_329 : i32 to vector<16xi32>
        %add3A_331 = arith.addi %iota3A, %add3A_330 : vector<16xi32>
        %and3A_332 = arith.constant 31 : i32
        %and3A_333 = vector.broadcast %and3A_332 : i32 to vector<16xi32>
        %and3A_334 = arith.andi %add3A_331, %and3A_333 : vector<16xi32>
        %gather3A_335 = tpu.vector_load_idx %arg15[%add3A_203, %and3A_334] : memref<512x32xf32, #tpu.memory_space<vmem>>[vector<16xi32>, vector<16xi32>], vector<16xf32>,
        %gather3A_336 = tpu.vector_load_idx %arg16[%add3A_203, %and3A_334] : memref<512x32xf32, #tpu.memory_space<vmem>>[vector<16xi32>, vector<16xi32>], vector<16xf32>,
        %gather3A_337 = tpu.vector_load_idx %arg12[%get3A_201, %and3A_334] : memref<500x32xf32, #tpu.memory_space<vmem>>[vector<16xi32>, vector<16xi32>], vector<16xf32>,
        %gather3A_338 = tpu.vector_load_idx %arg13[%get3A_201, %and3A_334] : memref<500x32xf32, #tpu.memory_space<vmem>>[vector<16xi32>, vector<16xi32>], vector<16xf32>,
        %gather3A_339 = tpu.vector_load_idx %arg22[%and3A_334] : memref<32xf32, #tpu.memory_space<vmem>>[vector<16xi32>], vector<16xf32>,
        %gather3A_340 = tpu.vector_load_idx %arg23[%and3A_334] : memref<32xf32, #tpu.memory_space<vmem>>[vector<16xi32>], vector<16xf32>,
        %mul3A_341 = arith.mulf %gather3A_335, %gather3A_337 : vector<16xf32>
        %mul3A_342 = arith.mulf %gather3A_336, %gather3A_338 : vector<16xf32>
        %add3A_343 = arith.addf %mul3A_341, %mul3A_342 : vector<16xf32>
        %add3A_344 = arith.addf %add3A_343, %gather3A_339 : vector<16xf32>
        %max3A_345 = arith.constant 0.000000e+00 : f32
        %max3A_346 = vector.broadcast %max3A_345 : f32 to vector<16xf32>
        %max3A_347 = arith.maximumf %add3A_344, %max3A_346 : vector<16xf32>
        %mul3A_348 = arith.mulf %max3A_347, %gather3A_340 : vector<16xf32>
        %add3A_349 = arith.addf %add3A_328, %mul3A_348 : vector<16xf32>
        %add3A_350 = arith.constant 7 : i32
        %add3A_351 = vector.broadcast %add3A_350 : i32 to vector<16xi32>
        %add3A_352 = arith.addi %iota3A, %add3A_351 : vector<16xi32>
        %and3A_353 = arith.constant 31 : i32
        %and3A_354 = vector.broadcast %and3A_353 : i32 to vector<16xi32>
        %and3A_355 = arith.andi %add3A_352, %and3A_354 : vector<16xi32>
        %gather3A_356 = tpu.vector_load_idx %arg15[%add3A_203, %and3A_355] : memref<512x32xf32, #tpu.memory_space<vmem>>[vector<16xi32>, vector<16xi32>], vector<16xf32>,
        %gather3A_357 = tpu.vector_load_idx %arg16[%add3A_203, %and3A_355] : memref<512x32xf32, #tpu.memory_space<vmem>>[vector<16xi32>, vector<16xi32>], vector<16xf32>,
        %gather3A_358 = tpu.vector_load_idx %arg12[%get3A_201, %and3A_355] : memref<500x32xf32, #tpu.memory_space<vmem>>[vector<16xi32>, vector<16xi32>], vector<16xf32>,
        %gather3A_359 = tpu.vector_load_idx %arg13[%get3A_201, %and3A_355] : memref<500x32xf32, #tpu.memory_space<vmem>>[vector<16xi32>, vector<16xi32>], vector<16xf32>,
        %gather3A_360 = tpu.vector_load_idx %arg22[%and3A_355] : memref<32xf32, #tpu.memory_space<vmem>>[vector<16xi32>], vector<16xf32>,
        %gather3A_361 = tpu.vector_load_idx %arg23[%and3A_355] : memref<32xf32, #tpu.memory_space<vmem>>[vector<16xi32>], vector<16xf32>,
        %mul3A_362 = arith.mulf %gather3A_356, %gather3A_358 : vector<16xf32>
        %mul3A_363 = arith.mulf %gather3A_357, %gather3A_359 : vector<16xf32>
        %add3A_364 = arith.addf %mul3A_362, %mul3A_363 : vector<16xf32>
        %add3A_365 = arith.addf %add3A_364, %gather3A_360 : vector<16xf32>
        %max3A_366 = arith.constant 0.000000e+00 : f32
        %max3A_367 = vector.broadcast %max3A_366 : f32 to vector<16xf32>
        %max3A_368 = arith.maximumf %add3A_365, %max3A_367 : vector<16xf32>
        %mul3A_369 = arith.mulf %max3A_368, %gather3A_361 : vector<16xf32>
        %add3A_370 = arith.addf %add3A_349, %mul3A_369 : vector<16xf32>
        %add3A_371 = arith.constant 8 : i32
        %add3A_372 = vector.broadcast %add3A_371 : i32 to vector<16xi32>
        %add3A_373 = arith.addi %iota3A, %add3A_372 : vector<16xi32>
        %and3A_374 = arith.constant 31 : i32
        %and3A_375 = vector.broadcast %and3A_374 : i32 to vector<16xi32>
        %and3A_376 = arith.andi %add3A_373, %and3A_375 : vector<16xi32>
        %gather3A_377 = tpu.vector_load_idx %arg15[%add3A_203, %and3A_376] : memref<512x32xf32, #tpu.memory_space<vmem>>[vector<16xi32>, vector<16xi32>], vector<16xf32>,
        %gather3A_378 = tpu.vector_load_idx %arg16[%add3A_203, %and3A_376] : memref<512x32xf32, #tpu.memory_space<vmem>>[vector<16xi32>, vector<16xi32>], vector<16xf32>,
        %gather3A_379 = tpu.vector_load_idx %arg12[%get3A_201, %and3A_376] : memref<500x32xf32, #tpu.memory_space<vmem>>[vector<16xi32>, vector<16xi32>], vector<16xf32>,
        %gather3A_380 = tpu.vector_load_idx %arg13[%get3A_201, %and3A_376] : memref<500x32xf32, #tpu.memory_space<vmem>>[vector<16xi32>, vector<16xi32>], vector<16xf32>,
        %gather3A_381 = tpu.vector_load_idx %arg22[%and3A_376] : memref<32xf32, #tpu.memory_space<vmem>>[vector<16xi32>], vector<16xf32>,
        %gather3A_382 = tpu.vector_load_idx %arg23[%and3A_376] : memref<32xf32, #tpu.memory_space<vmem>>[vector<16xi32>], vector<16xf32>,
        %mul3A_383 = arith.mulf %gather3A_377, %gather3A_379 : vector<16xf32>
        %mul3A_384 = arith.mulf %gather3A_378, %gather3A_380 : vector<16xf32>
        %add3A_385 = arith.addf %mul3A_383, %mul3A_384 : vector<16xf32>
        %add3A_386 = arith.addf %add3A_385, %gather3A_381 : vector<16xf32>
        %max3A_387 = arith.constant 0.000000e+00 : f32
        %max3A_388 = vector.broadcast %max3A_387 : f32 to vector<16xf32>
        %max3A_389 = arith.maximumf %add3A_386, %max3A_388 : vector<16xf32>
        %mul3A_390 = arith.mulf %max3A_389, %gather3A_382 : vector<16xf32>
        %add3A_391 = arith.addf %add3A_370, %mul3A_390 : vector<16xf32>
        %add3A_392 = arith.constant 9 : i32
        %add3A_393 = vector.broadcast %add3A_392 : i32 to vector<16xi32>
        %add3A_394 = arith.addi %iota3A, %add3A_393 : vector<16xi32>
        %and3A_395 = arith.constant 31 : i32
        %and3A_396 = vector.broadcast %and3A_395 : i32 to vector<16xi32>
        %and3A_397 = arith.andi %add3A_394, %and3A_396 : vector<16xi32>
        %gather3A_398 = tpu.vector_load_idx %arg15[%add3A_203, %and3A_397] : memref<512x32xf32, #tpu.memory_space<vmem>>[vector<16xi32>, vector<16xi32>], vector<16xf32>,
        %gather3A_399 = tpu.vector_load_idx %arg16[%add3A_203, %and3A_397] : memref<512x32xf32, #tpu.memory_space<vmem>>[vector<16xi32>, vector<16xi32>], vector<16xf32>,
        %gather3A_400 = tpu.vector_load_idx %arg12[%get3A_201, %and3A_397] : memref<500x32xf32, #tpu.memory_space<vmem>>[vector<16xi32>, vector<16xi32>], vector<16xf32>,
        %gather3A_401 = tpu.vector_load_idx %arg13[%get3A_201, %and3A_397] : memref<500x32xf32, #tpu.memory_space<vmem>>[vector<16xi32>, vector<16xi32>], vector<16xf32>,
        %gather3A_402 = tpu.vector_load_idx %arg22[%and3A_397] : memref<32xf32, #tpu.memory_space<vmem>>[vector<16xi32>], vector<16xf32>,
        %gather3A_403 = tpu.vector_load_idx %arg23[%and3A_397] : memref<32xf32, #tpu.memory_space<vmem>>[vector<16xi32>], vector<16xf32>,
        %mul3A_404 = arith.mulf %gather3A_398, %gather3A_400 : vector<16xf32>
        %mul3A_405 = arith.mulf %gather3A_399, %gather3A_401 : vector<16xf32>
        %add3A_406 = arith.addf %mul3A_404, %mul3A_405 : vector<16xf32>
        %add3A_407 = arith.addf %add3A_406, %gather3A_402 : vector<16xf32>
        %max3A_408 = arith.constant 0.000000e+00 : f32
        %max3A_409 = vector.broadcast %max3A_408 : f32 to vector<16xf32>
        %max3A_410 = arith.maximumf %add3A_407, %max3A_409 : vector<16xf32>
        %mul3A_411 = arith.mulf %max3A_410, %gather3A_403 : vector<16xf32>
        %add3A_412 = arith.addf %add3A_391, %mul3A_411 : vector<16xf32>
        %add3A_413 = arith.constant 10 : i32
        %add3A_414 = vector.broadcast %add3A_413 : i32 to vector<16xi32>
        %add3A_415 = arith.addi %iota3A, %add3A_414 : vector<16xi32>
        %and3A_416 = arith.constant 31 : i32
        %and3A_417 = vector.broadcast %and3A_416 : i32 to vector<16xi32>
        %and3A_418 = arith.andi %add3A_415, %and3A_417 : vector<16xi32>
        %gather3A_419 = tpu.vector_load_idx %arg15[%add3A_203, %and3A_418] : memref<512x32xf32, #tpu.memory_space<vmem>>[vector<16xi32>, vector<16xi32>], vector<16xf32>,
        %gather3A_420 = tpu.vector_load_idx %arg16[%add3A_203, %and3A_418] : memref<512x32xf32, #tpu.memory_space<vmem>>[vector<16xi32>, vector<16xi32>], vector<16xf32>,
        %gather3A_421 = tpu.vector_load_idx %arg12[%get3A_201, %and3A_418] : memref<500x32xf32, #tpu.memory_space<vmem>>[vector<16xi32>, vector<16xi32>], vector<16xf32>,
        %gather3A_422 = tpu.vector_load_idx %arg13[%get3A_201, %and3A_418] : memref<500x32xf32, #tpu.memory_space<vmem>>[vector<16xi32>, vector<16xi32>], vector<16xf32>,
        %gather3A_423 = tpu.vector_load_idx %arg22[%and3A_418] : memref<32xf32, #tpu.memory_space<vmem>>[vector<16xi32>], vector<16xf32>,
        %gather3A_424 = tpu.vector_load_idx %arg23[%and3A_418] : memref<32xf32, #tpu.memory_space<vmem>>[vector<16xi32>], vector<16xf32>,
        %mul3A_425 = arith.mulf %gather3A_419, %gather3A_421 : vector<16xf32>
        %mul3A_426 = arith.mulf %gather3A_420, %gather3A_422 : vector<16xf32>
        %add3A_427 = arith.addf %mul3A_425, %mul3A_426 : vector<16xf32>
        %add3A_428 = arith.addf %add3A_427, %gather3A_423 : vector<16xf32>
        %max3A_429 = arith.constant 0.000000e+00 : f32
        %max3A_430 = vector.broadcast %max3A_429 : f32 to vector<16xf32>
        %max3A_431 = arith.maximumf %add3A_428, %max3A_430 : vector<16xf32>
        %mul3A_432 = arith.mulf %max3A_431, %gather3A_424 : vector<16xf32>
        %add3A_433 = arith.addf %add3A_412, %mul3A_432 : vector<16xf32>
        %add3A_434 = arith.constant 11 : i32
        %add3A_435 = vector.broadcast %add3A_434 : i32 to vector<16xi32>
        %add3A_436 = arith.addi %iota3A, %add3A_435 : vector<16xi32>
        %and3A_437 = arith.constant 31 : i32
        %and3A_438 = vector.broadcast %and3A_437 : i32 to vector<16xi32>
        %and3A_439 = arith.andi %add3A_436, %and3A_438 : vector<16xi32>
        %gather3A_440 = tpu.vector_load_idx %arg15[%add3A_203, %and3A_439] : memref<512x32xf32, #tpu.memory_space<vmem>>[vector<16xi32>, vector<16xi32>], vector<16xf32>,
        %gather3A_441 = tpu.vector_load_idx %arg16[%add3A_203, %and3A_439] : memref<512x32xf32, #tpu.memory_space<vmem>>[vector<16xi32>, vector<16xi32>], vector<16xf32>,
        %gather3A_442 = tpu.vector_load_idx %arg12[%get3A_201, %and3A_439] : memref<500x32xf32, #tpu.memory_space<vmem>>[vector<16xi32>, vector<16xi32>], vector<16xf32>,
        %gather3A_443 = tpu.vector_load_idx %arg13[%get3A_201, %and3A_439] : memref<500x32xf32, #tpu.memory_space<vmem>>[vector<16xi32>, vector<16xi32>], vector<16xf32>,
        %gather3A_444 = tpu.vector_load_idx %arg22[%and3A_439] : memref<32xf32, #tpu.memory_space<vmem>>[vector<16xi32>], vector<16xf32>,
        %gather3A_445 = tpu.vector_load_idx %arg23[%and3A_439] : memref<32xf32, #tpu.memory_space<vmem>>[vector<16xi32>], vector<16xf32>,
        %mul3A_446 = arith.mulf %gather3A_440, %gather3A_442 : vector<16xf32>
        %mul3A_447 = arith.mulf %gather3A_441, %gather3A_443 : vector<16xf32>
        %add3A_448 = arith.addf %mul3A_446, %mul3A_447 : vector<16xf32>
        %add3A_449 = arith.addf %add3A_448, %gather3A_444 : vector<16xf32>
        %max3A_450 = arith.constant 0.000000e+00 : f32
        %max3A_451 = vector.broadcast %max3A_450 : f32 to vector<16xf32>
        %max3A_452 = arith.maximumf %add3A_449, %max3A_451 : vector<16xf32>
        %mul3A_453 = arith.mulf %max3A_452, %gather3A_445 : vector<16xf32>
        %add3A_454 = arith.addf %add3A_433, %mul3A_453 : vector<16xf32>
        %add3A_455 = arith.constant 12 : i32
        %add3A_456 = vector.broadcast %add3A_455 : i32 to vector<16xi32>
        %add3A_457 = arith.addi %iota3A, %add3A_456 : vector<16xi32>
        %and3A_458 = arith.constant 31 : i32
        %and3A_459 = vector.broadcast %and3A_458 : i32 to vector<16xi32>
        %and3A_460 = arith.andi %add3A_457, %and3A_459 : vector<16xi32>
        %gather3A_461 = tpu.vector_load_idx %arg15[%add3A_203, %and3A_460] : memref<512x32xf32, #tpu.memory_space<vmem>>[vector<16xi32>, vector<16xi32>], vector<16xf32>,
        %gather3A_462 = tpu.vector_load_idx %arg16[%add3A_203, %and3A_460] : memref<512x32xf32, #tpu.memory_space<vmem>>[vector<16xi32>, vector<16xi32>], vector<16xf32>,
        %gather3A_463 = tpu.vector_load_idx %arg12[%get3A_201, %and3A_460] : memref<500x32xf32, #tpu.memory_space<vmem>>[vector<16xi32>, vector<16xi32>], vector<16xf32>,
        %gather3A_464 = tpu.vector_load_idx %arg13[%get3A_201, %and3A_460] : memref<500x32xf32, #tpu.memory_space<vmem>>[vector<16xi32>, vector<16xi32>], vector<16xf32>,
        %gather3A_465 = tpu.vector_load_idx %arg22[%and3A_460] : memref<32xf32, #tpu.memory_space<vmem>>[vector<16xi32>], vector<16xf32>,
        %gather3A_466 = tpu.vector_load_idx %arg23[%and3A_460] : memref<32xf32, #tpu.memory_space<vmem>>[vector<16xi32>], vector<16xf32>,
        %mul3A_467 = arith.mulf %gather3A_461, %gather3A_463 : vector<16xf32>
        %mul3A_468 = arith.mulf %gather3A_462, %gather3A_464 : vector<16xf32>
        %add3A_469 = arith.addf %mul3A_467, %mul3A_468 : vector<16xf32>
        %add3A_470 = arith.addf %add3A_469, %gather3A_465 : vector<16xf32>
        %max3A_471 = arith.constant 0.000000e+00 : f32
        %max3A_472 = vector.broadcast %max3A_471 : f32 to vector<16xf32>
        %max3A_473 = arith.maximumf %add3A_470, %max3A_472 : vector<16xf32>
        %mul3A_474 = arith.mulf %max3A_473, %gather3A_466 : vector<16xf32>
        %add3A_475 = arith.addf %add3A_454, %mul3A_474 : vector<16xf32>
        %add3A_476 = arith.constant 13 : i32
        %add3A_477 = vector.broadcast %add3A_476 : i32 to vector<16xi32>
        %add3A_478 = arith.addi %iota3A, %add3A_477 : vector<16xi32>
        %and3A_479 = arith.constant 31 : i32
        %and3A_480 = vector.broadcast %and3A_479 : i32 to vector<16xi32>
        %and3A_481 = arith.andi %add3A_478, %and3A_480 : vector<16xi32>
        %gather3A_482 = tpu.vector_load_idx %arg15[%add3A_203, %and3A_481] : memref<512x32xf32, #tpu.memory_space<vmem>>[vector<16xi32>, vector<16xi32>], vector<16xf32>,
        %gather3A_483 = tpu.vector_load_idx %arg16[%add3A_203, %and3A_481] : memref<512x32xf32, #tpu.memory_space<vmem>>[vector<16xi32>, vector<16xi32>], vector<16xf32>,
        %gather3A_484 = tpu.vector_load_idx %arg12[%get3A_201, %and3A_481] : memref<500x32xf32, #tpu.memory_space<vmem>>[vector<16xi32>, vector<16xi32>], vector<16xf32>,
        %gather3A_485 = tpu.vector_load_idx %arg13[%get3A_201, %and3A_481] : memref<500x32xf32, #tpu.memory_space<vmem>>[vector<16xi32>, vector<16xi32>], vector<16xf32>,
        %gather3A_486 = tpu.vector_load_idx %arg22[%and3A_481] : memref<32xf32, #tpu.memory_space<vmem>>[vector<16xi32>], vector<16xf32>,
        %gather3A_487 = tpu.vector_load_idx %arg23[%and3A_481] : memref<32xf32, #tpu.memory_space<vmem>>[vector<16xi32>], vector<16xf32>,
        %mul3A_488 = arith.mulf %gather3A_482, %gather3A_484 : vector<16xf32>
        %mul3A_489 = arith.mulf %gather3A_483, %gather3A_485 : vector<16xf32>
        %add3A_490 = arith.addf %mul3A_488, %mul3A_489 : vector<16xf32>
        %add3A_491 = arith.addf %add3A_490, %gather3A_486 : vector<16xf32>
        %max3A_492 = arith.constant 0.000000e+00 : f32
        %max3A_493 = vector.broadcast %max3A_492 : f32 to vector<16xf32>
        %max3A_494 = arith.maximumf %add3A_491, %max3A_493 : vector<16xf32>
        %mul3A_495 = arith.mulf %max3A_494, %gather3A_487 : vector<16xf32>
        %add3A_496 = arith.addf %add3A_475, %mul3A_495 : vector<16xf32>
        %add3A_497 = arith.constant 14 : i32
        %add3A_498 = vector.broadcast %add3A_497 : i32 to vector<16xi32>
        %add3A_499 = arith.addi %iota3A, %add3A_498 : vector<16xi32>
        %and3A_500 = arith.constant 31 : i32
        %and3A_501 = vector.broadcast %and3A_500 : i32 to vector<16xi32>
        %and3A_502 = arith.andi %add3A_499, %and3A_501 : vector<16xi32>
        %gather3A_503 = tpu.vector_load_idx %arg15[%add3A_203, %and3A_502] : memref<512x32xf32, #tpu.memory_space<vmem>>[vector<16xi32>, vector<16xi32>], vector<16xf32>,
        %gather3A_504 = tpu.vector_load_idx %arg16[%add3A_203, %and3A_502] : memref<512x32xf32, #tpu.memory_space<vmem>>[vector<16xi32>, vector<16xi32>], vector<16xf32>,
        %gather3A_505 = tpu.vector_load_idx %arg12[%get3A_201, %and3A_502] : memref<500x32xf32, #tpu.memory_space<vmem>>[vector<16xi32>, vector<16xi32>], vector<16xf32>,
        %gather3A_506 = tpu.vector_load_idx %arg13[%get3A_201, %and3A_502] : memref<500x32xf32, #tpu.memory_space<vmem>>[vector<16xi32>, vector<16xi32>], vector<16xf32>,
        %gather3A_507 = tpu.vector_load_idx %arg22[%and3A_502] : memref<32xf32, #tpu.memory_space<vmem>>[vector<16xi32>], vector<16xf32>,
        %gather3A_508 = tpu.vector_load_idx %arg23[%and3A_502] : memref<32xf32, #tpu.memory_space<vmem>>[vector<16xi32>], vector<16xf32>,
        %mul3A_509 = arith.mulf %gather3A_503, %gather3A_505 : vector<16xf32>
        %mul3A_510 = arith.mulf %gather3A_504, %gather3A_506 : vector<16xf32>
        %add3A_511 = arith.addf %mul3A_509, %mul3A_510 : vector<16xf32>
        %add3A_512 = arith.addf %add3A_511, %gather3A_507 : vector<16xf32>
        %max3A_513 = arith.constant 0.000000e+00 : f32
        %max3A_514 = vector.broadcast %max3A_513 : f32 to vector<16xf32>
        %max3A_515 = arith.maximumf %add3A_512, %max3A_514 : vector<16xf32>
        %mul3A_516 = arith.mulf %max3A_515, %gather3A_508 : vector<16xf32>
        %add3A_517 = arith.addf %add3A_496, %mul3A_516 : vector<16xf32>
        %add3A_518 = arith.constant 15 : i32
        %add3A_519 = vector.broadcast %add3A_518 : i32 to vector<16xi32>
        %add3A_520 = arith.addi %iota3A, %add3A_519 : vector<16xi32>
        %and3A_521 = arith.constant 31 : i32
        %and3A_522 = vector.broadcast %and3A_521 : i32 to vector<16xi32>
        %and3A_523 = arith.andi %add3A_520, %and3A_522 : vector<16xi32>
        %gather3A_524 = tpu.vector_load_idx %arg15[%add3A_203, %and3A_523] : memref<512x32xf32, #tpu.memory_space<vmem>>[vector<16xi32>, vector<16xi32>], vector<16xf32>,
        %gather3A_525 = tpu.vector_load_idx %arg16[%add3A_203, %and3A_523] : memref<512x32xf32, #tpu.memory_space<vmem>>[vector<16xi32>, vector<16xi32>], vector<16xf32>,
        %gather3A_526 = tpu.vector_load_idx %arg12[%get3A_201, %and3A_523] : memref<500x32xf32, #tpu.memory_space<vmem>>[vector<16xi32>, vector<16xi32>], vector<16xf32>,
        %gather3A_527 = tpu.vector_load_idx %arg13[%get3A_201, %and3A_523] : memref<500x32xf32, #tpu.memory_space<vmem>>[vector<16xi32>, vector<16xi32>], vector<16xf32>,
        %gather3A_528 = tpu.vector_load_idx %arg22[%and3A_523] : memref<32xf32, #tpu.memory_space<vmem>>[vector<16xi32>], vector<16xf32>,
        %gather3A_529 = tpu.vector_load_idx %arg23[%and3A_523] : memref<32xf32, #tpu.memory_space<vmem>>[vector<16xi32>], vector<16xf32>,
        %mul3A_530 = arith.mulf %gather3A_524, %gather3A_526 : vector<16xf32>
        %mul3A_531 = arith.mulf %gather3A_525, %gather3A_527 : vector<16xf32>
        %add3A_532 = arith.addf %mul3A_530, %mul3A_531 : vector<16xf32>
        %add3A_533 = arith.addf %add3A_532, %gather3A_528 : vector<16xf32>
        %max3A_534 = arith.constant 0.000000e+00 : f32
        %max3A_535 = vector.broadcast %max3A_534 : f32 to vector<16xf32>
        %max3A_536 = arith.maximumf %add3A_533, %max3A_535 : vector<16xf32>
        %mul3A_537 = arith.mulf %max3A_536, %gather3A_529 : vector<16xf32>
        %add3A_538 = arith.addf %add3A_517, %mul3A_537 : vector<16xf32>
        %add3A_539 = arith.constant 16 : i32
        %add3A_540 = vector.broadcast %add3A_539 : i32 to vector<16xi32>
        %add3A_541 = arith.addi %iota3A, %add3A_540 : vector<16xi32>
        %and3A_542 = arith.constant 31 : i32
        %and3A_543 = vector.broadcast %and3A_542 : i32 to vector<16xi32>
        %and3A_544 = arith.andi %add3A_541, %and3A_543 : vector<16xi32>
        %gather3A_545 = tpu.vector_load_idx %arg15[%add3A_203, %and3A_544] : memref<512x32xf32, #tpu.memory_space<vmem>>[vector<16xi32>, vector<16xi32>], vector<16xf32>,
        %gather3A_546 = tpu.vector_load_idx %arg16[%add3A_203, %and3A_544] : memref<512x32xf32, #tpu.memory_space<vmem>>[vector<16xi32>, vector<16xi32>], vector<16xf32>,
        %gather3A_547 = tpu.vector_load_idx %arg12[%get3A_201, %and3A_544] : memref<500x32xf32, #tpu.memory_space<vmem>>[vector<16xi32>, vector<16xi32>], vector<16xf32>,
        %gather3A_548 = tpu.vector_load_idx %arg13[%get3A_201, %and3A_544] : memref<500x32xf32, #tpu.memory_space<vmem>>[vector<16xi32>, vector<16xi32>], vector<16xf32>,
        %gather3A_549 = tpu.vector_load_idx %arg22[%and3A_544] : memref<32xf32, #tpu.memory_space<vmem>>[vector<16xi32>], vector<16xf32>,
        %gather3A_550 = tpu.vector_load_idx %arg23[%and3A_544] : memref<32xf32, #tpu.memory_space<vmem>>[vector<16xi32>], vector<16xf32>,
        %mul3A_551 = arith.mulf %gather3A_545, %gather3A_547 : vector<16xf32>
        %mul3A_552 = arith.mulf %gather3A_546, %gather3A_548 : vector<16xf32>
        %add3A_553 = arith.addf %mul3A_551, %mul3A_552 : vector<16xf32>
        %add3A_554 = arith.addf %add3A_553, %gather3A_549 : vector<16xf32>
        %max3A_555 = arith.constant 0.000000e+00 : f32
        %max3A_556 = vector.broadcast %max3A_555 : f32 to vector<16xf32>
        %max3A_557 = arith.maximumf %add3A_554, %max3A_556 : vector<16xf32>
        %mul3A_558 = arith.mulf %max3A_557, %gather3A_550 : vector<16xf32>
        %add3A_559 = arith.addf %add3A_538, %mul3A_558 : vector<16xf32>
        %add3A_560 = arith.constant 17 : i32
        %add3A_561 = vector.broadcast %add3A_560 : i32 to vector<16xi32>
        %add3A_562 = arith.addi %iota3A, %add3A_561 : vector<16xi32>
        %and3A_563 = arith.constant 31 : i32
        %and3A_564 = vector.broadcast %and3A_563 : i32 to vector<16xi32>
        %and3A_565 = arith.andi %add3A_562, %and3A_564 : vector<16xi32>
        %gather3A_566 = tpu.vector_load_idx %arg15[%add3A_203, %and3A_565] : memref<512x32xf32, #tpu.memory_space<vmem>>[vector<16xi32>, vector<16xi32>], vector<16xf32>,
        %gather3A_567 = tpu.vector_load_idx %arg16[%add3A_203, %and3A_565] : memref<512x32xf32, #tpu.memory_space<vmem>>[vector<16xi32>, vector<16xi32>], vector<16xf32>,
        %gather3A_568 = tpu.vector_load_idx %arg12[%get3A_201, %and3A_565] : memref<500x32xf32, #tpu.memory_space<vmem>>[vector<16xi32>, vector<16xi32>], vector<16xf32>,
        %gather3A_569 = tpu.vector_load_idx %arg13[%get3A_201, %and3A_565] : memref<500x32xf32, #tpu.memory_space<vmem>>[vector<16xi32>, vector<16xi32>], vector<16xf32>,
        %gather3A_570 = tpu.vector_load_idx %arg22[%and3A_565] : memref<32xf32, #tpu.memory_space<vmem>>[vector<16xi32>], vector<16xf32>,
        %gather3A_571 = tpu.vector_load_idx %arg23[%and3A_565] : memref<32xf32, #tpu.memory_space<vmem>>[vector<16xi32>], vector<16xf32>,
        %mul3A_572 = arith.mulf %gather3A_566, %gather3A_568 : vector<16xf32>
        %mul3A_573 = arith.mulf %gather3A_567, %gather3A_569 : vector<16xf32>
        %add3A_574 = arith.addf %mul3A_572, %mul3A_573 : vector<16xf32>
        %add3A_575 = arith.addf %add3A_574, %gather3A_570 : vector<16xf32>
        %max3A_576 = arith.constant 0.000000e+00 : f32
        %max3A_577 = vector.broadcast %max3A_576 : f32 to vector<16xf32>
        %max3A_578 = arith.maximumf %add3A_575, %max3A_577 : vector<16xf32>
        %mul3A_579 = arith.mulf %max3A_578, %gather3A_571 : vector<16xf32>
        %add3A_580 = arith.addf %add3A_559, %mul3A_579 : vector<16xf32>
        %add3A_581 = arith.constant 18 : i32
        %add3A_582 = vector.broadcast %add3A_581 : i32 to vector<16xi32>
        %add3A_583 = arith.addi %iota3A, %add3A_582 : vector<16xi32>
        %and3A_584 = arith.constant 31 : i32
        %and3A_585 = vector.broadcast %and3A_584 : i32 to vector<16xi32>
        %and3A_586 = arith.andi %add3A_583, %and3A_585 : vector<16xi32>
        %gather3A_587 = tpu.vector_load_idx %arg15[%add3A_203, %and3A_586] : memref<512x32xf32, #tpu.memory_space<vmem>>[vector<16xi32>, vector<16xi32>], vector<16xf32>,
        %gather3A_588 = tpu.vector_load_idx %arg16[%add3A_203, %and3A_586] : memref<512x32xf32, #tpu.memory_space<vmem>>[vector<16xi32>, vector<16xi32>], vector<16xf32>,
        %gather3A_589 = tpu.vector_load_idx %arg12[%get3A_201, %and3A_586] : memref<500x32xf32, #tpu.memory_space<vmem>>[vector<16xi32>, vector<16xi32>], vector<16xf32>,
        %gather3A_590 = tpu.vector_load_idx %arg13[%get3A_201, %and3A_586] : memref<500x32xf32, #tpu.memory_space<vmem>>[vector<16xi32>, vector<16xi32>], vector<16xf32>,
        %gather3A_591 = tpu.vector_load_idx %arg22[%and3A_586] : memref<32xf32, #tpu.memory_space<vmem>>[vector<16xi32>], vector<16xf32>,
        %gather3A_592 = tpu.vector_load_idx %arg23[%and3A_586] : memref<32xf32, #tpu.memory_space<vmem>>[vector<16xi32>], vector<16xf32>,
        %mul3A_593 = arith.mulf %gather3A_587, %gather3A_589 : vector<16xf32>
        %mul3A_594 = arith.mulf %gather3A_588, %gather3A_590 : vector<16xf32>
        %add3A_595 = arith.addf %mul3A_593, %mul3A_594 : vector<16xf32>
        %add3A_596 = arith.addf %add3A_595, %gather3A_591 : vector<16xf32>
        %max3A_597 = arith.constant 0.000000e+00 : f32
        %max3A_598 = vector.broadcast %max3A_597 : f32 to vector<16xf32>
        %max3A_599 = arith.maximumf %add3A_596, %max3A_598 : vector<16xf32>
        %mul3A_600 = arith.mulf %max3A_599, %gather3A_592 : vector<16xf32>
        %add3A_601 = arith.addf %add3A_580, %mul3A_600 : vector<16xf32>
        %add3A_602 = arith.constant 19 : i32
        %add3A_603 = vector.broadcast %add3A_602 : i32 to vector<16xi32>
        %add3A_604 = arith.addi %iota3A, %add3A_603 : vector<16xi32>
        %and3A_605 = arith.constant 31 : i32
        %and3A_606 = vector.broadcast %and3A_605 : i32 to vector<16xi32>
        %and3A_607 = arith.andi %add3A_604, %and3A_606 : vector<16xi32>
        %gather3A_608 = tpu.vector_load_idx %arg15[%add3A_203, %and3A_607] : memref<512x32xf32, #tpu.memory_space<vmem>>[vector<16xi32>, vector<16xi32>], vector<16xf32>,
        %gather3A_609 = tpu.vector_load_idx %arg16[%add3A_203, %and3A_607] : memref<512x32xf32, #tpu.memory_space<vmem>>[vector<16xi32>, vector<16xi32>], vector<16xf32>,
        %gather3A_610 = tpu.vector_load_idx %arg12[%get3A_201, %and3A_607] : memref<500x32xf32, #tpu.memory_space<vmem>>[vector<16xi32>, vector<16xi32>], vector<16xf32>,
        %gather3A_611 = tpu.vector_load_idx %arg13[%get3A_201, %and3A_607] : memref<500x32xf32, #tpu.memory_space<vmem>>[vector<16xi32>, vector<16xi32>], vector<16xf32>,
        %gather3A_612 = tpu.vector_load_idx %arg22[%and3A_607] : memref<32xf32, #tpu.memory_space<vmem>>[vector<16xi32>], vector<16xf32>,
        %gather3A_613 = tpu.vector_load_idx %arg23[%and3A_607] : memref<32xf32, #tpu.memory_space<vmem>>[vector<16xi32>], vector<16xf32>,
        %mul3A_614 = arith.mulf %gather3A_608, %gather3A_610 : vector<16xf32>
        %mul3A_615 = arith.mulf %gather3A_609, %gather3A_611 : vector<16xf32>
        %add3A_616 = arith.addf %mul3A_614, %mul3A_615 : vector<16xf32>
        %add3A_617 = arith.addf %add3A_616, %gather3A_612 : vector<16xf32>
        %max3A_618 = arith.constant 0.000000e+00 : f32
        %max3A_619 = vector.broadcast %max3A_618 : f32 to vector<16xf32>
        %max3A_620 = arith.maximumf %add3A_617, %max3A_619 : vector<16xf32>
        %mul3A_621 = arith.mulf %max3A_620, %gather3A_613 : vector<16xf32>
        %add3A_622 = arith.addf %add3A_601, %mul3A_621 : vector<16xf32>
        %add3A_623 = arith.constant 20 : i32
        %add3A_624 = vector.broadcast %add3A_623 : i32 to vector<16xi32>
        %add3A_625 = arith.addi %iota3A, %add3A_624 : vector<16xi32>
        %and3A_626 = arith.constant 31 : i32
        %and3A_627 = vector.broadcast %and3A_626 : i32 to vector<16xi32>
        %and3A_628 = arith.andi %add3A_625, %and3A_627 : vector<16xi32>
        %gather3A_629 = tpu.vector_load_idx %arg15[%add3A_203, %and3A_628] : memref<512x32xf32, #tpu.memory_space<vmem>>[vector<16xi32>, vector<16xi32>], vector<16xf32>,
        %gather3A_630 = tpu.vector_load_idx %arg16[%add3A_203, %and3A_628] : memref<512x32xf32, #tpu.memory_space<vmem>>[vector<16xi32>, vector<16xi32>], vector<16xf32>,
        %gather3A_631 = tpu.vector_load_idx %arg12[%get3A_201, %and3A_628] : memref<500x32xf32, #tpu.memory_space<vmem>>[vector<16xi32>, vector<16xi32>], vector<16xf32>,
        %gather3A_632 = tpu.vector_load_idx %arg13[%get3A_201, %and3A_628] : memref<500x32xf32, #tpu.memory_space<vmem>>[vector<16xi32>, vector<16xi32>], vector<16xf32>,
        %gather3A_633 = tpu.vector_load_idx %arg22[%and3A_628] : memref<32xf32, #tpu.memory_space<vmem>>[vector<16xi32>], vector<16xf32>,
        %gather3A_634 = tpu.vector_load_idx %arg23[%and3A_628] : memref<32xf32, #tpu.memory_space<vmem>>[vector<16xi32>], vector<16xf32>,
        %mul3A_635 = arith.mulf %gather3A_629, %gather3A_631 : vector<16xf32>
        %mul3A_636 = arith.mulf %gather3A_630, %gather3A_632 : vector<16xf32>
        %add3A_637 = arith.addf %mul3A_635, %mul3A_636 : vector<16xf32>
        %add3A_638 = arith.addf %add3A_637, %gather3A_633 : vector<16xf32>
        %max3A_639 = arith.constant 0.000000e+00 : f32
        %max3A_640 = vector.broadcast %max3A_639 : f32 to vector<16xf32>
        %max3A_641 = arith.maximumf %add3A_638, %max3A_640 : vector<16xf32>
        %mul3A_642 = arith.mulf %max3A_641, %gather3A_634 : vector<16xf32>
        %add3A_643 = arith.addf %add3A_622, %mul3A_642 : vector<16xf32>
        %add3A_644 = arith.constant 21 : i32
        %add3A_645 = vector.broadcast %add3A_644 : i32 to vector<16xi32>
        %add3A_646 = arith.addi %iota3A, %add3A_645 : vector<16xi32>
        %and3A_647 = arith.constant 31 : i32
        %and3A_648 = vector.broadcast %and3A_647 : i32 to vector<16xi32>
        %and3A_649 = arith.andi %add3A_646, %and3A_648 : vector<16xi32>
        %gather3A_650 = tpu.vector_load_idx %arg15[%add3A_203, %and3A_649] : memref<512x32xf32, #tpu.memory_space<vmem>>[vector<16xi32>, vector<16xi32>], vector<16xf32>,
        %gather3A_651 = tpu.vector_load_idx %arg16[%add3A_203, %and3A_649] : memref<512x32xf32, #tpu.memory_space<vmem>>[vector<16xi32>, vector<16xi32>], vector<16xf32>,
        %gather3A_652 = tpu.vector_load_idx %arg12[%get3A_201, %and3A_649] : memref<500x32xf32, #tpu.memory_space<vmem>>[vector<16xi32>, vector<16xi32>], vector<16xf32>,
        %gather3A_653 = tpu.vector_load_idx %arg13[%get3A_201, %and3A_649] : memref<500x32xf32, #tpu.memory_space<vmem>>[vector<16xi32>, vector<16xi32>], vector<16xf32>,
        %gather3A_654 = tpu.vector_load_idx %arg22[%and3A_649] : memref<32xf32, #tpu.memory_space<vmem>>[vector<16xi32>], vector<16xf32>,
        %gather3A_655 = tpu.vector_load_idx %arg23[%and3A_649] : memref<32xf32, #tpu.memory_space<vmem>>[vector<16xi32>], vector<16xf32>,
        %mul3A_656 = arith.mulf %gather3A_650, %gather3A_652 : vector<16xf32>
        %mul3A_657 = arith.mulf %gather3A_651, %gather3A_653 : vector<16xf32>
        %add3A_658 = arith.addf %mul3A_656, %mul3A_657 : vector<16xf32>
        %add3A_659 = arith.addf %add3A_658, %gather3A_654 : vector<16xf32>
        %max3A_660 = arith.constant 0.000000e+00 : f32
        %max3A_661 = vector.broadcast %max3A_660 : f32 to vector<16xf32>
        %max3A_662 = arith.maximumf %add3A_659, %max3A_661 : vector<16xf32>
        %mul3A_663 = arith.mulf %max3A_662, %gather3A_655 : vector<16xf32>
        %add3A_664 = arith.addf %add3A_643, %mul3A_663 : vector<16xf32>
        %add3A_665 = arith.constant 22 : i32
        %add3A_666 = vector.broadcast %add3A_665 : i32 to vector<16xi32>
        %add3A_667 = arith.addi %iota3A, %add3A_666 : vector<16xi32>
        %and3A_668 = arith.constant 31 : i32
        %and3A_669 = vector.broadcast %and3A_668 : i32 to vector<16xi32>
        %and3A_670 = arith.andi %add3A_667, %and3A_669 : vector<16xi32>
        %gather3A_671 = tpu.vector_load_idx %arg15[%add3A_203, %and3A_670] : memref<512x32xf32, #tpu.memory_space<vmem>>[vector<16xi32>, vector<16xi32>], vector<16xf32>,
        %gather3A_672 = tpu.vector_load_idx %arg16[%add3A_203, %and3A_670] : memref<512x32xf32, #tpu.memory_space<vmem>>[vector<16xi32>, vector<16xi32>], vector<16xf32>,
        %gather3A_673 = tpu.vector_load_idx %arg12[%get3A_201, %and3A_670] : memref<500x32xf32, #tpu.memory_space<vmem>>[vector<16xi32>, vector<16xi32>], vector<16xf32>,
        %gather3A_674 = tpu.vector_load_idx %arg13[%get3A_201, %and3A_670] : memref<500x32xf32, #tpu.memory_space<vmem>>[vector<16xi32>, vector<16xi32>], vector<16xf32>,
        %gather3A_675 = tpu.vector_load_idx %arg22[%and3A_670] : memref<32xf32, #tpu.memory_space<vmem>>[vector<16xi32>], vector<16xf32>,
        %gather3A_676 = tpu.vector_load_idx %arg23[%and3A_670] : memref<32xf32, #tpu.memory_space<vmem>>[vector<16xi32>], vector<16xf32>,
        %mul3A_677 = arith.mulf %gather3A_671, %gather3A_673 : vector<16xf32>
        %mul3A_678 = arith.mulf %gather3A_672, %gather3A_674 : vector<16xf32>
        %add3A_679 = arith.addf %mul3A_677, %mul3A_678 : vector<16xf32>
        %add3A_680 = arith.addf %add3A_679, %gather3A_675 : vector<16xf32>
        %max3A_681 = arith.constant 0.000000e+00 : f32
        %max3A_682 = vector.broadcast %max3A_681 : f32 to vector<16xf32>
        %max3A_683 = arith.maximumf %add3A_680, %max3A_682 : vector<16xf32>
        %mul3A_684 = arith.mulf %max3A_683, %gather3A_676 : vector<16xf32>
        %add3A_685 = arith.addf %add3A_664, %mul3A_684 : vector<16xf32>
        %add3A_686 = arith.constant 23 : i32
        %add3A_687 = vector.broadcast %add3A_686 : i32 to vector<16xi32>
        %add3A_688 = arith.addi %iota3A, %add3A_687 : vector<16xi32>
        %and3A_689 = arith.constant 31 : i32
        %and3A_690 = vector.broadcast %and3A_689 : i32 to vector<16xi32>
        %and3A_691 = arith.andi %add3A_688, %and3A_690 : vector<16xi32>
        %gather3A_692 = tpu.vector_load_idx %arg15[%add3A_203, %and3A_691] : memref<512x32xf32, #tpu.memory_space<vmem>>[vector<16xi32>, vector<16xi32>], vector<16xf32>,
        %gather3A_693 = tpu.vector_load_idx %arg16[%add3A_203, %and3A_691] : memref<512x32xf32, #tpu.memory_space<vmem>>[vector<16xi32>, vector<16xi32>], vector<16xf32>,
        %gather3A_694 = tpu.vector_load_idx %arg12[%get3A_201, %and3A_691] : memref<500x32xf32, #tpu.memory_space<vmem>>[vector<16xi32>, vector<16xi32>], vector<16xf32>,
        %gather3A_695 = tpu.vector_load_idx %arg13[%get3A_201, %and3A_691] : memref<500x32xf32, #tpu.memory_space<vmem>>[vector<16xi32>, vector<16xi32>], vector<16xf32>,
        %gather3A_696 = tpu.vector_load_idx %arg22[%and3A_691] : memref<32xf32, #tpu.memory_space<vmem>>[vector<16xi32>], vector<16xf32>,
        %gather3A_697 = tpu.vector_load_idx %arg23[%and3A_691] : memref<32xf32, #tpu.memory_space<vmem>>[vector<16xi32>], vector<16xf32>,
        %mul3A_698 = arith.mulf %gather3A_692, %gather3A_694 : vector<16xf32>
        %mul3A_699 = arith.mulf %gather3A_693, %gather3A_695 : vector<16xf32>
        %add3A_700 = arith.addf %mul3A_698, %mul3A_699 : vector<16xf32>
        %add3A_701 = arith.addf %add3A_700, %gather3A_696 : vector<16xf32>
        %max3A_702 = arith.constant 0.000000e+00 : f32
        %max3A_703 = vector.broadcast %max3A_702 : f32 to vector<16xf32>
        %max3A_704 = arith.maximumf %add3A_701, %max3A_703 : vector<16xf32>
        %mul3A_705 = arith.mulf %max3A_704, %gather3A_697 : vector<16xf32>
        %add3A_706 = arith.addf %add3A_685, %mul3A_705 : vector<16xf32>
        %add3A_707 = arith.constant 24 : i32
        %add3A_708 = vector.broadcast %add3A_707 : i32 to vector<16xi32>
        %add3A_709 = arith.addi %iota3A, %add3A_708 : vector<16xi32>
        %and3A_710 = arith.constant 31 : i32
        %and3A_711 = vector.broadcast %and3A_710 : i32 to vector<16xi32>
        %and3A_712 = arith.andi %add3A_709, %and3A_711 : vector<16xi32>
        %gather3A_713 = tpu.vector_load_idx %arg15[%add3A_203, %and3A_712] : memref<512x32xf32, #tpu.memory_space<vmem>>[vector<16xi32>, vector<16xi32>], vector<16xf32>,
        %gather3A_714 = tpu.vector_load_idx %arg16[%add3A_203, %and3A_712] : memref<512x32xf32, #tpu.memory_space<vmem>>[vector<16xi32>, vector<16xi32>], vector<16xf32>,
        %gather3A_715 = tpu.vector_load_idx %arg12[%get3A_201, %and3A_712] : memref<500x32xf32, #tpu.memory_space<vmem>>[vector<16xi32>, vector<16xi32>], vector<16xf32>,
        %gather3A_716 = tpu.vector_load_idx %arg13[%get3A_201, %and3A_712] : memref<500x32xf32, #tpu.memory_space<vmem>>[vector<16xi32>, vector<16xi32>], vector<16xf32>,
        %gather3A_717 = tpu.vector_load_idx %arg22[%and3A_712] : memref<32xf32, #tpu.memory_space<vmem>>[vector<16xi32>], vector<16xf32>,
        %gather3A_718 = tpu.vector_load_idx %arg23[%and3A_712] : memref<32xf32, #tpu.memory_space<vmem>>[vector<16xi32>], vector<16xf32>,
        %mul3A_719 = arith.mulf %gather3A_713, %gather3A_715 : vector<16xf32>
        %mul3A_720 = arith.mulf %gather3A_714, %gather3A_716 : vector<16xf32>
        %add3A_721 = arith.addf %mul3A_719, %mul3A_720 : vector<16xf32>
        %add3A_722 = arith.addf %add3A_721, %gather3A_717 : vector<16xf32>
        %max3A_723 = arith.constant 0.000000e+00 : f32
        %max3A_724 = vector.broadcast %max3A_723 : f32 to vector<16xf32>
        %max3A_725 = arith.maximumf %add3A_722, %max3A_724 : vector<16xf32>
        %mul3A_726 = arith.mulf %max3A_725, %gather3A_718 : vector<16xf32>
        %add3A_727 = arith.addf %add3A_706, %mul3A_726 : vector<16xf32>
        %add3A_728 = arith.constant 25 : i32
        %add3A_729 = vector.broadcast %add3A_728 : i32 to vector<16xi32>
        %add3A_730 = arith.addi %iota3A, %add3A_729 : vector<16xi32>
        %and3A_731 = arith.constant 31 : i32
        %and3A_732 = vector.broadcast %and3A_731 : i32 to vector<16xi32>
        %and3A_733 = arith.andi %add3A_730, %and3A_732 : vector<16xi32>
        %gather3A_734 = tpu.vector_load_idx %arg15[%add3A_203, %and3A_733] : memref<512x32xf32, #tpu.memory_space<vmem>>[vector<16xi32>, vector<16xi32>], vector<16xf32>,
        %gather3A_735 = tpu.vector_load_idx %arg16[%add3A_203, %and3A_733] : memref<512x32xf32, #tpu.memory_space<vmem>>[vector<16xi32>, vector<16xi32>], vector<16xf32>,
        %gather3A_736 = tpu.vector_load_idx %arg12[%get3A_201, %and3A_733] : memref<500x32xf32, #tpu.memory_space<vmem>>[vector<16xi32>, vector<16xi32>], vector<16xf32>,
        %gather3A_737 = tpu.vector_load_idx %arg13[%get3A_201, %and3A_733] : memref<500x32xf32, #tpu.memory_space<vmem>>[vector<16xi32>, vector<16xi32>], vector<16xf32>,
        %gather3A_738 = tpu.vector_load_idx %arg22[%and3A_733] : memref<32xf32, #tpu.memory_space<vmem>>[vector<16xi32>], vector<16xf32>,
        %gather3A_739 = tpu.vector_load_idx %arg23[%and3A_733] : memref<32xf32, #tpu.memory_space<vmem>>[vector<16xi32>], vector<16xf32>,
        %mul3A_740 = arith.mulf %gather3A_734, %gather3A_736 : vector<16xf32>
        %mul3A_741 = arith.mulf %gather3A_735, %gather3A_737 : vector<16xf32>
        %add3A_742 = arith.addf %mul3A_740, %mul3A_741 : vector<16xf32>
        %add3A_743 = arith.addf %add3A_742, %gather3A_738 : vector<16xf32>
        %max3A_744 = arith.constant 0.000000e+00 : f32
        %max3A_745 = vector.broadcast %max3A_744 : f32 to vector<16xf32>
        %max3A_746 = arith.maximumf %add3A_743, %max3A_745 : vector<16xf32>
        %mul3A_747 = arith.mulf %max3A_746, %gather3A_739 : vector<16xf32>
        %add3A_748 = arith.addf %add3A_727, %mul3A_747 : vector<16xf32>
        %add3A_749 = arith.constant 26 : i32
        %add3A_750 = vector.broadcast %add3A_749 : i32 to vector<16xi32>
        %add3A_751 = arith.addi %iota3A, %add3A_750 : vector<16xi32>
        %and3A_752 = arith.constant 31 : i32
        %and3A_753 = vector.broadcast %and3A_752 : i32 to vector<16xi32>
        %and3A_754 = arith.andi %add3A_751, %and3A_753 : vector<16xi32>
        %gather3A_755 = tpu.vector_load_idx %arg15[%add3A_203, %and3A_754] : memref<512x32xf32, #tpu.memory_space<vmem>>[vector<16xi32>, vector<16xi32>], vector<16xf32>,
        %gather3A_756 = tpu.vector_load_idx %arg16[%add3A_203, %and3A_754] : memref<512x32xf32, #tpu.memory_space<vmem>>[vector<16xi32>, vector<16xi32>], vector<16xf32>,
        %gather3A_757 = tpu.vector_load_idx %arg12[%get3A_201, %and3A_754] : memref<500x32xf32, #tpu.memory_space<vmem>>[vector<16xi32>, vector<16xi32>], vector<16xf32>,
        %gather3A_758 = tpu.vector_load_idx %arg13[%get3A_201, %and3A_754] : memref<500x32xf32, #tpu.memory_space<vmem>>[vector<16xi32>, vector<16xi32>], vector<16xf32>,
        %gather3A_759 = tpu.vector_load_idx %arg22[%and3A_754] : memref<32xf32, #tpu.memory_space<vmem>>[vector<16xi32>], vector<16xf32>,
        %gather3A_760 = tpu.vector_load_idx %arg23[%and3A_754] : memref<32xf32, #tpu.memory_space<vmem>>[vector<16xi32>], vector<16xf32>,
        %mul3A_761 = arith.mulf %gather3A_755, %gather3A_757 : vector<16xf32>
        %mul3A_762 = arith.mulf %gather3A_756, %gather3A_758 : vector<16xf32>
        %add3A_763 = arith.addf %mul3A_761, %mul3A_762 : vector<16xf32>
        %add3A_764 = arith.addf %add3A_763, %gather3A_759 : vector<16xf32>
        %max3A_765 = arith.constant 0.000000e+00 : f32
        %max3A_766 = vector.broadcast %max3A_765 : f32 to vector<16xf32>
        %max3A_767 = arith.maximumf %add3A_764, %max3A_766 : vector<16xf32>
        %mul3A_768 = arith.mulf %max3A_767, %gather3A_760 : vector<16xf32>
        %add3A_769 = arith.addf %add3A_748, %mul3A_768 : vector<16xf32>
        %add3A_770 = arith.constant 27 : i32
        %add3A_771 = vector.broadcast %add3A_770 : i32 to vector<16xi32>
        %add3A_772 = arith.addi %iota3A, %add3A_771 : vector<16xi32>
        %and3A_773 = arith.constant 31 : i32
        %and3A_774 = vector.broadcast %and3A_773 : i32 to vector<16xi32>
        %and3A_775 = arith.andi %add3A_772, %and3A_774 : vector<16xi32>
        %gather3A_776 = tpu.vector_load_idx %arg15[%add3A_203, %and3A_775] : memref<512x32xf32, #tpu.memory_space<vmem>>[vector<16xi32>, vector<16xi32>], vector<16xf32>,
        %gather3A_777 = tpu.vector_load_idx %arg16[%add3A_203, %and3A_775] : memref<512x32xf32, #tpu.memory_space<vmem>>[vector<16xi32>, vector<16xi32>], vector<16xf32>,
        %gather3A_778 = tpu.vector_load_idx %arg12[%get3A_201, %and3A_775] : memref<500x32xf32, #tpu.memory_space<vmem>>[vector<16xi32>, vector<16xi32>], vector<16xf32>,
        %gather3A_779 = tpu.vector_load_idx %arg13[%get3A_201, %and3A_775] : memref<500x32xf32, #tpu.memory_space<vmem>>[vector<16xi32>, vector<16xi32>], vector<16xf32>,
        %gather3A_780 = tpu.vector_load_idx %arg22[%and3A_775] : memref<32xf32, #tpu.memory_space<vmem>>[vector<16xi32>], vector<16xf32>,
        %gather3A_781 = tpu.vector_load_idx %arg23[%and3A_775] : memref<32xf32, #tpu.memory_space<vmem>>[vector<16xi32>], vector<16xf32>,
        %mul3A_782 = arith.mulf %gather3A_776, %gather3A_778 : vector<16xf32>
        %mul3A_783 = arith.mulf %gather3A_777, %gather3A_779 : vector<16xf32>
        %add3A_784 = arith.addf %mul3A_782, %mul3A_783 : vector<16xf32>
        %add3A_785 = arith.addf %add3A_784, %gather3A_780 : vector<16xf32>
        %max3A_786 = arith.constant 0.000000e+00 : f32
        %max3A_787 = vector.broadcast %max3A_786 : f32 to vector<16xf32>
        %max3A_788 = arith.maximumf %add3A_785, %max3A_787 : vector<16xf32>
        %mul3A_789 = arith.mulf %max3A_788, %gather3A_781 : vector<16xf32>
        %add3A_790 = arith.addf %add3A_769, %mul3A_789 : vector<16xf32>
        %add3A_791 = arith.constant 28 : i32
        %add3A_792 = vector.broadcast %add3A_791 : i32 to vector<16xi32>
        %add3A_793 = arith.addi %iota3A, %add3A_792 : vector<16xi32>
        %and3A_794 = arith.constant 31 : i32
        %and3A_795 = vector.broadcast %and3A_794 : i32 to vector<16xi32>
        %and3A_796 = arith.andi %add3A_793, %and3A_795 : vector<16xi32>
        %gather3A_797 = tpu.vector_load_idx %arg15[%add3A_203, %and3A_796] : memref<512x32xf32, #tpu.memory_space<vmem>>[vector<16xi32>, vector<16xi32>], vector<16xf32>,
        %gather3A_798 = tpu.vector_load_idx %arg16[%add3A_203, %and3A_796] : memref<512x32xf32, #tpu.memory_space<vmem>>[vector<16xi32>, vector<16xi32>], vector<16xf32>,
        %gather3A_799 = tpu.vector_load_idx %arg12[%get3A_201, %and3A_796] : memref<500x32xf32, #tpu.memory_space<vmem>>[vector<16xi32>, vector<16xi32>], vector<16xf32>,
        %gather3A_800 = tpu.vector_load_idx %arg13[%get3A_201, %and3A_796] : memref<500x32xf32, #tpu.memory_space<vmem>>[vector<16xi32>, vector<16xi32>], vector<16xf32>,
        %gather3A_801 = tpu.vector_load_idx %arg22[%and3A_796] : memref<32xf32, #tpu.memory_space<vmem>>[vector<16xi32>], vector<16xf32>,
        %gather3A_802 = tpu.vector_load_idx %arg23[%and3A_796] : memref<32xf32, #tpu.memory_space<vmem>>[vector<16xi32>], vector<16xf32>,
        %mul3A_803 = arith.mulf %gather3A_797, %gather3A_799 : vector<16xf32>
        %mul3A_804 = arith.mulf %gather3A_798, %gather3A_800 : vector<16xf32>
        %add3A_805 = arith.addf %mul3A_803, %mul3A_804 : vector<16xf32>
        %add3A_806 = arith.addf %add3A_805, %gather3A_801 : vector<16xf32>
        %max3A_807 = arith.constant 0.000000e+00 : f32
        %max3A_808 = vector.broadcast %max3A_807 : f32 to vector<16xf32>
        %max3A_809 = arith.maximumf %add3A_806, %max3A_808 : vector<16xf32>
        %mul3A_810 = arith.mulf %max3A_809, %gather3A_802 : vector<16xf32>
        %add3A_811 = arith.addf %add3A_790, %mul3A_810 : vector<16xf32>
        %add3A_812 = arith.constant 29 : i32
        %add3A_813 = vector.broadcast %add3A_812 : i32 to vector<16xi32>
        %add3A_814 = arith.addi %iota3A, %add3A_813 : vector<16xi32>
        %and3A_815 = arith.constant 31 : i32
        %and3A_816 = vector.broadcast %and3A_815 : i32 to vector<16xi32>
        %and3A_817 = arith.andi %add3A_814, %and3A_816 : vector<16xi32>
        %gather3A_818 = tpu.vector_load_idx %arg15[%add3A_203, %and3A_817] : memref<512x32xf32, #tpu.memory_space<vmem>>[vector<16xi32>, vector<16xi32>], vector<16xf32>,
        %gather3A_819 = tpu.vector_load_idx %arg16[%add3A_203, %and3A_817] : memref<512x32xf32, #tpu.memory_space<vmem>>[vector<16xi32>, vector<16xi32>], vector<16xf32>,
        %gather3A_820 = tpu.vector_load_idx %arg12[%get3A_201, %and3A_817] : memref<500x32xf32, #tpu.memory_space<vmem>>[vector<16xi32>, vector<16xi32>], vector<16xf32>,
        %gather3A_821 = tpu.vector_load_idx %arg13[%get3A_201, %and3A_817] : memref<500x32xf32, #tpu.memory_space<vmem>>[vector<16xi32>, vector<16xi32>], vector<16xf32>,
        %gather3A_822 = tpu.vector_load_idx %arg22[%and3A_817] : memref<32xf32, #tpu.memory_space<vmem>>[vector<16xi32>], vector<16xf32>,
        %gather3A_823 = tpu.vector_load_idx %arg23[%and3A_817] : memref<32xf32, #tpu.memory_space<vmem>>[vector<16xi32>], vector<16xf32>,
        %mul3A_824 = arith.mulf %gather3A_818, %gather3A_820 : vector<16xf32>
        %mul3A_825 = arith.mulf %gather3A_819, %gather3A_821 : vector<16xf32>
        %add3A_826 = arith.addf %mul3A_824, %mul3A_825 : vector<16xf32>
        %add3A_827 = arith.addf %add3A_826, %gather3A_822 : vector<16xf32>
        %max3A_828 = arith.constant 0.000000e+00 : f32
        %max3A_829 = vector.broadcast %max3A_828 : f32 to vector<16xf32>
        %max3A_830 = arith.maximumf %add3A_827, %max3A_829 : vector<16xf32>
        %mul3A_831 = arith.mulf %max3A_830, %gather3A_823 : vector<16xf32>
        %add3A_832 = arith.addf %add3A_811, %mul3A_831 : vector<16xf32>
        %add3A_833 = arith.constant 30 : i32
        %add3A_834 = vector.broadcast %add3A_833 : i32 to vector<16xi32>
        %add3A_835 = arith.addi %iota3A, %add3A_834 : vector<16xi32>
        %and3A_836 = arith.constant 31 : i32
        %and3A_837 = vector.broadcast %and3A_836 : i32 to vector<16xi32>
        %and3A_838 = arith.andi %add3A_835, %and3A_837 : vector<16xi32>
        %gather3A_839 = tpu.vector_load_idx %arg15[%add3A_203, %and3A_838] : memref<512x32xf32, #tpu.memory_space<vmem>>[vector<16xi32>, vector<16xi32>], vector<16xf32>,
        %gather3A_840 = tpu.vector_load_idx %arg16[%add3A_203, %and3A_838] : memref<512x32xf32, #tpu.memory_space<vmem>>[vector<16xi32>, vector<16xi32>], vector<16xf32>,
        %gather3A_841 = tpu.vector_load_idx %arg12[%get3A_201, %and3A_838] : memref<500x32xf32, #tpu.memory_space<vmem>>[vector<16xi32>, vector<16xi32>], vector<16xf32>,
        %gather3A_842 = tpu.vector_load_idx %arg13[%get3A_201, %and3A_838] : memref<500x32xf32, #tpu.memory_space<vmem>>[vector<16xi32>, vector<16xi32>], vector<16xf32>,
        %gather3A_843 = tpu.vector_load_idx %arg22[%and3A_838] : memref<32xf32, #tpu.memory_space<vmem>>[vector<16xi32>], vector<16xf32>,
        %gather3A_844 = tpu.vector_load_idx %arg23[%and3A_838] : memref<32xf32, #tpu.memory_space<vmem>>[vector<16xi32>], vector<16xf32>,
        %mul3A_845 = arith.mulf %gather3A_839, %gather3A_841 : vector<16xf32>
        %mul3A_846 = arith.mulf %gather3A_840, %gather3A_842 : vector<16xf32>
        %add3A_847 = arith.addf %mul3A_845, %mul3A_846 : vector<16xf32>
        %add3A_848 = arith.addf %add3A_847, %gather3A_843 : vector<16xf32>
        %max3A_849 = arith.constant 0.000000e+00 : f32
        %max3A_850 = vector.broadcast %max3A_849 : f32 to vector<16xf32>
        %max3A_851 = arith.maximumf %add3A_848, %max3A_850 : vector<16xf32>
        %mul3A_852 = arith.mulf %max3A_851, %gather3A_844 : vector<16xf32>
        %add3A_853 = arith.addf %add3A_832, %mul3A_852 : vector<16xf32>
        %add3A_854 = arith.constant 31 : i32
        %add3A_855 = vector.broadcast %add3A_854 : i32 to vector<16xi32>
        %add3A_856 = arith.addi %iota3A, %add3A_855 : vector<16xi32>
        %and3A_857 = arith.constant 31 : i32
        %and3A_858 = vector.broadcast %and3A_857 : i32 to vector<16xi32>
        %and3A_859 = arith.andi %add3A_856, %and3A_858 : vector<16xi32>
        %gather3A_860 = tpu.vector_load_idx %arg15[%add3A_203, %and3A_859] : memref<512x32xf32, #tpu.memory_space<vmem>>[vector<16xi32>, vector<16xi32>], vector<16xf32>,
        %gather3A_861 = tpu.vector_load_idx %arg16[%add3A_203, %and3A_859] : memref<512x32xf32, #tpu.memory_space<vmem>>[vector<16xi32>, vector<16xi32>], vector<16xf32>,
        %gather3A_862 = tpu.vector_load_idx %arg12[%get3A_201, %and3A_859] : memref<500x32xf32, #tpu.memory_space<vmem>>[vector<16xi32>, vector<16xi32>], vector<16xf32>,
        %gather3A_863 = tpu.vector_load_idx %arg13[%get3A_201, %and3A_859] : memref<500x32xf32, #tpu.memory_space<vmem>>[vector<16xi32>, vector<16xi32>], vector<16xf32>,
        %gather3A_864 = tpu.vector_load_idx %arg22[%and3A_859] : memref<32xf32, #tpu.memory_space<vmem>>[vector<16xi32>], vector<16xf32>,
        %gather3A_865 = tpu.vector_load_idx %arg23[%and3A_859] : memref<32xf32, #tpu.memory_space<vmem>>[vector<16xi32>], vector<16xf32>,
        %mul3A_866 = arith.mulf %gather3A_860, %gather3A_862 : vector<16xf32>
        %mul3A_867 = arith.mulf %gather3A_861, %gather3A_863 : vector<16xf32>
        %add3A_868 = arith.addf %mul3A_866, %mul3A_867 : vector<16xf32>
        %add3A_869 = arith.addf %add3A_868, %gather3A_864 : vector<16xf32>
        %max3A_870 = arith.constant 0.000000e+00 : f32
        %max3A_871 = vector.broadcast %max3A_870 : f32 to vector<16xf32>
        %max3A_872 = arith.maximumf %add3A_869, %max3A_871 : vector<16xf32>
        %mul3A_873 = arith.mulf %max3A_872, %gather3A_865 : vector<16xf32>
        %add3A_874 = arith.addf %add3A_853, %mul3A_873 : vector<16xf32>
        %exp3A = math.exp %add3A_874 : vector<16xf32>
        %swap3A = arith.index_cast %mul3A_197 : i32 to index
        %swap3A_875 = tpu.vector_load %arg20[%swap3A] {strides = array<i32>} : memref<512xf32, #tpu.memory_space<vmem>>, vector<16xf32>,
        tpu.vector_store %arg20[%swap3A], %exp3A {strides = array<i32>} : memref<512xf32, #tpu.memory_space<vmem>>, vector<16xf32>,
        tpu.vector_store_idx %arg14[%get3A_199], %exp3A {add = true} : memref<50048xf32, #tpu.memory_space<vmem>>[vector<16xi32>], vector<16xf32>,
        %scan3A_876 = arith.constant 0 : i32
        scf.yield %scan3A_876 : i32
      }
      %scan3A_192 = arith.constant 32 : i32
      "tpu.region"() ({
        %run_scoped3A = tpu.sem_alloc : memref<!tpu.dma_semaphore, #tpu.memory_space<semaphore_mem>>
        %dma_start3A_194 = tpu.memref_slice %arg10[%add3A_59] : memref<802816xf32, #tpu.memory_space<hbm>> -> memref<512xf32, #tpu.memory_space<hbm>>
        %dma_start3A_195 = tpu.memref_slice %arg10[%add3A_59] : memref<802816xf32, #tpu.memory_space<hbm>> -> memref<512xf32, #tpu.memory_space<hbm>>
        tpu.enqueue_dma source(%arg20 : memref<512xf32, #tpu.memory_space<vmem>>) target(%dma_start3A_195 : memref<512xf32, #tpu.memory_space<hbm>>) target_semaphore(%run_scoped3A : memref<!tpu.dma_semaphore, #tpu.memory_space<semaphore_mem>>)
        %dma_wait3A_196 = tpu.memref_slice %arg10[%add3A_59] : memref<802816xf32, #tpu.memory_space<hbm>> -> memref<512xf32, #tpu.memory_space<hbm>>
        %dma_wait3A_197 = tpu.memref_slice %arg10[%add3A_59] : memref<802816xf32, #tpu.memory_space<hbm>> -> memref<512xf32, #tpu.memory_space<hbm>>
        tpu.wait_dma2 semaphore(%run_scoped3A : memref<!tpu.dma_semaphore, #tpu.memory_space<semaphore_mem>>) src(%arg20 : memref<512xf32, #tpu.memory_space<vmem>>) dst(%dma_wait3A_197 : memref<512xf32, #tpu.memory_space<hbm>>)
        tpu.yield
      }) : () -> ()
      %scan3A_193 = arith.constant 0 : i32
      scf.yield %scan3A_193 : i32
    }
    %scan3A_52 = arith.constant 49 : i32
    "tpu.region"() ({
      %run_scoped3A = tpu.sem_alloc : memref<!tpu.dma_semaphore, #tpu.memory_space<semaphore_mem>>
      %dma_start3A = arith.constant 0 : i32
      %dma_start3A_53 = tpu.memref_slice %arg11[%add3A, %dma_start3A] : memref<32x50048xf32, #tpu.memory_space<hbm>> -> memref<1x50048xf32, #tpu.memory_space<hbm>>
      %dma_start3A_54 = tpu.memref_squeeze %dma_start3A_53 : memref<1x50048xf32, #tpu.memory_space<hbm>> -> memref<50048xf32, #tpu.memory_space<hbm>>
      %dma_start3A_55 = arith.constant 0 : i32
      %dma_start3A_56 = tpu.memref_slice %arg11[%add3A, %dma_start3A_55] : memref<32x50048xf32, #tpu.memory_space<hbm>> -> memref<1x50048xf32, #tpu.memory_space<hbm>>
      %dma_start3A_57 = tpu.memref_squeeze %dma_start3A_56 : memref<1x50048xf32, #tpu.memory_space<hbm>> -> memref<50048xf32, #tpu.memory_space<hbm>>
      tpu.enqueue_dma source(%arg14 : memref<50048xf32, #tpu.memory_space<vmem>>) target(%dma_start3A_57 : memref<50048xf32, #tpu.memory_space<hbm>>) target_semaphore(%run_scoped3A : memref<!tpu.dma_semaphore, #tpu.memory_space<semaphore_mem>>)
      %dma_wait3A = arith.constant 0 : i32
      %dma_wait3A_58 = tpu.memref_slice %arg11[%add3A, %dma_wait3A] : memref<32x50048xf32, #tpu.memory_space<hbm>> -> memref<1x50048xf32, #tpu.memory_space<hbm>>
      %dma_wait3A_59 = tpu.memref_squeeze %dma_wait3A_58 : memref<1x50048xf32, #tpu.memory_space<hbm>> -> memref<50048xf32, #tpu.memory_space<hbm>>
      %dma_wait3A_60 = arith.constant 0 : i32
      %dma_wait3A_61 = tpu.memref_slice %arg11[%add3A, %dma_wait3A_60] : memref<32x50048xf32, #tpu.memory_space<hbm>> -> memref<1x50048xf32, #tpu.memory_space<hbm>>
      %dma_wait3A_62 = tpu.memref_squeeze %dma_wait3A_61 : memref<1x50048xf32, #tpu.memory_space<hbm>> -> memref<50048xf32, #tpu.memory_space<hbm>>
      tpu.wait_dma2 semaphore(%run_scoped3A : memref<!tpu.dma_semaphore, #tpu.memory_space<semaphore_mem>>) src(%arg14 : memref<50048xf32, #tpu.memory_space<vmem>>) dst(%dma_wait3A_62 : memref<50048xf32, #tpu.memory_space<hbm>>)
      tpu.yield
    }) : () -> ()
    return
  }
}

#map = affine_map<(d0, d1) -> (0)>
#map1 = affine_map<(d0, d1) -> (0, 0)>
module attributes {stable_mosaic.version = 14 : i64} {
  func.func @attflow_k2(%arg0: i32, %arg1: i32, %arg2: memref<802816xi32, #tpu.memory_space<hbm>>, %arg3: memref<802816xi32, #tpu.memory_space<hbm>>, %arg4: memref<802816xf32, #tpu.memory_space<hbm>>, %arg5: memref<391x128xf32, #tpu.memory_space<hbm>>, %arg6: memref<391x128xf32, #tpu.memory_space<hbm>>, %arg7: memref<32x50048xf32, #tpu.memory_space<hbm>>, %arg8: memref<50048xf32, #tpu.memory_space<vmem>>, %arg9: memref<50048xf32, #tpu.memory_space<vmem>>, %arg10: memref<23x128xf32, #tpu.memory_space<vmem>>, %arg11: memref<23x128xf32, #tpu.memory_space<vmem>>, %arg12: memref<512xi32, #tpu.memory_space<vmem>>, %arg13: memref<512xi32, #tpu.memory_space<vmem>>, %arg14: memref<512xf32, #tpu.memory_space<vmem>>, %arg15: memref<!tpu.dma_semaphore, #tpu.memory_space<semaphore_mem>>) attributes {dimension_semantics = [#tpu.dimension_semantics<core_parallel>, #tpu.dimension_semantics<subcore_parallel>], iteration_bounds = array<i64: 2, 16>, scalar_prefetch = 0 : i64, scratch_operands = 8 : i64, tpu.core_type = #tpu.core_type<sc_vector_subcore>, window_params = [{transform_indices = #map}, {transform_indices = #map}, {transform_indices = #map}, {transform_indices = #map1}, {transform_indices = #map1}, {transform_indices = #map1}]} {
    %mul3A = arith.constant 2 : i32
    %mul3A_0 = arith.muli %arg1, %mul3A : i32
    %add3A = arith.addi %mul3A_0, %arg0 : i32
    %broadcast_in_dim3A = arith.constant 0.000000e+00 : f32
    %broadcast_in_dim3A_1 = vector.broadcast %broadcast_in_dim3A : f32 to vector<16xf32>
    %scan3A = arith.constant 0 : i32
    %scan3A_2 = arith.constant 0 : i32
    %scan3A_3 = arith.constant 3128 : i32
    %scan3A_4 = arith.addi %scan3A_2, %scan3A_3 : i32
    %scan3A_5 = arith.constant 1 : i32
    %scan3A_6 = scf.for %scan3A_22 = %scan3A_2 to %scan3A_4 step %scan3A_5 iter_args(%scan3A_23 = %scan3A) -> (i32)  : i32 {
      %mul3A_24 = arith.constant 16 : i32
      %mul3A_25 = arith.muli %scan3A_22, %mul3A_24 : i32
      %swap3A = arith.index_cast %mul3A_25 : i32 to index
      %swap3A_26 = tpu.vector_load %arg9[%swap3A] {strides = array<i32>} : memref<50048xf32, #tpu.memory_space<vmem>>, vector<16xf32>,
      tpu.vector_store %arg9[%swap3A], %broadcast_in_dim3A_1 {strides = array<i32>} : memref<50048xf32, #tpu.memory_space<vmem>>, vector<16xf32>,
      %scan3A_27 = arith.constant 0 : i32
      scf.yield %scan3A_27 : i32
    }
    %scan3A_7 = arith.constant 3128 : i32
    %scan3A_8 = arith.constant 0 : i32
    %scan3A_9 = arith.constant 0 : i32
    %scan3A_10 = arith.constant 17 : i32
    %scan3A_11 = arith.addi %scan3A_9, %scan3A_10 : i32
    %scan3A_12 = arith.constant 1 : i32
    %scan3A_13 = scf.for %scan3A_22 = %scan3A_9 to %scan3A_11 step %scan3A_12 iter_args(%scan3A_23 = %scan3A_8) -> (i32)  : i32 {
      %mul3A_24 = arith.constant 23 : i32
      %mul3A_25 = arith.muli %scan3A_22, %mul3A_24 : i32
      "tpu.region"() ({
        %run_scoped3A = tpu.sem_alloc : memref<!tpu.dma_semaphore, #tpu.memory_space<semaphore_mem>>
        %dma_start3A = arith.constant 0 : i32
        %dma_start3A_36 = tpu.memref_slice %arg5[%mul3A_25, %dma_start3A] : memref<391x128xf32, #tpu.memory_space<hbm>> -> memref<23x128xf32, #tpu.memory_space<hbm>>
        %dma_start3A_37 = arith.constant 0 : i32
        %dma_start3A_38 = tpu.memref_slice %arg5[%mul3A_25, %dma_start3A_37] : memref<391x128xf32, #tpu.memory_space<hbm>> -> memref<23x128xf32, #tpu.memory_space<hbm>>
        tpu.enqueue_dma source(%dma_start3A_38 : memref<23x128xf32, #tpu.memory_space<hbm>>) target(%arg10 : memref<23x128xf32, #tpu.memory_space<vmem>>) target_semaphore(%run_scoped3A : memref<!tpu.dma_semaphore, #tpu.memory_space<semaphore_mem>>)
        %dma_wait3A = arith.constant 0 : i32
        %dma_wait3A_39 = tpu.memref_slice %arg5[%mul3A_25, %dma_wait3A] : memref<391x128xf32, #tpu.memory_space<hbm>> -> memref<23x128xf32, #tpu.memory_space<hbm>>
        %dma_wait3A_40 = arith.constant 0 : i32
        %dma_wait3A_41 = tpu.memref_slice %arg5[%mul3A_25, %dma_wait3A_40] : memref<391x128xf32, #tpu.memory_space<hbm>> -> memref<23x128xf32, #tpu.memory_space<hbm>>
        tpu.wait_dma2 semaphore(%run_scoped3A : memref<!tpu.dma_semaphore, #tpu.memory_space<semaphore_mem>>) src(%dma_wait3A_41 : memref<23x128xf32, #tpu.memory_space<hbm>>) dst(%arg10 : memref<23x128xf32, #tpu.memory_space<vmem>>)
        tpu.yield
      }) : () -> ()
      %mul3A_26 = arith.constant 23 : i32
      %mul3A_27 = arith.muli %scan3A_22, %mul3A_26 : i32
      "tpu.region"() ({
        %run_scoped3A = tpu.sem_alloc : memref<!tpu.dma_semaphore, #tpu.memory_space<semaphore_mem>>
        %dma_start3A = arith.constant 0 : i32
        %dma_start3A_36 = tpu.memref_slice %arg6[%mul3A_27, %dma_start3A] : memref<391x128xf32, #tpu.memory_space<hbm>> -> memref<23x128xf32, #tpu.memory_space<hbm>>
        %dma_start3A_37 = arith.constant 0 : i32
        %dma_start3A_38 = tpu.memref_slice %arg6[%mul3A_27, %dma_start3A_37] : memref<391x128xf32, #tpu.memory_space<hbm>> -> memref<23x128xf32, #tpu.memory_space<hbm>>
        tpu.enqueue_dma source(%dma_start3A_38 : memref<23x128xf32, #tpu.memory_space<hbm>>) target(%arg11 : memref<23x128xf32, #tpu.memory_space<vmem>>) target_semaphore(%run_scoped3A : memref<!tpu.dma_semaphore, #tpu.memory_space<semaphore_mem>>)
        %dma_wait3A = arith.constant 0 : i32
        %dma_wait3A_39 = tpu.memref_slice %arg6[%mul3A_27, %dma_wait3A] : memref<391x128xf32, #tpu.memory_space<hbm>> -> memref<23x128xf32, #tpu.memory_space<hbm>>
        %dma_wait3A_40 = arith.constant 0 : i32
        %dma_wait3A_41 = tpu.memref_slice %arg6[%mul3A_27, %dma_wait3A_40] : memref<391x128xf32, #tpu.memory_space<hbm>> -> memref<23x128xf32, #tpu.memory_space<hbm>>
        tpu.wait_dma2 semaphore(%run_scoped3A : memref<!tpu.dma_semaphore, #tpu.memory_space<semaphore_mem>>) src(%dma_wait3A_41 : memref<23x128xf32, #tpu.memory_space<hbm>>) dst(%arg11 : memref<23x128xf32, #tpu.memory_space<vmem>>)
        tpu.yield
      }) : () -> ()
      %scan3A_28 = arith.constant 0 : i32
      %scan3A_29 = arith.constant 0 : i32
      %scan3A_30 = arith.constant 23 : i32
      %scan3A_31 = arith.addi %scan3A_29, %scan3A_30 : i32
      %scan3A_32 = arith.constant 1 : i32
      %scan3A_33 = scf.for %scan3A_36 = %scan3A_29 to %scan3A_31 step %scan3A_32 iter_args(%scan3A_37 = %scan3A_28) -> (i32)  : i32 {
        %mul3A_38 = arith.constant 23 : i32
        %mul3A_39 = arith.muli %scan3A_22, %mul3A_38 : i32
        %add3A_40 = arith.addi %mul3A_39, %scan3A_36 : i32
        %mul3A_41 = arith.constant 128 : i32
        %mul3A_42 = arith.muli %add3A_40, %mul3A_41 : i32
        %get3A = arith.index_cast %scan3A_36 : i32 to index
        %get3A_43 = arith.constant 0 : index
        %get3A_44 = tpu.vector_load %arg10[%get3A, %get3A_43] {strides = array<i32>} : memref<23x128xf32, #tpu.memory_space<vmem>>, vector<16xf32>,
        %get3A_45 = arith.index_cast %scan3A_36 : i32 to index
        %get3A_46 = arith.constant 0 : index
        %get3A_47 = tpu.vector_load %arg11[%get3A_45, %get3A_46] {strides = array<i32>} : memref<23x128xf32, #tpu.memory_space<vmem>>, vector<16xf32>,
        %div3A = arith.divf %get3A_44, %get3A_47 : vector<16xf32>
        %add3A_48 = arith.constant 0 : i32
        %add3A_49 = arith.addi %mul3A_42, %add3A_48 : i32
        %swap3A = arith.index_cast %add3A_49 : i32 to index
        %swap3A_50 = tpu.vector_load %arg8[%swap3A] {strides = array<i32>} : memref<50048xf32, #tpu.memory_space<vmem>>, vector<16xf32>,
        tpu.vector_store %arg8[%swap3A], %div3A {strides = array<i32>} : memref<50048xf32, #tpu.memory_space<vmem>>, vector<16xf32>,
        %get3A_51 = arith.index_cast %scan3A_36 : i32 to index
        %get3A_52 = arith.constant 16 : index
        %get3A_53 = tpu.vector_load %arg10[%get3A_51, %get3A_52] {strides = array<i32>} : memref<23x128xf32, #tpu.memory_space<vmem>>, vector<16xf32>,
        %get3A_54 = arith.index_cast %scan3A_36 : i32 to index
        %get3A_55 = arith.constant 16 : index
        %get3A_56 = tpu.vector_load %arg11[%get3A_54, %get3A_55] {strides = array<i32>} : memref<23x128xf32, #tpu.memory_space<vmem>>, vector<16xf32>,
        %div3A_57 = arith.divf %get3A_53, %get3A_56 : vector<16xf32>
        %add3A_58 = arith.constant 16 : i32
        %add3A_59 = arith.addi %mul3A_42, %add3A_58 : i32
        %swap3A_60 = arith.index_cast %add3A_59 : i32 to index
        %swap3A_61 = tpu.vector_load %arg8[%swap3A_60] {strides = array<i32>} : memref<50048xf32, #tpu.memory_space<vmem>>, vector<16xf32>,
        tpu.vector_store %arg8[%swap3A_60], %div3A_57 {strides = array<i32>} : memref<50048xf32, #tpu.memory_space<vmem>>, vector<16xf32>,
        %get3A_62 = arith.index_cast %scan3A_36 : i32 to index
        %get3A_63 = arith.constant 32 : index
        %get3A_64 = tpu.vector_load %arg10[%get3A_62, %get3A_63] {strides = array<i32>} : memref<23x128xf32, #tpu.memory_space<vmem>>, vector<16xf32>,
        %get3A_65 = arith.index_cast %scan3A_36 : i32 to index
        %get3A_66 = arith.constant 32 : index
        %get3A_67 = tpu.vector_load %arg11[%get3A_65, %get3A_66] {strides = array<i32>} : memref<23x128xf32, #tpu.memory_space<vmem>>, vector<16xf32>,
        %div3A_68 = arith.divf %get3A_64, %get3A_67 : vector<16xf32>
        %add3A_69 = arith.constant 32 : i32
        %add3A_70 = arith.addi %mul3A_42, %add3A_69 : i32
        %swap3A_71 = arith.index_cast %add3A_70 : i32 to index
        %swap3A_72 = tpu.vector_load %arg8[%swap3A_71] {strides = array<i32>} : memref<50048xf32, #tpu.memory_space<vmem>>, vector<16xf32>,
        tpu.vector_store %arg8[%swap3A_71], %div3A_68 {strides = array<i32>} : memref<50048xf32, #tpu.memory_space<vmem>>, vector<16xf32>,
        %get3A_73 = arith.index_cast %scan3A_36 : i32 to index
        %get3A_74 = arith.constant 48 : index
        %get3A_75 = tpu.vector_load %arg10[%get3A_73, %get3A_74] {strides = array<i32>} : memref<23x128xf32, #tpu.memory_space<vmem>>, vector<16xf32>,
        %get3A_76 = arith.index_cast %scan3A_36 : i32 to index
        %get3A_77 = arith.constant 48 : index
        %get3A_78 = tpu.vector_load %arg11[%get3A_76, %get3A_77] {strides = array<i32>} : memref<23x128xf32, #tpu.memory_space<vmem>>, vector<16xf32>,
        %div3A_79 = arith.divf %get3A_75, %get3A_78 : vector<16xf32>
        %add3A_80 = arith.constant 48 : i32
        %add3A_81 = arith.addi %mul3A_42, %add3A_80 : i32
        %swap3A_82 = arith.index_cast %add3A_81 : i32 to index
        %swap3A_83 = tpu.vector_load %arg8[%swap3A_82] {strides = array<i32>} : memref<50048xf32, #tpu.memory_space<vmem>>, vector<16xf32>,
        tpu.vector_store %arg8[%swap3A_82], %div3A_79 {strides = array<i32>} : memref<50048xf32, #tpu.memory_space<vmem>>, vector<16xf32>,
        %get3A_84 = arith.index_cast %scan3A_36 : i32 to index
        %get3A_85 = arith.constant 64 : index
        %get3A_86 = tpu.vector_load %arg10[%get3A_84, %get3A_85] {strides = array<i32>} : memref<23x128xf32, #tpu.memory_space<vmem>>, vector<16xf32>,
        %get3A_87 = arith.index_cast %scan3A_36 : i32 to index
        %get3A_88 = arith.constant 64 : index
        %get3A_89 = tpu.vector_load %arg11[%get3A_87, %get3A_88] {strides = array<i32>} : memref<23x128xf32, #tpu.memory_space<vmem>>, vector<16xf32>,
        %div3A_90 = arith.divf %get3A_86, %get3A_89 : vector<16xf32>
        %add3A_91 = arith.constant 64 : i32
        %add3A_92 = arith.addi %mul3A_42, %add3A_91 : i32
        %swap3A_93 = arith.index_cast %add3A_92 : i32 to index
        %swap3A_94 = tpu.vector_load %arg8[%swap3A_93] {strides = array<i32>} : memref<50048xf32, #tpu.memory_space<vmem>>, vector<16xf32>,
        tpu.vector_store %arg8[%swap3A_93], %div3A_90 {strides = array<i32>} : memref<50048xf32, #tpu.memory_space<vmem>>, vector<16xf32>,
        %get3A_95 = arith.index_cast %scan3A_36 : i32 to index
        %get3A_96 = arith.constant 80 : index
        %get3A_97 = tpu.vector_load %arg10[%get3A_95, %get3A_96] {strides = array<i32>} : memref<23x128xf32, #tpu.memory_space<vmem>>, vector<16xf32>,
        %get3A_98 = arith.index_cast %scan3A_36 : i32 to index
        %get3A_99 = arith.constant 80 : index
        %get3A_100 = tpu.vector_load %arg11[%get3A_98, %get3A_99] {strides = array<i32>} : memref<23x128xf32, #tpu.memory_space<vmem>>, vector<16xf32>,
        %div3A_101 = arith.divf %get3A_97, %get3A_100 : vector<16xf32>
        %add3A_102 = arith.constant 80 : i32
        %add3A_103 = arith.addi %mul3A_42, %add3A_102 : i32
        %swap3A_104 = arith.index_cast %add3A_103 : i32 to index
        %swap3A_105 = tpu.vector_load %arg8[%swap3A_104] {strides = array<i32>} : memref<50048xf32, #tpu.memory_space<vmem>>, vector<16xf32>,
        tpu.vector_store %arg8[%swap3A_104], %div3A_101 {strides = array<i32>} : memref<50048xf32, #tpu.memory_space<vmem>>, vector<16xf32>,
        %get3A_106 = arith.index_cast %scan3A_36 : i32 to index
        %get3A_107 = arith.constant 96 : index
        %get3A_108 = tpu.vector_load %arg10[%get3A_106, %get3A_107] {strides = array<i32>} : memref<23x128xf32, #tpu.memory_space<vmem>>, vector<16xf32>,
        %get3A_109 = arith.index_cast %scan3A_36 : i32 to index
        %get3A_110 = arith.constant 96 : index
        %get3A_111 = tpu.vector_load %arg11[%get3A_109, %get3A_110] {strides = array<i32>} : memref<23x128xf32, #tpu.memory_space<vmem>>, vector<16xf32>,
        %div3A_112 = arith.divf %get3A_108, %get3A_111 : vector<16xf32>
        %add3A_113 = arith.constant 96 : i32
        %add3A_114 = arith.addi %mul3A_42, %add3A_113 : i32
        %swap3A_115 = arith.index_cast %add3A_114 : i32 to index
        %swap3A_116 = tpu.vector_load %arg8[%swap3A_115] {strides = array<i32>} : memref<50048xf32, #tpu.memory_space<vmem>>, vector<16xf32>,
        tpu.vector_store %arg8[%swap3A_115], %div3A_112 {strides = array<i32>} : memref<50048xf32, #tpu.memory_space<vmem>>, vector<16xf32>,
        %get3A_117 = arith.index_cast %scan3A_36 : i32 to index
        %get3A_118 = arith.constant 112 : index
        %get3A_119 = tpu.vector_load %arg10[%get3A_117, %get3A_118] {strides = array<i32>} : memref<23x128xf32, #tpu.memory_space<vmem>>, vector<16xf32>,
        %get3A_120 = arith.index_cast %scan3A_36 : i32 to index
        %get3A_121 = arith.constant 112 : index
        %get3A_122 = tpu.vector_load %arg11[%get3A_120, %get3A_121] {strides = array<i32>} : memref<23x128xf32, #tpu.memory_space<vmem>>, vector<16xf32>,
        %div3A_123 = arith.divf %get3A_119, %get3A_122 : vector<16xf32>
        %add3A_124 = arith.constant 112 : i32
        %add3A_125 = arith.addi %mul3A_42, %add3A_124 : i32
        %swap3A_126 = arith.index_cast %add3A_125 : i32 to index
        %swap3A_127 = tpu.vector_load %arg8[%swap3A_126] {strides = array<i32>} : memref<50048xf32, #tpu.memory_space<vmem>>, vector<16xf32>,
        tpu.vector_store %arg8[%swap3A_126], %div3A_123 {strides = array<i32>} : memref<50048xf32, #tpu.memory_space<vmem>>, vector<16xf32>,
        %scan3A_128 = arith.constant 0 : i32
        scf.yield %scan3A_128 : i32
      }
      %scan3A_34 = arith.constant 23 : i32
      %scan3A_35 = arith.constant 0 : i32
      scf.yield %scan3A_35 : i32
    }
    %scan3A_14 = arith.constant 17 : i32
    %scan3A_15 = arith.constant 0 : i32
    %scan3A_16 = arith.constant 0 : i32
    %scan3A_17 = arith.constant 49 : i32
    %scan3A_18 = arith.addi %scan3A_16, %scan3A_17 : i32
    %scan3A_19 = arith.constant 1 : i32
    %scan3A_20 = scf.for %scan3A_22 = %scan3A_16 to %scan3A_18 step %scan3A_19 iter_args(%scan3A_23 = %scan3A_15) -> (i32)  : i32 {
      %mul3A_24 = arith.constant 25088 : i32
      %mul3A_25 = arith.muli %add3A, %mul3A_24 : i32
      %mul3A_26 = arith.constant 512 : i32
      %mul3A_27 = arith.muli %scan3A_22, %mul3A_26 : i32
      %add3A_28 = arith.addi %mul3A_25, %mul3A_27 : i32
      "tpu.region"() ({
        %run_scoped3A = tpu.sem_alloc : memref<!tpu.dma_semaphore, #tpu.memory_space<semaphore_mem>>
        %dma_start3A = tpu.memref_slice %arg2[%add3A_28] : memref<802816xi32, #tpu.memory_space<hbm>> -> memref<512xi32, #tpu.memory_space<hbm>>
        %dma_start3A_37 = tpu.memref_slice %arg2[%add3A_28] : memref<802816xi32, #tpu.memory_space<hbm>> -> memref<512xi32, #tpu.memory_space<hbm>>
        tpu.enqueue_dma source(%dma_start3A_37 : memref<512xi32, #tpu.memory_space<hbm>>) target(%arg12 : memref<512xi32, #tpu.memory_space<vmem>>) target_semaphore(%run_scoped3A : memref<!tpu.dma_semaphore, #tpu.memory_space<semaphore_mem>>)
        %dma_wait3A = tpu.memref_slice %arg2[%add3A_28] : memref<802816xi32, #tpu.memory_space<hbm>> -> memref<512xi32, #tpu.memory_space<hbm>>
        %dma_wait3A_38 = tpu.memref_slice %arg2[%add3A_28] : memref<802816xi32, #tpu.memory_space<hbm>> -> memref<512xi32, #tpu.memory_space<hbm>>
        tpu.wait_dma2 semaphore(%run_scoped3A : memref<!tpu.dma_semaphore, #tpu.memory_space<semaphore_mem>>) src(%dma_wait3A_38 : memref<512xi32, #tpu.memory_space<hbm>>) dst(%arg12 : memref<512xi32, #tpu.memory_space<vmem>>)
        tpu.yield
      }) : () -> ()
      "tpu.region"() ({
        %run_scoped3A = tpu.sem_alloc : memref<!tpu.dma_semaphore, #tpu.memory_space<semaphore_mem>>
        %dma_start3A = tpu.memref_slice %arg3[%add3A_28] : memref<802816xi32, #tpu.memory_space<hbm>> -> memref<512xi32, #tpu.memory_space<hbm>>
        %dma_start3A_37 = tpu.memref_slice %arg3[%add3A_28] : memref<802816xi32, #tpu.memory_space<hbm>> -> memref<512xi32, #tpu.memory_space<hbm>>
        tpu.enqueue_dma source(%dma_start3A_37 : memref<512xi32, #tpu.memory_space<hbm>>) target(%arg13 : memref<512xi32, #tpu.memory_space<vmem>>) target_semaphore(%run_scoped3A : memref<!tpu.dma_semaphore, #tpu.memory_space<semaphore_mem>>)
        %dma_wait3A = tpu.memref_slice %arg3[%add3A_28] : memref<802816xi32, #tpu.memory_space<hbm>> -> memref<512xi32, #tpu.memory_space<hbm>>
        %dma_wait3A_38 = tpu.memref_slice %arg3[%add3A_28] : memref<802816xi32, #tpu.memory_space<hbm>> -> memref<512xi32, #tpu.memory_space<hbm>>
        tpu.wait_dma2 semaphore(%run_scoped3A : memref<!tpu.dma_semaphore, #tpu.memory_space<semaphore_mem>>) src(%dma_wait3A_38 : memref<512xi32, #tpu.memory_space<hbm>>) dst(%arg13 : memref<512xi32, #tpu.memory_space<vmem>>)
        tpu.yield
      }) : () -> ()
      "tpu.region"() ({
        %run_scoped3A = tpu.sem_alloc : memref<!tpu.dma_semaphore, #tpu.memory_space<semaphore_mem>>
        %dma_start3A = tpu.memref_slice %arg4[%add3A_28] : memref<802816xf32, #tpu.memory_space<hbm>> -> memref<512xf32, #tpu.memory_space<hbm>>
        %dma_start3A_37 = tpu.memref_slice %arg4[%add3A_28] : memref<802816xf32, #tpu.memory_space<hbm>> -> memref<512xf32, #tpu.memory_space<hbm>>
        tpu.enqueue_dma source(%dma_start3A_37 : memref<512xf32, #tpu.memory_space<hbm>>) target(%arg14 : memref<512xf32, #tpu.memory_space<vmem>>) target_semaphore(%run_scoped3A : memref<!tpu.dma_semaphore, #tpu.memory_space<semaphore_mem>>)
        %dma_wait3A = tpu.memref_slice %arg4[%add3A_28] : memref<802816xf32, #tpu.memory_space<hbm>> -> memref<512xf32, #tpu.memory_space<hbm>>
        %dma_wait3A_38 = tpu.memref_slice %arg4[%add3A_28] : memref<802816xf32, #tpu.memory_space<hbm>> -> memref<512xf32, #tpu.memory_space<hbm>>
        tpu.wait_dma2 semaphore(%run_scoped3A : memref<!tpu.dma_semaphore, #tpu.memory_space<semaphore_mem>>) src(%dma_wait3A_38 : memref<512xf32, #tpu.memory_space<hbm>>) dst(%arg14 : memref<512xf32, #tpu.memory_space<vmem>>)
        tpu.yield
      }) : () -> ()
      %scan3A_29 = arith.constant 0 : i32
      %scan3A_30 = arith.constant 0 : i32
      %scan3A_31 = arith.constant 32 : i32
      %scan3A_32 = arith.addi %scan3A_30, %scan3A_31 : i32
      %scan3A_33 = arith.constant 1 : i32
      %scan3A_34 = scf.for %scan3A_37 = %scan3A_30 to %scan3A_32 step %scan3A_33 iter_args(%scan3A_38 = %scan3A_29) -> (i32)  : i32 {
        %mul3A_39 = arith.constant 16 : i32
        %mul3A_40 = arith.muli %scan3A_37, %mul3A_39 : i32
        %get3A = arith.index_cast %mul3A_40 : i32 to index
        %get3A_41 = tpu.vector_load %arg12[%get3A] {strides = array<i32>} : memref<512xi32, #tpu.memory_space<vmem>>, vector<16xi32>,
        %get3A_42 = arith.index_cast %mul3A_40 : i32 to index
        %get3A_43 = tpu.vector_load %arg13[%get3A_42] {strides = array<i32>} : memref<512xi32, #tpu.memory_space<vmem>>, vector<16xi32>,
        %get3A_44 = arith.index_cast %mul3A_40 : i32 to index
        %get3A_45 = tpu.vector_load %arg14[%get3A_44] {strides = array<i32>} : memref<512xf32, #tpu.memory_space<vmem>>, vector<16xf32>,
        %gather3A = tpu.vector_load_idx %arg8[%get3A_41] : memref<50048xf32, #tpu.memory_space<vmem>>[vector<16xi32>], vector<16xf32>,
        %mul3A_46 = arith.mulf %get3A_45, %gather3A : vector<16xf32>
        tpu.vector_store_idx %arg9[%get3A_43], %mul3A_46 {add = true} : memref<50048xf32, #tpu.memory_space<vmem>>[vector<16xi32>], vector<16xf32>,
        %scan3A_47 = arith.constant 0 : i32
        scf.yield %scan3A_47 : i32
      }
      %scan3A_35 = arith.constant 32 : i32
      %scan3A_36 = arith.constant 0 : i32
      scf.yield %scan3A_36 : i32
    }
    %scan3A_21 = arith.constant 49 : i32
    "tpu.region"() ({
      %run_scoped3A = tpu.sem_alloc : memref<!tpu.dma_semaphore, #tpu.memory_space<semaphore_mem>>
      %dma_start3A = arith.constant 0 : i32
      %dma_start3A_22 = tpu.memref_slice %arg7[%add3A, %dma_start3A] : memref<32x50048xf32, #tpu.memory_space<hbm>> -> memref<1x50048xf32, #tpu.memory_space<hbm>>
      %dma_start3A_23 = tpu.memref_squeeze %dma_start3A_22 : memref<1x50048xf32, #tpu.memory_space<hbm>> -> memref<50048xf32, #tpu.memory_space<hbm>>
      %dma_start3A_24 = arith.constant 0 : i32
      %dma_start3A_25 = tpu.memref_slice %arg7[%add3A, %dma_start3A_24] : memref<32x50048xf32, #tpu.memory_space<hbm>> -> memref<1x50048xf32, #tpu.memory_space<hbm>>
      %dma_start3A_26 = tpu.memref_squeeze %dma_start3A_25 : memref<1x50048xf32, #tpu.memory_space<hbm>> -> memref<50048xf32, #tpu.memory_space<hbm>>
      tpu.enqueue_dma source(%arg9 : memref<50048xf32, #tpu.memory_space<vmem>>) target(%dma_start3A_26 : memref<50048xf32, #tpu.memory_space<hbm>>) target_semaphore(%run_scoped3A : memref<!tpu.dma_semaphore, #tpu.memory_space<semaphore_mem>>)
      %dma_wait3A = arith.constant 0 : i32
      %dma_wait3A_27 = tpu.memref_slice %arg7[%add3A, %dma_wait3A] : memref<32x50048xf32, #tpu.memory_space<hbm>> -> memref<1x50048xf32, #tpu.memory_space<hbm>>
      %dma_wait3A_28 = tpu.memref_squeeze %dma_wait3A_27 : memref<1x50048xf32, #tpu.memory_space<hbm>> -> memref<50048xf32, #tpu.memory_space<hbm>>
      %dma_wait3A_29 = arith.constant 0 : i32
      %dma_wait3A_30 = tpu.memref_slice %arg7[%add3A, %dma_wait3A_29] : memref<32x50048xf32, #tpu.memory_space<hbm>> -> memref<1x50048xf32, #tpu.memory_space<hbm>>
      %dma_wait3A_31 = tpu.memref_squeeze %dma_wait3A_30 : memref<1x50048xf32, #tpu.memory_space<hbm>> -> memref<50048xf32, #tpu.memory_space<hbm>>
      tpu.wait_dma2 semaphore(%run_scoped3A : memref<!tpu.dma_semaphore, #tpu.memory_space<semaphore_mem>>) src(%arg9 : memref<50048xf32, #tpu.memory_space<vmem>>) dst(%dma_wait3A_31 : memref<50048xf32, #tpu.memory_space<hbm>>)
      tpu.yield
    }) : () -> ()
    return
  }
}

</mosaic_0001>

<sc_bundles>
// kernel: attflow_k1.3.cloned.1.call-start
scs
__scs_entry_jumppad:
0x0: {  	(pc) =	sbr.rel $0x88, $3  }
0x1: {  	(tag) =	ssettag $0x0;
	lr =	simm.s32 $0x1  }
0x2: {  	[smem:$0x3F95] =	sst lr;
	_ =	strace $0xD0000000  }
0x3: {  	_ = 	snop  }
0x4: {  	_ = 	snop  }
0x5: {  	_ = 	snop  }
0x6: {  	_ = 	snop  }
0x7: {  	_ = 	snop  }
__scs_overlays_trampoline_lowered:
0x8: {  	[smem:$0x3FA4] =	sst s0  }
0x9: {  	[smem:$0x3FA5] =	sst s1  }
0xa: {  	[smem:$0x3FA6] =	sst s2  }
0xb: {  	[smem:$0x3FA7] =	sst s3  }
0xc: {  	[smem:$0x3FA8] =	sst s4  }
0xd: {  	[smem:$0x3FA9] =	sst s5  }
0xe: {  	[smem:$0x3FAA] =	sst s6  }
0xf: {  	[smem:$0x3FAB] =	sst s7  }
0x10: {  	[smem:$0x3FAC] =	sst s8  }
0x11: {  	[smem:$0x3FAD] =	sst s9;
	s0 =	simm.s32 @!p0 $0x0  }
0x12: {  	s1 =	sld [smem:$0x3F93];
	s0 =	simm.s32 @p0 $0x1  }
0x13: {  	[smem:$0x3FAE] =	sst s0;
	s0 =	simm.s32 @!p1 $0x0  }
0x14: {  	s2 =	sld [smem:$0x3F92];
	s0 =	simm.s32 @p1 $0x1  }
0x15: {  	[smem:$0x3FAF] =	sst s0;
	s0 =	simm.s32 @!p2 $0x0  }
0x16: {  	s3 =	sld [smem:$0x3FDB];
	s0 =	simm.s32 @p2 $0x1  }
0x17: {  	s4 =	simm.s32 $0x1BF5;
	[smem:$0x3FB1] =	sst s0  }
0x18: {  	s0 =	sld [smem:$0x3F94];
	_ =	swait.ge [sflag:s4], $0x0  }
0x19: {  	s7 =	sld [smem:$0x3F95]  }
0x1a: {  	s8 =	sadd.s32 $0xFFFFE003, lr  }
0x1b: {  	s9 =	sadd.s32 $0xFFFFFEF7, lr;
	s5 =	simm.s32 $0xFFFFFFFF;
	p2 =	slt.u32 s8, $0xFFFFF086  }
0x1c: {  	p1 =	slt.u32 s9, $0xF7A;
	s5 =	simm.s32 @!p2 $0x0  }
0x1d: {  	s5 =	simm.s32 @p1 $0x1;
	p0 =	seq.s32 s7, s2  }
0x1e: {  	s7 =	smul.u32 @!p0 $0xF7A, s2;
	p2 =	seq.s32 @!p0 s5, $0x0  }
0x1f: {  	s9 =	smul.u32 $0xF7A, s1;
	s8 =	simm.s32 @!p0 $0x1BF5;
	p2 =	por !p2, p0  }
0x20: {  	[sflag:s8] =	ssyncset.s32 @!p0 $0xFFFFF086;
	s6 =	sadd.s32 @!p0 s3, s7;
	s7 =	simm.s32 @!p0 $0x108  }
0x21: {  	s3 =	sadd.s32 s3, s9;
	s6 =	sadd.s32 @!p0 $0x88, s6;
	s7 =	simm.s32 @p2 $0x1082  }
0x22: {  	[simem:s7], [sflag:s8] =	dma.local @!p0 [hbm:s6], $0xF7A  }
0x23: {  	s9 =	sor.u32 $0xD0000000, s2;
	s6 =	simm.s32 $0x108;
	_ =	swait.ge @!p0 [sflag:s8], $0x0  }
0x24: {  	s3 =	sadd.s32 $0x88, s3;
	s6 =	simm.s32 @!p1 $0x1082;
	[sflag:s4] =	ssyncset.s32 $0xFFFFF086  }
0x25: {  	[simem:s6], [sflag:s4] =	dma.local [hbm:s3], $0xF7A  }
0x26: {  	[smem:$0x3F95] =	sst s1;
	(tag) =	ssettag s2;
	_ =	strace s9  }
0x27: {  	s1 =	sld [smem:$0x3FA5]  }
0x28: {  	s2 =	sld [smem:$0x3FA6]  }
0x29: {  	s4 =	sld [smem:$0x3FA8]  }
0x2a: {  	p0 =	seq.s32 s5, $0x0;
	s5 =	sld [smem:$0x3FA9]  }
0x2b: {  	s6 =	sld [smem:$0x3FAA]  }
0x2c: {  	s7 =	sld [smem:$0x3FAB]  }
0x2d: {  	s3 =	simm.s32 $0x108;
	s8 =	sld [smem:$0x3FAC]  }
0x2e: {  	s3 =	simm.s32 @!p0 $0x1082;
	s9 =	sld [smem:$0x3FAD]  }
0x2f: {  	lr =	sadd.s32 s0, s3;
	s0 =	sld [smem:$0x3FA4]  }
0x30: {  	s3 =	sld [smem:$0x3FA7]  }
0x31: {  	[smem:$0x3FB0] =	sst s10  }
0x32: {  	s10 =	sld [smem:$0x3FAE];
	_ =	sdelay $0x3  }
0x33: {  	p0 =	seq.s32 s10, $0x1;
	s10 =	sld [smem:$0x3FB0];
	_ =	sdelay $0x3  }
0x34: {  	[smem:$0x3FB0] =	sst s10  }
0x35: {  	s10 =	sld [smem:$0x3FAF];
	_ =	sdelay $0x3  }
0x36: {  	p1 =	seq.s32 s10, $0x1;
	s10 =	sld [smem:$0x3FB0];
	_ =	sdelay $0x3  }
0x37: {  	[smem:$0x3FB0] =	sst s10  }
0x38: {  	s10 =	sld [smem:$0x3FB1]  }
0x39: {  	_ = 	snop;
	(pc) =	sbr.ind lr, $3  }
0x3a: {  	_ = 	snop  }
0x3b: {  	_ = 	snop  }
0x3c: {  	p2 =	seq.s32 s10, $0x1;
	s10 =	sld [smem:$0x3FB0]  }
0x3d: {  	_ =	shalt  }
0x3e: {  	_ =	shalt  }
0x3f: {  	_ =	shalt  }
0x40: {  	_ =	shalt  }
0x41: {  	_ =	shalt  }
0x42: {  	_ =	shalt  }
0x43: {  	_ =	shalt  }
0x44: {  	_ =	shalt  }
0x45: {  	_ =	shalt  }
0x46: {  	_ =	shalt  }
0x47: {  	_ =	shalt  }
0x48: {  	_ =	shalt  }
0x49: {  	_ =	shalt  }
0x4a: {  	_ =	shalt  }
0x4b: {  	_ =	shalt  }
0x4c: {  	_ =	shalt  }
0x4d: {  	_ =	shalt  }
0x4e: {  	_ =	shalt  }
0x4f: {  	_ =	shalt  }
0x50: {  	_ =	shalt  }
0x51: {  	_ =	shalt  }
0x52: {  	_ =	shalt  }
0x53: {  	_ =	shalt  }
0x54: {  	_ =	shalt  }
0x55: {  	_ =	shalt  }
0x56: {  	_ =	shalt  }
0x57: {  	_ =	shalt  }
0x58: {  	_ =	shalt  }
0x59: {  	_ =	shalt  }
0x5a: {  	_ =	shalt  }
0x5b: {  	_ =	shalt  }
0x5c: {  	_ =	shalt  }
0x5d: {  	_ =	shalt  }
0x5e: {  	_ =	shalt  }
0x5f: {  	_ =	shalt  }
0x60: {  	_ =	shalt  }
0x61: {  	_ =	shalt  }
0x62: {  	_ =	shalt  }
0x63: {  	_ =	shalt  }
0x64: {  	_ =	shalt  }
0x65: {  	_ =	shalt  }
0x66: {  	_ =	shalt  }
0x67: {  	_ =	shalt  }
0x68: {  	_ =	shalt  }
0x69: {  	_ =	shalt  }
0x6a: {  	_ =	shalt  }
0x6b: {  	_ =	shalt  }
0x6c: {  	_ =	shalt  }
0x6d: {  	_ =	shalt  }
0x6e: {  	_ =	shalt  }
0x6f: {  	_ =	shalt  }
0x70: {  	_ =	shalt  }
0x71: {  	_ =	shalt  }
0x72: {  	_ =	shalt  }
0x73: {  	_ =	shalt  }
0x74: {  	_ =	shalt  }
0x75: {  	_ =	shalt  }
0x76: {  	_ =	shalt  }
0x77: {  	_ =	shalt  }
0x78: {  	_ =	shalt  }
0x79: {  	_ =	shalt  }
0x7a: {  	_ =	shalt  }
0x7b: {  	_ =	shalt  }
0x7c: {  	_ =	shalt  }
0x7d: {  	_ =	shalt  }
0x7e: {  	_ =	shalt  }
0x7f: {  	_ =	shalt  }
0x80: {  	_ =	shalt  }
0x81: {  	_ =	shalt  }
0x82: {  	_ =	shalt  }
0x83: {  	_ =	shalt  }
0x84: {  	_ =	shalt  }
0x85: {  	_ =	shalt  }
0x86: {  	_ =	shalt  }
0x87: {  	_ =	shalt  }
.Lfunc_end0:
.L_simem_size_0:
called_computation_lowered:
.L_overlay_start_0:
0x88: {  	s2 =	sld [smem:$0x3FD9]  }
0x89: {  	s3 =	sld [smem:$0x3FFE];
	_ =	sdelay $0x1  }
0x8a: {  	s1 =	srdreg.scid  }
0x8b: {  	s0 =	sand.u32 $0x1, s1  }
0x8c: {  	s17 =	sshll.u32 s0, $0xA;
	s2 =	sadd.s32 s3, s2  }
0x8d: {  	s2 =	sadd.s32 s2, s17  }
0x8e: {  	[smem:$0x3FBC] =	sst s2  }
0x8f: {  	_ = 	snop  }
0x90: {  	s2 =	sld [smem:$0x3FC4]  }
0x91: {  	s18 =	sld [smem:$0x3FC3]  }
0x92: {  	s4 =	sld [smem:$0x3FD0];
	(tm) =	ssettm $0x1  }
0x93: {  	s5 =	sld [smem:$0x3FFB];
	_ =	sdelay $0x3  }
0x94: {  	_ =	strace s5  }
0x95: {  	s5 =	sld [smem:$0x3FFC];
	_ =	sdelay $0x3  }
0x96: {  	_ =	strace s5  }
0x97: {  	s5 =	sld [smem:$0x3FFD];
	_ =	sdelay $0x3  }
0x98: {  	_ =	strace s5  }
0x99: {  	_ =	strace $0x8FFFFFFF  }
0x9a: {  	s19 =	sld [smem:$0x3FDB];
	_ =	sdelay $0x1  }
0x9b: {  	s6 =	simm.s32 $_scs_section_size  }
0x9c: {  	s7 =	simm.s32 $_size__tile_overlayer_lowered;
	s8 =	simm.s32 $_tile_overlayer_lowered  }
0x9d: {  	s22 =	simm.s32 $0x1BFF;
	s21 =	sshll.u32 s8, $0x1;
	s5 =	sadd.s32 s6, s19  }
0x9e: {  	s9 =	simm.s32 $0x0;
	s20 =	sshll.u32 s7, $0x1;
	s7 =	sadd.s32 s21, s5  }
0x9f: {  	[timem:s9], [sflag:s22] =	dma.local [hbm:s7], s20  }
0xa0: {  	_ =	swait.ge [sflag:s22], s20  }
0xa1: {  	s6 =	ssub.s32 $0x0, s20;
	[sflag:s22] =	ssyncset.done $0x0  }
0xa2: {  	[sflag:s22] =	ssyncadd.s32 s6;
	_ =	sdelay $0x1  }
0xa3: {  	s23 =	simm.s32 $0x1B8B  }
0xa4: {  	_ =	swait.ge [sflag:s23], $0x1  }
0xa5: {  	[sflag:s23] =	ssyncset.done $0x0  }
0xa6: {  	s25 =	simm.s32 $0x1B8E;
	s24 =	sld [smem:$0x3FFE];
	[sflag:s23] =	ssyncadd.s32 $0xFFFFFFFF  }
0xa7: {  	s26 =	simm.s32 $execute0_lowered;
	[smem:$0x3FD2] =	sst s25  }
0xa8: {  	s7 =	sshll.u32 s26, $0x1;
	_ =	strace $0x80000046;
	[dreg:$0x1] =	wrdreg $0xFFFFFFFF  }
0xa9: {  	s28 =	simm.s32 $_size_execute0_lowered;
	s5 =	sadd.s32 s5, s7;
	[dreg:$0x0] =	wrdreg $0x0  }
0xaa: {  	s7 =	sshll.u32 s28, $0x1;
	[dreg:$0x2] =	wrdreg s5  }
0xab: {  	[dreg:$0x3] =	wrdreg s7  }
0xac: {  	[dreg:$0x4] =	wrdreg $0xC0  }
0xad: {  	_ =	task [dreg:s9], $0x5FFFF  }
0xae: {  	[dreg:$0x1] =	wrdreg $0xFFFFFFFF  }
0xaf: {  	[dreg:$0x0] =	wrdreg $0x60  }
0xb0: {  	[dreg:$0x2] =	wrdreg s24  }
0xb1: {  	[dreg:$0x3] =	wrdreg s4  }
0xb2: {  	[dreg:$0x4] =	wrdreg s2  }
0xb3: {  	[dreg:$0x5] =	wrdreg s18  }
0xb4: {  	[dreg:$0x6] =	wrdreg $0x9  }
0xb5: {  	_ =	task.clear_ibuf [dreg:s9], $0x7FFFF;
	_ =	strace $0x90000046  }
0xb6: {  	s29 =	simm.s32 $0x9;
	_ =	strace $0x80000048  }
0xb7: {  	_ =	swait.ge [sflag:s29], $0x1  }
0xb8: {  	[sflag:s29] =	ssyncadd.s32 $0xFFFFFFFF  }
0xb9: {  	_ =	strace $0x90000048  }
0xba: {  	_ =	sfence  }
0xbb: {  	s30 =	sld [smem:$0x0];
	_ =	sdelay $0x2  }
0xbc: {  	s31 =	sshll.u32 s1, $0xD;
	s1 =	sshrl.u32 s1, $0x2  }
0xbd: {  	s3 =	sand.u32 $0x4000, s31;
	s1 =	sadd.s32 s1, s30  }
0xbe: {  	s0 =	sor.u32 s3, s0;
	s1 =	sshll.u32 s1, $0x11  }
0xbf: {  	s0 =	sor.u32 s1, s0  }
0xc0: {  	s0 =	sadd.s32 $0x8F2B, s0  }
0xc1: {  	[sflag:s0] =	ssyncadd.remote.s32 $0x1  }
0xc2: {  	_ =	sfence.sel $0xFFFF  }
0xc3: {  	[dreg:$0x0] =	wrdreg $0xFFFFFFFF;
	(pc) =	sbr.abs _section_cstart, $3  }
0xc4: {  	[dreg:$0x1] =	wrdreg $0xFFFFFFFF  }
0xc5: {  	_ =	task.clear_ibuf [dreg:s9], $0x2FFFF;
	_ =	strace $0x9FFFFFFF  }
0xc6: {  	(tm) =	ssettm $0x7FFFFFFF  }
0xc7: {  	_ =	shalt  }
tec
execute0_lowered:
.L_overlay_start_1:
0x0: {  	(tag) =	ssettag $0x1  }
0x1: {  	v19 =	vlaneseq.u32;
	v0 =	vimm.s32 $0x14131211;
	v1 =	vimm.s32 $0x18171615  }
0x2: {  	v2 =	vimm.s32 $0x1C1B1A19;
	v3 =	vimm.s32 $0x1F1E1D;
	v4 =	vimm.s32 $0x15141312  }
0x3: {  	v5 =	vimm.s32 $0x19181716;
	vm0 =	vcmask $0x1F10;
	v7 =	vimm.s32 $0x1D1C1B1A  }
0x4: {  	v58 =	vimm.s32 $0x1001F1E;
	v8 =	vimm.s32 $0x16151413;
	v9 =	vimm.s32 $0x1A191817  }
0x5: {  	v10 =	vimm.s32 $0x1E1D1C1B;
	v11 =	vimm.s32 $0x201001F;
	v12 =	vimm.s32 $0x3020100  }
0x6: {  	v13 =	vimm.s32 $0x1F1E1D1C;
	v14 =	vimm.s32 $0x17161514;
	v15 =	vimm.s32 $0x1B1A1918  }
0x7: {  	v18 =	vimm.s32 $0x4030201;
	v60 =	vimm.s32 $0x5040302;
	v62 =	vimm.s32 $0x6050403  }
0x8: {  	v43 =	vimm.s32 $0x76543210;
	v44 =	vimm.s32 $0x87654321;
	v45 =	vimm.s32 $0x98765432  }
0x9: {  	v48 =	vimm.s32 $0xA9876543;
	v49 =	vimm.s32 $0x32107654;
	v55 =	vimm.s32 $0x43218765  }
0xa: {  	vm14 =	vcmask $0x2F10;
	vm15 =	vcmask $0x3F30;
	v21 =	vmul.u32 $0x20, v19  }
0xb: {  	v22 =	vadd.s32 $0x1, v19;
	v23 =	vadd.s32 $0x2, v19;
	v24 =	vadd.s32 $0x3, v19  }
0xc: {  	v25 =	vadd.s32 $0x4, v19;
	v26 =	vadd.s32 $0x5, v19;
	v27 =	vadd.s32 $0x7, v19  }
0xd: {  	v28 =	vadd.s32 $0x8, v19;
	v29 =	vadd.s32 $0x9, v19;
	v30 =	vadd.s32 $0xA, v19  }
0xe: {  	s4 =	simm.s32 $0x0;
	v31 =	vadd.s32 $0xB, v19;
	v32 =	vadd.s32 $0xC, v19;
	v33 =	vadd.s32 $0xD, v19  }
0xf: {  	v34 =	vadd.s32 $0xE, v19;
	v35 =	vadd.s32 $0xF, v19;
	v0 =	vunpack.c.0.s8.s32 v0;
	[smem:$0x7FF] =	sst s4  }
0x10: {  	s0 =	rddreg [dreg:$0x0];
	v1 =	vunpack.c.0.s8.s32 v1;
	v2 =	vunpack.c.0.s8.s32 v2;
	v3 =	vunpack.c.0.s8.s32 v3;
	_ =	strace $0x80000047;
	[tilespmem:$0x1FE20] =	vst v22  }
0x11: {  	v4 =	vunpack.c.0.s8.s32 v4;
	v5 =	vunpack.c.0.s8.s32 v5;
	v57 =	vunpack.c.0.s8.s32 v7;
	[tilespmem:$0x1FE30] =	vst v23  }
0x12: {  	v7 =	vunpack.c.0.s8.s32 v58;
	v8 =	vunpack.c.0.s8.s32 v8;
	v9 =	vunpack.c.0.s8.s32 v9;
	[tilespmem:$0x1FE40] =	vst v24  }
0x13: {  	v10 =	vunpack.c.0.s8.s32 v10;
	v11 =	vunpack.c.0.s8.s32 v11;
	v12 =	vunpack.c.0.s8.s32 v12;
	[tilespmem:$0x1FE50] =	vst v25  }
0x14: {  	v13 =	vunpack.c.0.s8.s32 v13;
	v14 =	vunpack.c.0.s8.s32 v14;
	v15 =	vunpack.c.0.s8.s32 v15;
	[tilespmem:$0x1FE60] =	vst v26  }
0x15: {  	v59 =	vunpack.c.0.s8.s32 v18;
	v61 =	vunpack.c.0.s8.s32 v60;
	v47 =	vunpack.c.l.s4.s8 v45;
	[tilespmem:$0x1FE70] =	vst v27  }
0x16: {  	v51 =	vunpack.c.l.s4.s8 v49;
	v58 =	vimm.s32 $0xB0A0908;
	v60 =	vimm.s32 $0xD0C0B0A;
	[tilespmem:$0x1FE80] =	vst v28  }
0x17: {  	[tilespmem:$0x1FE90] =	vst v29;
	v0 =	vsel vm0, v1, v0;
	v6 =	vsel vm0, v3, v2;
	v56 =	vsel vm0, v5, v4  }
0x18: {  	[tilespmem:$0x1FEA0] =	vst v30;
	v16 =	vsel vm0, v7, v57;
	v8 =	vsel vm0, v9, v8;
	v17 =	vsel vm0, v11, v10  }
0x19: {  	[tilespmem:$0x1FEB0] =	vst v31;
	v12 =	vsel vm0, v12, v13;
	v14 =	vsel vm0, v15, v14;
	v1 =	vsel vm0, v2, v1  }
0x1a: {  	[tilespmem:$0x1FEC0] =	vst v32;
	v41 =	vsel vm0, v59, v3;
	v2 =	vsel vm0, v61, v7;
	v4 =	vsel vm0, v57, v5  }
0x1b: {  	[tilespmem:$0x1FED0] =	vst v33;
	v42 =	vsel vm0, v10, v9;
	v46 =	vsel vm0, v13, v15;
	v5 =	vunpack.c.l.s4.s8 v48  }
0x1c: {  	[tilespmem:$0x1FEE0] =	vst v34;
	v54 =	vunpack.c.0.s8.s32 v51;
	v57 =	vimm.s32 $0x6543A987;
	v36 =	vcombine.low v0, v6  }
0x1d: {  	[tilespmem:$0x1FEF0] =	vst v35;
	v59 =	vimm.s32 $0xC0B0A09;
	v37 =	vcombine.low v14, v12;
	v18 =	vcombine.low v56, v16  }
0x1e: {  	[tilespmem:$0x1FE10] =	vst v21;
	v38 =	vcombine.low v8, v17;
	v14 =	vunpack.c.0.s8.s32 v62;
	v62 =	vor.u32 $0x10, v19  }
0x1f: {  	v61 =	vimm.s32 $0xE0D0C0B;
	v39 =	vcombine.low v1, v41;
	v40 =	vcombine.low v4, v2;
	[tilespmem:$0x1FFA0] =	vst v62  }
0x20: {  	v2 =	vunpack.c.l.s4.s8 v43;
	v4 =	vunpack.c.l.s4.s8 v44;
	v1 =	vunpack.c.0.s8.s32 v47;
	[tilespmem:$0x1FF00] =	vst v36  }
0x21: {  	s1 =	srdreg.scid;
	v56 =	vimm.s32 $0x54329876;
	v8 =	vunpack.c.0.s8.s32 v61;
	v53 =	vunpack.c.0.s8.s32 v5;
	[tilespmem:$0x1FF10] =	vst v37  }
0x22: {  	s2 =	stileid.u32;
	s16 =	simm.s32 $0x1C900;
	s17 =	simm.s32 $0x1C920;
	v5 =	vunpack.c.l.s4.s8 v57;
	v0 =	vsel vm0, v14, v11;
	v2 =	vunpack.c.0.s8.s32 v2;
	[tilespmem:$0x1FF20] =	vst v18  }
0x23: {  	s18 =	simm.s32 $0x14080;
	s19 =	simm.s32 $0x1C280;
	s20 =	simm.s32 $0x18080;
	v4 =	vunpack.c.0.s8.s32 v4;
	v52 =	vand.u32 $0xF, v1;
	[tilespmem:$0x1FF30] =	vst v38;
	v41 =	vcombine.low v42, v0  }
0x24: {  	s22 =	simm.s32 $0x2;
	s25 =	simm.s32 $0x80;
	s30 =	simm.s32 $0x1C380;
	[tilespmem:$0x1FF40] =	vst v39;
	v45 =	vcombine.low v16, v52;
	v1 =	vand.u32 $0xF, v53;
	v0 =	vand.u32 $0xF, v54  }
0x25: {  	s31 =	simm.s32 $0x1A080;
	s15 =	simm.s32 $0x3E80;
	s10 =	simm.s32 $0x7D00;
	[tilespmem:$0x1FF50] =	vst v40;
	v5 =	vunpack.c.0.s8.s32 v5;
	v43 =	vcombine.low v46, v2;
	v2 =	vunpack.c.l.s4.s8 v55  }
0x26: {  	s13 =	simm.s32 $0x1C680;
	s21 =	simm.s32 $0x0;
	s6 =	sadd.s32 $0x31E00, s0;
	v50 =	vand.u32 $0xF, v4;
	v4 =	vunpack.c.l.s4.s8 v56;
	v46 =	vcombine.low v17, v1;
	[tilespmem:$0x1FF60] =	vst v41  }
0x27: {  	s1 =	sand.u32 $0x1, s1;
	s2 =	sshll.u32 s2, $0x1;
	s7 =	sadd.s32 $0xE00, s0;
	v44 =	vcombine.low v6, v50;
	v6 =	vunpack.c.0.s8.s32 v58;
	[tilespmem:$0x1FF80] =	vst v45;
	v2 =	vunpack.c.0.s8.s32 v2  }
0x28: {  	s8 =	sadd.s32 $0x19600, s0;
	s9 =	sadd.s32 $0x62C00, s0;
	s5 =	sadd.s32 $0x7B400, s0;
	v0 =	vsel vm14, v0, v13;
	v5 =	vand.u32 $0xF, v5;
	v4 =	vunpack.c.0.s8.s32 v4;
	[tilespmem:$0x1FF70] =	vst v43  }
0x29: {  	s11 =	sadd.s32 $0xAC400, s0;
	s2 =	sor.u32 s1, s2;
	s1 =	ssub.s32 $0x2, s1;
	v5 =	vsel vm14, v5, v11;
	[tilespmem:$0x1FF90] =	vst v46;
	v47 =	vsel vm15, v6, v0;
	v2 =	vand.u32 $0xF, v2  }
0x2a: {  	[dreg:$0x5] =	wrdreg s5;
	s3 =	smul.u32 $0x1870, s2;
	s28 =	sshrl.u32 s1, $0x1;
	[tilespmem:$0x1FFE0] =	vst v44;
	v4 =	vand.u32 $0xF, v4;
	v2 =	vsel vm14, v2, v3;
	v3 =	vunpack.c.0.s8.s32 v59  }
0x2b: {  	s5 =	simm.s32 $0x17080;
	s12 =	smul.u32 $0x6200, s2;
	s1 =	ssub.s32 s1, s28;
	v42 =	vsel vm15, v8, v5;
	[tilespmem:$0x1FFB0] =	vst v47;
	v4 =	vsel vm14, v4, v7;
	v7 =	vunpack.c.0.s8.s32 v60  }
0x2c: {  	s2 =	simm.s32 $0x1C200;
	s0 =	sadd.s32 s3, s0;
	s29 =	smax.u32 s1, $0x1;
	[tilespmem:$0x1FFC0] =	vst v42;
	v48 =	vsel vm15, v3, v2  }
0x2d: {  	s1 =	simm.s32 $0x1B080;
	s0 =	sadd.s32 $0x7B600, s0;
	[dreg:$0x7] =	wrdreg s29;
	v49 =	vsel vm15, v7, v4;
	[tilespmem:$0x1FFD0] =	vst v48  }
0x2e: {  	v20 =	vimm.f32 $0.0e+00;
	v63 =	vadd.s32 $0x6, v19;
	s3 =	simm.s32 $0x1;
	[dreg:$0x6] =	wrdreg s0;
	s0 =	simm.s32 $0x1C400;
	[tilespmem:$0x1FFF0] =	vst v49  }
.LBB2_1:
0x2f: {  	[dreg:$0x8] =	wrdreg s21  }
0x30: {  	s14 =	rddreg [dreg:$0x5];
	s24 =	simm.s32 $0x1C880  }
0x31: {  	[tilespmem:s24], [sflag:$0x2] =	stream.linear.gather [hbm4b:s14+s4], $0x80, $0x38;
	[tilespmem:$0x1C940] =	vst v63  }
0x32: {  	_ =	swait.ge [sflag:s22], $0x80  }
0x33: {  	[sflag:s22] =	ssyncset.done $0x0  }
0x34: {  	[sflag:s22] =	ssyncadd.s32 $0xFFFFFF80  }
0x35: {  	s26 =	rddreg [dreg:$0x2]  }
0x36: {  	[tilespmem:s16], [sflag:$0x2] =	stream.linear.gather [hbm4b:s26+s4], $0x20, $0x38;
	[tilespmem:$0x1C940] =	vst v63  }
0x37: {  	_ =	swait.ge [sflag:s22], $0x20  }
0x38: {  	[sflag:s22] =	ssyncset.done $0x0  }
0x39: {  	[sflag:s22] =	ssyncadd.s32 $0xFFFFFFE0  }
0x3a: {  	s28 =	rddreg [dreg:$0x3]  }
0x3b: {  	[tilespmem:s17], [sflag:$0x2] =	stream.linear.gather [hbm4b:s28+s4], $0x20, $0x38;
	[tilespmem:$0x1C940] =	vst v63  }
0x3c: {  	_ =	swait.ge [sflag:s22], $0x20  }
0x3d: {  	[sflag:s22] =	ssyncset.done $0x0  }
0x3e: {  	[sflag:s22] =	ssyncadd.s32 $0xFFFFFFE0  }
0x3f: {  	s29 =	rddreg [dreg:$0x1]  }
0x40: {  	[tilespmem:s18], [sflag:$0x2] =	stream.linear.gather [hbm4b:s29+s4], $0x3E80, $0x38;
	[tilespmem:$0x1C940] =	vst v63  }
0x41: {  	_ =	swait.ge [sflag:s22], $0x3E80  }
0x42: {  	[sflag:s22] =	ssyncset.done $0x0  }
0x43: {  	[sflag:s22] =	ssyncadd.s32 $0xFFFFC180  }
0x44: {  	v0 =	vld [tilespmem:$0x1C880]  }
0x45: {  	v1 =	vld [tilespmem:$0x1C8A0]  }
0x46: {  	v2 =	vld [tilespmem:$0x1C8B0]  }
0x47: {  	s14 =	simm.s32 $0x0;
	v7 =	vld [tilespmem:$0x1C8F0]  }
0x48: {  	v9 =	vld [tilespmem:s14+$0x14090]  }
0x49: {  	v10 =	vld [tilespmem:s14+$0x14080]  }
0x4a: {  	v5 =	vld [tilespmem:$0x1C8D0]  }
0x4b: {  	v6 =	vld [tilespmem:$0x1C8E0]  }
0x4c: {  	v4 =	vld [tilespmem:$0x1C890]  }
0x4d: {  	s21 =	simm.s32 $0x20;
	v3 =	vld [tilespmem:$0x1C8C0];
	v11 =	vmul.f32 v9, v7  }
0x4e: {  	v8 =	vld [tilespmem:s21+$0x14090];
	v12 =	vmul.f32 v10, v1  }
0x4f: {  	v13 =	vmul.f32 v9, v2;
	v9 =	vld [tilespmem:s21+$0x14080];
	v11 =	vadd.f32 v11, v5  }
0x50: {  	v10 =	vmul.f32 v10, v6;
	v12 =	vadd.f32 v12, v0  }
0x51: {  	[tilespmem:s14+$0x3E90] =	vst v11;
	v11 =	vadd.f32 v13, v4  }
0x52: {  	s23 =	simm.s32 $0x100;
	v10 =	vadd.f32 v10, v3;
	[tilespmem:s14+$0x0] =	vst v12  }
.LBB2_2:
0x53: {  	s24 =	sshra.s32 s23, $0x2;
	p0 =	sne.s32 s23, $0xF980;
	s23 =	sadd.s32 $0x80, s23;
	v12 =	vmul.f32 v8, v2;
	v13 =	vmul.f32 v8, v7;
	[tilespmem:s14+$0x10] =	vst v11  }
.Ltmp0:
0x54: {  	v8 =	vld [tilespmem:s24+$0x14090];
	v14 =	vmul.f32 v9, v1;
	v15 =	vmul.f32 v9, v6;
	[tilespmem:s14+$0x3E80] =	vst v10;
	s14 =	smov.u32 s21;
	s21 =	smov.u32 s24;
	(pc) =	sbr.rel @p0 .LBB2_2-.Ltmp0, $4  }
0x55: {  	v9 =	vld [tilespmem:s21+$0x14080];
	v11 =	vadd.f32 v12, v4;
	v12 =	vadd.f32 v13, v5  }
0x56: {  	v13 =	vadd.f32 v14, v0;
	v10 =	vadd.f32 v15, v3  }
0x57: {  	[tilespmem:s14+$0x3E90] =	vst v12  }
0x58: {  	[tilespmem:s14+$0x0] =	vst v13  }
0x59: {  	v7 =	vmul.f32 v8, v7  }
0x5a: {  	v2 =	vmul.f32 v8, v2  }
0x5b: {  	[tilespmem:s14+$0x10] =	vst v11;
	p0 =	por $0x1, $0x1;
	v1 =	vmul.f32 v9, v1;
	v5 =	vadd.f32 v7, v5  }
.Ltmp1:
0x5c: {  	[tilespmem:s14+$0x3E80] =	vst v10;
	v6 =	vmul.f32 v9, v6;
	v61 =	vadd.f32 v2, v4;
	(pc) =	sbr.rel @!p0 .LBB2_5-.Ltmp1, $4  }
0x5d: {  	v0 =	vadd.f32 v1, v0;
	[tilespmem:s21+$0x3E90] =	vst v5  }
0x5e: {  	v62 =	vadd.f32 v6, v3;
	[tilespmem:s21+$0x10] =	vst v61  }
0x5f: {  	[tilespmem:s21+$0x0] =	vst v0  }
0x60: {  	s14 =	simm.s32 $0x0;
	s23 =	simm.s32 $0x0;
	[tilespmem:s21+$0x3E80] =	vst v62;
	s21 =	simm.s32 $0x40  }
.LBB2_4:
0x61: {  	p0 =	sne.s32 s21, $0x30DC0;
	[tilespmem:s23+$0x7D00] =	vst v20;
	s23 =	smov.u32 s21;
	s21 =	sadd.s32 $0x40, s21  }
.Ltmp2:
0x62: {  	(pc) =	sbr.rel @p0 .LBB2_4-.Ltmp2, $2  }
0x63: {  	_ =	sdelay $0x2  }
0x64: {  	s23 =	sshra.s32 s23, $0x2  }
.LBB2_5:
0x65: {  	[tilespmem:s23+$0x7D00] =	vst v20  }
.LBB2_6:
0x66: {  	s21 =	sshll.u32 s14, $0x9  }
0x67: {  	s21 =	sadd.s32 s12, s21  }
0x68: {  	s21 =	sshrl.u32 s21, $0x3  }
0x69: {  	s23 =	simm.s32 $0x0;
	s24 =	simm.s32 $0x1C080;
	s26 =	sadd.s32 s7, s21  }
0x6a: {  	[tilespmem:s24], [sflag:$0x2] =	stream.linear.gather [hbm4b:s26+s23], $0x200, $0x38;
	[tilespmem:$0x1C940] =	vst v63  }
0x6b: {  	_ =	swait.ge [sflag:s22], $0x200  }
0x6c: {  	[sflag:s22] =	ssyncset.done $0x0  }
0x6d: {  	s29 =	sadd.s32 s8, s21;
	[sflag:s22] =	ssyncadd.s32 $0xFFFFFE00  }
0x6e: {  	[tilespmem:s19], [sflag:$0x2] =	stream.linear.gather [hbm4b:s29+s23], $0x200, $0x38;
	[tilespmem:$0x1C940] =	vst v63  }
0x6f: {  	_ =	swait.ge [sflag:s22], $0x200  }
0x70: {  	[sflag:s22] =	ssyncset.done $0x0  }
0x71: {  	s28 =	sadd.s32 s9, s21;
	s26 =	simm.s32 $0x1C480;
	[sflag:s22] =	ssyncadd.s32 $0xFFFFFE00  }
0x72: {  	[tilespmem:s26], [sflag:$0x2] =	stream.linear.gather [hbm4b:s28+s23], $0x200, $0x38;
	[tilespmem:$0x1C940] =	vst v63  }
0x73: {  	_ =	swait.ge [sflag:s22], $0x200  }
0x74: {  	[sflag:s22] =	ssyncset.done $0x0  }
0x75: {  	[sflag:s22] =	ssyncadd.s32 $0xFFFFFE00  }
0x76: {  	[tilespmem:s18], [sflag:$0x1] =	stream.indirect.gather [hbm4b:s6+s25], $0x20, s24, s25, $0xb8;
	[tilespmem:$0x1C940] =	vst v63  }
0x77: {  	_ = 	snop  }
0x78: {  	[tilespmem:s20], [sflag:$0x1] =	stream.indirect.gather [hbm4b:s6+s25], $0x20, s19, s25, $0xb8;
	[tilespmem:$0x1C940] =	vst v63  }
0x79: {  	s29 =	simm.s32 $0x15080;
	s28 =	simm.s32 $0x1C100  }
0x7a: {  	[tilespmem:s29], [sflag:$0x1] =	stream.indirect.gather [hbm4b:s6+s25], $0x20, s28, s25, $0xb8;
	[tilespmem:$0x1C940] =	vst v63  }
0x7b: {  	s28 =	simm.s32 $0x1C300;
	s29 =	simm.s32 $0x19080  }
0x7c: {  	[tilespmem:s29], [sflag:$0x1] =	stream.indirect.gather [hbm4b:s6+s25], $0x20, s28, s25, $0xb8;
	[tilespmem:$0x1C940] =	vst v63  }
0x7d: {  	s28 =	simm.s32 $0x16080;
	s29 =	simm.s32 $0x1C180  }
0x7e: {  	[tilespmem:s28], [sflag:$0x1] =	stream.indirect.gather [hbm4b:s6+s25], $0x20, s29, s25, $0xb8;
	[tilespmem:$0x1C940] =	vst v63  }
0x7f: {  	_ = 	snop  }
0x80: {  	[tilespmem:s31], [sflag:$0x1] =	stream.indirect.gather [hbm4b:s6+s25], $0x20, s30, s25, $0xb8;
	[tilespmem:$0x1C940] =	vst v63  }
0x81: {  	_ = 	snop  }
0x82: {  	[tilespmem:s5], [sflag:$0x1] =	stream.indirect.gather [hbm4b:s6+s25], $0x20, s2, s25, $0xb8;
	[tilespmem:$0x1C940] =	vst v63  }
0x83: {  	_ = 	snop  }
0x84: {  	[tilespmem:s1], [sflag:$0x1] =	stream.indirect.gather [hbm4b:s6+s25], $0x20, s0, s25, $0xb8;
	[tilespmem:$0x1C940] =	vst v63  }
0x85: {  	_ =	swait.ge [sflag:s3], $0x1000  }
0x86: {  	[sflag:s3] =	ssyncset.done $0x0  }
0x87: {  	[sflag:s3] =	ssyncadd.s32 $0xFFFFF000  }
0x88: {  	_ =	swait.ge [sflag:s3], $0x1000  }
0x89: {  	[sflag:s3] =	ssyncset.done $0x0  }
0x8a: {  	[sflag:s3] =	ssyncadd.s32 $0xFFFFF000  }
0x8b: {  	_ =	swait.ge [sflag:s3], $0x1000  }
0x8c: {  	[sflag:s3] =	ssyncset.done $0x0  }
0x8d: {  	[sflag:s3] =	ssyncadd.s32 $0xFFFFF000  }
0x8e: {  	_ =	swait.ge [sflag:s3], $0x1000  }
0x8f: {  	[sflag:s3] =	ssyncset.done $0x0  }
0x90: {  	[sflag:s3] =	ssyncadd.s32 $0xFFFFF000  }
0x91: {  	_ =	swait.ge [sflag:s3], $0x1000  }
0x92: {  	[sflag:s3] =	ssyncset.done $0x0  }
0x93: {  	[sflag:s3] =	ssyncadd.s32 $0xFFFFF000  }
0x94: {  	_ =	swait.ge [sflag:s3], $0x1000  }
0x95: {  	[sflag:s3] =	ssyncset.done $0x0  }
0x96: {  	[sflag:s3] =	ssyncadd.s32 $0xFFFFF000  }
0x97: {  	_ =	swait.ge [sflag:s3], $0x1000  }
0x98: {  	[sflag:s3] =	ssyncset.done $0x0  }
0x99: {  	[sflag:s3] =	ssyncadd.s32 $0xFFFFF000  }
0x9a: {  	_ =	swait.ge [sflag:s3], $0x1000  }
0x9b: {  	[sflag:s3] =	ssyncset.done $0x0  }
0x9c: {  	s28 =	simm.s32 $0x1C680;
	[sflag:s3] =	ssyncadd.s32 $0xFFFFF000  }
.LBB2_7:
0x9d: {  	v0 =	vld [tilespmem:s26+$0x0]  }
0x9e: {  	v1 =	vmov s23;
	v6 =	vld [tilespmem:$0x1FE40]  }
0x9f: {  	v9 =	vld [tilespmem:$0x1FE20];
	v1 =	vshll.u32 v1, $0x5  }
0xa0: {  	v10 =	vlaneseq.u32;
	v8 =	vld [tilespmem:$0x1FE50];
	v35 =	vor.u32 v21, v1  }
0xa1: {  	v7 =	vld [tilespmem:$0x1FE30];
	v1 =	vor.u32 v10, v35  }
0xa2: {  	v11 =	vld [tilespmem:$0x1FE60]  }
0xa3: {  	v14 =	vld [tilespmem:$0x1FE70];
	v5 =	vor.u32 v6, v35  }
0xa4: {  	v15 =	vld [tilespmem:$0x1FE80]  }
0xa5: {  	v20 =	vld [tilespmem:$0x1FEC0];
	v17 =	vor.u32 v8, v35  }
0xa6: {  	v50 =	vld.idx.msk [tilespmem:v1+s18+$0x0], $0xffff  }
0xa7: {  	v19 =	vor.u32 v11, v35;
	v56 =	vld.idx.msk [tilespmem:v1+s20+$0x0], $0xffff  }
0xa8: {  	v54 =	vld.idx.msk [tilespmem:v5+s18+$0x0], $0xffff  }
0xa9: {  	v43 =	vor.u32 v63, v35;
	v53 =	vld.idx.msk [tilespmem:v5+s20+$0x0], $0xffff  }
0xaa: {  	v39 =	vld.idx.msk [tilespmem:v17+s18+$0x0], $0xffff  }
0xab: {  	v27 =	vor.u32 v14, v35;
	v42 =	vld.idx.msk [tilespmem:v17+s20+$0x0], $0xffff  }
0xac: {  	v45 =	vld.idx.msk [tilespmem:v19+s18+$0x0], $0xffff  }
0xad: {  	v34 =	vshll.u32 v0, $0x5;
	v46 =	vld.idx.msk [tilespmem:v19+s20+$0x0], $0xffff  }
0xae: {  	v0 =	vor.u32 v10, v34;
	v59 =	vld.idx.msk [tilespmem:v43+s18+$0x0], $0xffff  }
0xaf: {  	v33 =	vor.u32 v9, v34;
	v61 =	vld.idx.msk [tilespmem:v43+s20+$0x0], $0xffff  }
0xb0: {  	v5 =	vld.idx.msk [tilespmem:v27+s18+$0x0], $0xffff  }
0xb1: {  	v4 =	vor.u32 v7, v34;
	v12 =	vld.idx.msk [tilespmem:v27+s20+$0x0], $0xffff  }
0xb2: {  	v17 =	vld [tilespmem:$0x1FE90]  }
0xb3: {  	v16 =	vor.u32 v6, v34;
	v22 =	vld.idx.msk [tilespmem:v0+s4+$0x0], $0xffff  }
0xb4: {  	v36 =	vld.idx.msk [tilespmem:v33+s4+$0x0], $0xffff  }
0xb5: {  	v18 =	vor.u32 v8, v34;
	v37 =	vld.idx.msk [tilespmem:v33+s15+$0x0], $0xffff  }
0xb6: {  	v41 =	vld.idx.msk [tilespmem:v4+s4+$0x0], $0xffff  }
0xb7: {  	v23 =	vor.u32 v11, v34;
	v21 =	vld.idx.msk [tilespmem:v4+s15+$0x0], $0xffff  }
0xb8: {  	v44 =	vld.idx.msk [tilespmem:v16+s4+$0x0], $0xffff  }
0xb9: {  	v47 =	vor.u32 v63, v34;
	v48 =	vld.idx.msk [tilespmem:v16+s15+$0x0], $0xffff  }
0xba: {  	v60 =	vld.idx.msk [tilespmem:v18+s4+$0x0], $0xffff  }
0xbb: {  	v28 =	vor.u32 v14, v34;
	v57 =	vld.idx.msk [tilespmem:v18+s15+$0x0], $0xffff  }
0xbc: {  	v29 =	vor.u32 v15, v35;
	v55 =	vld.idx.msk [tilespmem:v23+s4+$0x0], $0xffff  }
0xbd: {  	v58 =	vld.idx.msk [tilespmem:v23+s15+$0x0], $0xffff  }
0xbe: {  	v38 =	vor.u32 v15, v34;
	v62 =	vld.idx.msk [tilespmem:v47+s4+$0x0], $0xffff  }
0xbf: {  	v4 =	vld.idx.msk [tilespmem:v47+s15+$0x0], $0xffff  }
0xc0: {  	v19 =	vld.idx.msk [tilespmem:v28+s15+$0x0], $0xffff  }
0xc1: {  	v16 =	vld.idx.msk [tilespmem:v29+s18+$0x0], $0xffff  }
0xc2: {  	v18 =	vld.idx.msk [tilespmem:v29+s20+$0x0], $0xffff;
	[tilespmem:$0x1FA00] =	vst v39  }
0xc3: {  	v24 =	vld.idx.msk [tilespmem:v38+s4+$0x0], $0xffff;
	[tilespmem:$0x1FA10] =	vst v42  }
0xc4: {  	v23 =	vld [tilespmem:$0x1FED0];
	[tilespmem:$0x1FA40] =	vst v46;
	v39 =	vor.u32 v17, v35  }
0xc5: {  	[tilespmem:$0x1FA80] =	vst v61;
	v61 =	vld.idx.msk [tilespmem:v28+s4+$0x0], $0xffff  }
0xc6: {  	v42 =	vor.u32 v17, v34;
	[tilespmem:$0x1FAC0] =	vst v16;
	v16 =	vld [tilespmem:$0x1FEA0]  }
0xc7: {  	[tilespmem:$0x1FAE0] =	vst v18;
	v18 =	vld [tilespmem:$0x1FEB0]  }
0xc8: {  	v46 =	vor.u32 v20, v35;
	[tilespmem:$0x1FAD0] =	vst v24;
	v24 =	vld [tilespmem:$0x1FEE0]  }
0xc9: {  	v25 =	vld.idx.msk [tilespmem:v39+s18+$0x0], $0xffff  }
0xca: {  	v26 =	vld.idx.msk [tilespmem:v39+s20+$0x0], $0xffff  }
0xcb: {  	v27 =	vld.idx.msk [tilespmem:v42+s4+$0x0], $0xffff  }
0xcc: {  	v39 =	vld.idx.msk [tilespmem:v42+s15+$0x0], $0xffff  }
0xcd: {  	[tilespmem:$0x1FA60] =	vst v59;
	v59 =	vld.idx.msk [tilespmem:v46+s18+$0x0], $0xffff;
	v28 =	vor.u32 v18, v35  }
0xce: {  	[tilespmem:$0x1FA70] =	vst v62;
	v62 =	vld.idx.msk [tilespmem:v46+s20+$0x0], $0xffff;
	v43 =	vor.u32 v16, v35  }
0xcf: {  	v31 =	vor.u32 v18, v34;
	[tilespmem:$0x1FAF0] =	vst v25;
	v25 =	vld [tilespmem:$0x1FEF0]  }
0xd0: {  	[tilespmem:$0x1FB00] =	vst v27;
	v27 =	vld [tilespmem:$0x1FFA0]  }
0xd1: {  	[tilespmem:$0x1FB10] =	vst v26;
	v26 =	vld [tilespmem:$0x1FF00]  }
0xd2: {  	[tilespmem:$0x1FA20] =	vst v45;
	v45 =	vor.u32 v16, v34;
	v47 =	vld.idx.msk [tilespmem:v28+s20+$0x0], $0xffff  }
0xd3: {  	[tilespmem:$0x1FA30] =	vst v55;
	v30 =	vld.idx.msk [tilespmem:v43+s20+$0x0], $0xffff  }
0xd4: {  	[tilespmem:$0x1FB90] =	vst v59;
	v59 =	vor.u32 v24, v35;
	v55 =	vld.idx.msk [tilespmem:v31+s4+$0x0], $0xffff  }
0xd5: {  	[tilespmem:$0x1FA50] =	vst v58;
	v58 =	vld.idx.msk [tilespmem:v31+s15+$0x0], $0xffff  }
0xd6: {  	[tilespmem:$0x1FBA0] =	vst v62;
	v62 =	vor.u32 v24, v34;
	v29 =	vld.idx.msk [tilespmem:v43+s18+$0x0], $0xffff  }
0xd7: {  	v32 =	vld.idx.msk [tilespmem:v45+s4+$0x0], $0xffff;
	[tilespmem:$0x1FB70] =	vst v47;
	v47 =	vor.u32 v20, v34  }
0xd8: {  	v33 =	vld.idx.msk [tilespmem:v28+s18+$0x0], $0xffff;
	[tilespmem:$0x1FB40] =	vst v30  }
0xd9: {  	v31 =	vld.idx.msk [tilespmem:v59+s20+$0x0], $0xffff;
	[tilespmem:$0x1FB60] =	vst v55;
	v55 =	vor.u32 v23, v35  }
0xda: {  	[tilespmem:$0x1FB80] =	vst v58;
	v58 =	vor.u32 v23, v34;
	v30 =	vld.idx.msk [tilespmem:v59+s18+$0x0], $0xffff  }
0xdb: {  	v59 =	vld.idx.msk [tilespmem:v62+s15+$0x0], $0xffff  }
0xdc: {  	[tilespmem:$0x1FAA0] =	vst v5;
	v42 =	vld.idx.msk [tilespmem:v47+s4+$0x0], $0xffff  }
0xdd: {  	[tilespmem:$0x1FA90] =	vst v4;
	v5 =	vor.u32 v25, v35;
	v43 =	vld.idx.msk [tilespmem:v47+s15+$0x0], $0xffff  }
0xde: {  	[tilespmem:$0x1FB50] =	vst v33;
	v33 =	vor.u32 v27, v35;
	v4 =	vld.idx.msk [tilespmem:v55+s18+$0x0], $0xffff  }
0xdf: {  	v46 =	vld.idx.msk [tilespmem:v58+s4+$0x0], $0xffff  }
0xe0: {  	v47 =	vld.idx.msk [tilespmem:v58+s15+$0x0], $0xffff  }
0xe1: {  	[tilespmem:$0x1FB30] =	vst v32;
	v32 =	vor.u32 v25, v34;
	v58 =	vld.idx.msk [tilespmem:v62+s4+$0x0], $0xffff  }
0xe2: {  	v62 =	vld.idx.msk [tilespmem:v5+s18+$0x0], $0xffff  }
0xe3: {  	v1 =	vld.idx.msk [tilespmem:v33+s20+$0x0], $0xffff  }
0xe4: {  	v13 =	vld.idx.msk [tilespmem:v0+s15+$0x0], $0xffff  }
0xe5: {  	[tilespmem:$0x1FAB0] =	vst v12;
	v12 =	vmov v63;
	v63 =	vld.idx.msk [tilespmem:v5+s20+$0x0], $0xffff  }
0xe6: {  	v0 =	vld.idx.msk [tilespmem:v32+s15+$0x0], $0xffff;
	[tilespmem:$0x1FBB0] =	vst v4;
	v4 =	vor.u32 v27, v34  }
0xe7: {  	[tilespmem:$0x1FBE0] =	vst v62;
	v62 =	vld.idx.msk [tilespmem:v32+s4+$0x0], $0xffff  }
0xe8: {  	v32 =	vld.idx.msk [tilespmem:v33+s18+$0x0], $0xffff;
	[tilespmem:$0x1FC30] =	vst v1;
	v1 =	vor.u32 v26, v34;
	_ =	sdelay $0x1  }
0xe9: {  	v28 =	vld [tilespmem:$0x1FF20]  }
0xea: {  	[tilespmem:$0x1FBF0] =	vst v63;
	v63 =	vld.idx.msk [tilespmem:v4+s15+$0x0], $0xffff  }
0xeb: {  	[tilespmem:$0x1FB20] =	vst v29;
	v29 =	vld [tilespmem:$0x1FF30]  }
0xec: {  	[tilespmem:$0x1FC10] =	vst v32;
	v32 =	vld.idx.msk [tilespmem:v1+s4+$0x0], $0xffff  }
0xed: {  	v2 =	vor.u32 v9, v35;
	v1 =	vld.idx.msk [tilespmem:v1+s15+$0x0], $0xffff;
	_ =	sdelay $0x1  }
0xee: {  	v33 =	vld.idx.msk [tilespmem:v4+s4+$0x0], $0xffff;
	[tilespmem:$0x1FC40] =	vst v63;
	v63 =	vor.u32 v28, v35;
	_ =	sdelay $0x2  }
0xef: {  	v51 =	vld.idx.msk [tilespmem:v2+s18+$0x0], $0xffff;
	[tilespmem:$0x1FC80] =	vst v1;
	v1 =	vor.u32 v29, v35  }
0xf0: {  	v40 =	vld.idx.msk [tilespmem:v2+s20+$0x0], $0xffff  }
0xf1: {  	v3 =	vor.u32 v7, v35;
	[tilespmem:$0x1FC20] =	vst v33;
	v33 =	vld.idx.msk [tilespmem:v63+s18+$0x0], $0xffff  }
0xf2: {  	v63 =	vld.idx.msk [tilespmem:v63+s20+$0x0], $0xffff  }
0xf3: {  	[tilespmem:$0x1FBC0] =	vst v30;
	v5 =	vor.u32 v26, v35;
	v30 =	vld [tilespmem:$0x1FF10]  }
0xf4: {  	[tilespmem:$0x1FC60] =	vst v32;
	v32 =	vld.idx.msk [tilespmem:v1+s18+$0x0], $0xffff  }
0xf5: {  	v1 =	vld.idx.msk [tilespmem:v1+s20+$0x0], $0xffff  }
0xf6: {  	v49 =	vld.idx.msk [tilespmem:v3+s18+$0x0], $0xffff  }
0xf7: {  	v52 =	vld.idx.msk [tilespmem:v3+s20+$0x0], $0xffff;
	[tilespmem:$0x1FCB0] =	vst v63;
	v63 =	vor.u32 v29, v34  }
0xf8: {  	[tilespmem:$0x1FC00] =	vst v0;
	v0 =	vld.idx.msk [tilespmem:v5+s20+$0x0], $0xffff  }
0xf9: {  	v4 =	vld.idx.msk [tilespmem:v5+s18+$0x0], $0xffff;
	v5 =	vor.u32 v28, v34  }
0xfa: {  	v2 =	vld.idx.msk [tilespmem:v10+s17+$0x0], $0xffff;
	[tilespmem:$0x1FCF0] =	vst v1;
	v1 =	vor.u32 v30, v34  }
0xfb: {  	[tilespmem:$0x1FBD0] =	vst v31;
	v31 =	vld [tilespmem:$0x1FF40]  }
0xfc: {  	[tilespmem:$0x1FC90] =	vst v33;
	v33 =	vld.idx.msk [tilespmem:v63+s4+$0x0], $0xffff  }
0xfd: {  	v63 =	vld.idx.msk [tilespmem:v63+s15+$0x0], $0xffff  }
0xfe: {  	[tilespmem:$0x1FC50] =	vst v4;
	v4 =	vld.idx.msk [tilespmem:v5+s4+$0x0], $0xffff  }
0xff: {  	[tilespmem:$0x1FCD0] =	vst v32;
	v32 =	vld.idx.msk [tilespmem:v1+s4+$0x0], $0xffff  }
0x100: {  	[tilespmem:$0x1FC70] =	vst v0;
	v0 =	vld.idx.msk [tilespmem:v5+s15+$0x0], $0xffff;
	v5 =	vor.u32 v30, v35  }
0x101: {  	v3 =	vld.idx.msk [tilespmem:v9+s17+$0x0], $0xffff  }
0x102: {  	v38 =	vld.idx.msk [tilespmem:v38+s15+$0x0], $0xffff;
	[tilespmem:$0x1FD00] =	vst v63;
	v63 =	vor.u32 v31, v35  }
0x103: {  	v1 =	vld.idx.msk [tilespmem:v1+s15+$0x0], $0xffff  }
0x104: {  	[tilespmem:$0x1FD20] =	vst v32;
	v32 =	vld [tilespmem:$0x1FF50]  }
0x105: {  	[tilespmem:$0x1FCA0] =	vst v4;
	v4 =	vld.idx.msk [tilespmem:v5+s18+$0x0], $0xffff  }
0x106: {  	[tilespmem:$0x1FCC0] =	vst v0;
	v0 =	vld.idx.msk [tilespmem:v5+s20+$0x0], $0xffff;
	v5 =	vor.u32 v31, v34  }
0x107: {  	[tilespmem:$0x1FCE0] =	vst v33;
	v33 =	vld.idx.msk [tilespmem:v63+s18+$0x0], $0xffff  }
0x108: {  	v22 =	vmul.f32 v22, v50;
	v13 =	vmul.f32 v13, v56;
	v50 =	vld.idx.msk [tilespmem:v8+s16+$0x0], $0xffff  }
0x109: {  	v56 =	vmul.f32 v36, v51;
	v36 =	vld.idx.msk [tilespmem:v14+s16+$0x0], $0xffff;
	[tilespmem:$0x1FD40] =	vst v1;
	v1 =	vor.u32 v32, v35  }
0x10a: {  	v63 =	vld.idx.msk [tilespmem:v63+s20+$0x0], $0xffff  }
0x10b: {  	[tilespmem:$0x1FD30] =	vst v0;
	v0 =	vld.idx.msk [tilespmem:v5+s15+$0x0], $0xffff  }
0x10c: {  	[tilespmem:$0x1FD50] =	vst v33;
	v33 =	vld [tilespmem:$0x1FF60]  }
0x10d: {  	[tilespmem:$0x1FD10] =	vst v4;
	v4 =	vld.idx.msk [tilespmem:v5+s4+$0x0], $0xffff  }
0x10e: {  	v5 =	vld.idx.msk [tilespmem:v1+s18+$0x0], $0xffff  }
0x10f: {  	[tilespmem:$0x1FD70] =	vst v63;
	v63 =	vor.u32 v32, v34;
	v1 =	vld.idx.msk [tilespmem:v1+s20+$0x0], $0xffff  }
0x110: {  	v51 =	vmul.f32 v41, v49;
	v49 =	vld [tilespmem:$0x1FA00]  }
0x111: {  	v41 =	vmul.f32 v48, v53;
	v53 =	vld [tilespmem:$0x1FA20];
	[tilespmem:$0x1FD80] =	vst v0;
	v0 =	vor.u32 v33, v35  }
0x112: {  	v13 =	vadd.f32 v13, v22;
	v22 =	vld.idx.msk [tilespmem:v20+s16+$0x0], $0xffff  }
0x113: {  	v45 =	vld.idx.msk [tilespmem:v45+s15+$0x0], $0xffff;
	[tilespmem:$0x1FD60] =	vst v4  }
0x114: {  	[tilespmem:$0x1FDB0] =	vst v1;
	v1 =	vor.u32 v33, v34;
	v4 =	vld.idx.msk [tilespmem:v63+s4+$0x0], $0xffff  }
0x115: {  	[tilespmem:$0x1FD90] =	vst v5;
	v5 =	vld.idx.msk [tilespmem:v63+s15+$0x0], $0xffff  }
0x116: {  	v63 =	vld.idx.msk [tilespmem:v0+s18+$0x0], $0xffff  }
0x117: {  	v0 =	vld.idx.msk [tilespmem:v0+s20+$0x0], $0xffff  }
0x118: {  	v55 =	vld.idx.msk [tilespmem:v55+s20+$0x0], $0xffff  }
0x119: {  	[tilespmem:$0x1FDA0] =	vst v4;
	v4 =	vld.idx.msk [tilespmem:v1+s4+$0x0], $0xffff  }
0x11a: {  	[tilespmem:$0x1FDC0] =	vst v5;
	v5 =	vld.idx.msk [tilespmem:v1+s15+$0x0], $0xffff  }
0x11b: {  	v1 =	vld.idx.msk [tilespmem:v7+s16+$0x0], $0xffff  }
0x11c: {  	[tilespmem:$0x1FDF0] =	vst v0;
	v0 =	vld.idx.msk [tilespmem:v10+s16+$0x0], $0xffff  }
0x11d: {  	[tilespmem:$0x1FDD0] =	vst v63;
	v63 =	vld.idx.msk [tilespmem:v9+s16+$0x0], $0xffff  }
0x11e: {  	[tilespmem:$0x1FDE0] =	vst v4;
	v4 =	vld.idx.msk [tilespmem:v7+s17+$0x0], $0xffff  }
0x11f: {  	[tilespmem:$0x1FE00] =	vst v5;
	v5 =	vld.idx.msk [tilespmem:v6+s16+$0x0], $0xffff  }
0x120: {  	v6 =	vld.idx.msk [tilespmem:v6+s17+$0x0], $0xffff  }
0x121: {  	v9 =	vmul.f32 v37, v40;
	v37 =	vld.idx.msk [tilespmem:v8+s17+$0x0], $0xffff  }
0x122: {  	v40 =	vld.idx.msk [tilespmem:v11+s16+$0x0], $0xffff  }
0x123: {  	v52 =	vmul.f32 v21, v52;
	v10 =	vld.idx.msk [tilespmem:v11+s17+$0x0], $0xffff  }
0x124: {  	v11 =	vld.idx.msk [tilespmem:v15+s16+$0x0], $0xffff  }
0x125: {  	v8 =	vadd.f32 v52, v51;
	v51 =	vld [tilespmem:$0x1FA10]  }
0x126: {  	v7 =	vadd.f32 v9, v56;
	v9 =	vld.idx.msk [tilespmem:v12+s17+$0x0], $0xffff;
	v56 =	vmul.f32 v44, v54  }
0x127: {  	v54 =	vld [tilespmem:$0x1FA30]  }
0x128: {  	v44 =	vadd.f32 v41, v56;
	v56 =	vld [tilespmem:$0x1FA40]  }
0x129: {  	v41 =	vld [tilespmem:$0x1FA60]  }
0x12a: {  	v0 =	vadd.f32 v13, v0;
	v13 =	vld.idx.msk [tilespmem:v12+s16+$0x0], $0xffff  }
0x12b: {  	v7 =	vadd.f32 v7, v63;
	v63 =	vmov v12;
	v12 =	vld.idx.msk [tilespmem:v17+s17+$0x0], $0xffff  }
0x12c: {  	v1 =	vadd.f32 v8, v1;
	v8 =	vmul.f32 v57, v51;
	v51 =	vld.idx.msk [tilespmem:v16+s16+$0x0], $0xffff  }
0x12d: {  	v57 =	vld [tilespmem:$0x1FA50]  }
0x12e: {  	v48 =	vadd.f32 v44, v5;
	v5 =	vld.idx.msk [tilespmem:v17+s16+$0x0], $0xffff  }
0x12f: {  	v44 =	vld [tilespmem:$0x1FFE0]  }
0x130: {  	v17 =	vld.idx.msk [tilespmem:v18+s16+$0x0], $0xffff;
	v0 =	vmax.f32 v0, $0.0e+00  }
0x131: {  	v7 =	vmax.f32 v7, $0.0e+00;
	v0 =	vmul.f32 v0, v2;
	v2 =	vld.idx.msk [tilespmem:v14+s17+$0x0], $0xffff  }
0x132: {  	v1 =	vmax.f32 v1, $0.0e+00;
	v3 =	vmul.f32 v7, v3;
	v7 =	vld.idx.msk [tilespmem:v15+s17+$0x0], $0xffff  }
0x133: {  	v1 =	vmul.f32 v1, v4;
	v4 =	vmax.f32 v48, $0.0e+00;
	v48 =	vld [tilespmem:$0x1FFD0]  }
0x134: {  	v14 =	vld.idx.msk [tilespmem:v23+s16+$0x0], $0xffff  }
0x135: {  	v15 =	vld.idx.msk [tilespmem:v24+s17+$0x0], $0xffff  }
0x136: {  	v52 =	vmul.f32 v4, v6;
	v6 =	vmul.f32 v54, v53;
	v54 =	vld [tilespmem:$0x1FAA0];
	v0 =	vadd.f32 $0.0e+00, v0  }
0x137: {  	v4 =	vld.idx.msk [tilespmem:v16+s17+$0x0], $0xffff  }
0x138: {  	v53 =	vld [tilespmem:$0x1FA90];
	v0 =	vadd.f32 v3, v0;
	v3 =	vmul.f32 v60, v49  }
0x139: {  	v49 =	vld [tilespmem:$0x1FFF0]  }
0x13a: {  	v3 =	vadd.f32 v8, v3;
	v8 =	vmul.f32 v57, v56;
	v57 =	vld [tilespmem:$0x1FAB0]  }
0x13b: {  	v56 =	vmul.f32 v61, v54;
	v61 =	vld [tilespmem:$0x1FAC0]  }
0x13c: {  	v0 =	vadd.f32 v1, v0;
	v60 =	vadd.f32 v3, v50;
	v3 =	vld.idx.msk [tilespmem:v18+s17+$0x0], $0xffff  }
0x13d: {  	v6 =	vadd.f32 v8, v6;
	v50 =	vld [tilespmem:$0x1FA70]  }
0x13e: {  	v0 =	vadd.f32 v52, v0;
	v52 =	vld [tilespmem:$0x1FA80]  }
0x13f: {  	v1 =	vmax.f32 v60, $0.0e+00;
	v6 =	vadd.f32 v6, v40;
	v40 =	vld [tilespmem:$0x1FAE0]  }
0x140: {  	v1 =	vmul.f32 v1, v37;
	v37 =	vld [tilespmem:$0x1FAD0]  }
0x141: {  	v19 =	vmul.f32 v19, v57;
	v57 =	vld [tilespmem:$0x1FB00]  }
0x142: {  	v8 =	vmul.f32 v50, v41;
	v41 =	vld.idx.msk [tilespmem:v20+s17+$0x0], $0xffff  }
0x143: {  	v21 =	vmul.f32 v53, v52;
	v60 =	vadd.f32 v19, v56;
	v56 =	vld [tilespmem:$0x1FAF0]  }
0x144: {  	v6 =	vmax.f32 v6, $0.0e+00;
	v20 =	vld.idx.msk [tilespmem:v25+s16+$0x0], $0xffff  }
0x145: {  	v0 =	vadd.f32 v1, v0;
	v6 =	vmul.f32 v6, v10;
	v8 =	vadd.f32 v21, v8;
	v21 =	vld.idx.msk [tilespmem:v23+s17+$0x0], $0xffff  }
0x146: {  	v53 =	vadd.f32 v60, v36;
	v60 =	vld [tilespmem:$0x1FB10]  }
0x147: {  	v0 =	vadd.f32 v6, v0;
	v6 =	vld.idx.msk [tilespmem:v25+s17+$0x0], $0xffff  }
0x148: {  	v36 =	vld [tilespmem:$0x1FB30]  }
0x149: {  	v50 =	vmul.f32 v38, v40;
	v40 =	vld [tilespmem:$0x1FB60]  }
0x14a: {  	v23 =	vld [tilespmem:$0x1FBB0]  }
0x14b: {  	v18 =	vmul.f32 v37, v61;
	v37 =	vld [tilespmem:$0x1FB40]  }
0x14c: {  	v52 =	vadd.f32 v8, v13;
	v8 =	vld.idx.msk [tilespmem:v24+s16+$0x0], $0xffff  }
0x14d: {  	v13 =	vld.idx.msk [tilespmem:v27+s16+$0x0], $0xffff  }
0x14e: {  	v10 =	vmax.f32 v53, $0.0e+00;
	v53 =	vld [tilespmem:$0x1FB90]  }
0x14f: {  	v24 =	vmul.f32 v10, v2;
	v2 =	vld.idx.msk [tilespmem:v27+s17+$0x0], $0xffff  }
0x150: {  	v10 =	vld.idx.msk [tilespmem:v26+s16+$0x0], $0xffff  }
0x151: {  	v27 =	vld [tilespmem:$0x1FB20]  }
0x152: {  	v54 =	vadd.f32 v50, v18;
	v50 =	vld [tilespmem:$0x1FB70]  }
0x153: {  	v18 =	vmul.f32 v57, v56;
	v56 =	vld [tilespmem:$0x1FBA0]  }
0x154: {  	v1 =	vmax.f32 v52, $0.0e+00;
	v52 =	vld [tilespmem:$0x1FB80]  }
0x155: {  	v61 =	vmul.f32 v39, v60;
	v39 =	vld [tilespmem:$0x1FB50]  }
0x156: {  	v16 =	vadd.f32 v54, v11;
	v11 =	vmul.f32 v45, v37;
	v45 =	vld [tilespmem:$0x1FF80]  }
0x157: {  	v19 =	vadd.f32 v61, v18;
	v18 =	vld.idx.msk [tilespmem:v28+s16+$0x0], $0xffff  }
0x158: {  	v1 =	vmul.f32 v1, v9;
	v9 =	vmax.f32 v16, $0.0e+00;
	v16 =	vld.idx.msk [tilespmem:v30+s17+$0x0], $0xffff  }
0x159: {  	v25 =	vmul.f32 v9, v7;
	v7 =	vld.idx.msk [tilespmem:v26+s17+$0x0], $0xffff  }
0x15a: {  	v57 =	vmul.f32 v43, v56;
	v43 =	vld [tilespmem:$0x1FF70]  }
0x15b: {  	v26 =	vld.idx.msk [tilespmem:v29+s17+$0x0], $0xffff  }
0x15c: {  	v9 =	vmul.f32 v36, v27;
	v36 =	vmul.f32 v47, v55;
	v47 =	vld [tilespmem:$0x1FFB0]  }
0x15d: {  	v27 =	vld.idx.msk [tilespmem:v31+s16+$0x0], $0xffff  }
0x15e: {  	v0 =	vadd.f32 v1, v0;
	v55 =	vld [tilespmem:$0x1FC00]  }
0x15f: {  	v54 =	vmul.f32 v42, v53;
	v5 =	vadd.f32 v19, v5;
	v19 =	vld.idx.msk [tilespmem:v29+s16+$0x0], $0xffff  }
0x160: {  	v0 =	vadd.f32 v24, v0;
	v29 =	vld.idx.msk [tilespmem:v32+s17+$0x0], $0xffff  }
0x161: {  	v61 =	vadd.f32 v57, v54;
	v54 =	vld [tilespmem:$0x1FBE0]  }
0x162: {  	v0 =	vadd.f32 v25, v0;
	v25 =	vld.idx.msk [tilespmem:v32+s16+$0x0], $0xffff  }
0x163: {  	v9 =	vadd.f32 v11, v9;
	v5 =	vmax.f32 v5, $0.0e+00;
	v32 =	vld.idx.msk [tilespmem:v44+s16+$0x0], $0xffff  }
0x164: {  	v38 =	vmul.f32 v5, v12;
	v5 =	vld.idx.msk [tilespmem:v28+s17+$0x0], $0xffff  }
0x165: {  	v11 =	vmul.f32 v40, v39;
	v12 =	vmul.f32 v52, v50;
	v60 =	vadd.f32 v9, v51;
	v9 =	vld.idx.msk [tilespmem:v30+s16+$0x0], $0xffff  }
0x166: {  	v30 =	vmul.f32 v46, v23;
	v46 =	vld [tilespmem:$0x1FF90]  }
0x167: {  	v23 =	vld [tilespmem:$0x1FBC0];
	v11 =	vadd.f32 v12, v11  }
0x168: {  	v1 =	vmax.f32 v60, $0.0e+00;
	v12 =	vadd.f32 v61, v22;
	v22 =	vadd.f32 v36, v30;
	v60 =	vld [tilespmem:$0x1FC40]  }
0x169: {  	v37 =	vadd.f32 v11, v17;
	v11 =	vld.idx.msk [tilespmem:v31+s17+$0x0], $0xffff  }
0x16a: {  	v52 =	vadd.f32 v22, v14;
	v22 =	vld.idx.msk [tilespmem:v33+s17+$0x0], $0xffff  }
0x16b: {  	v0 =	vadd.f32 v38, v0;
	v1 =	vmul.f32 v1, v4;
	v28 =	vld.idx.msk [tilespmem:v43+s17+$0x0], $0xffff  }
0x16c: {  	v38 =	vor.u32 v43, v35;
	v39 =	vmul.f32 v58, v23;
	v23 =	vld [tilespmem:$0x1FBD0]  }
0x16d: {  	v0 =	vadd.f32 v1, v0;
	v1 =	vmul.f32 v62, v54;
	v54 =	vld [tilespmem:$0x1FCF0]  }
0x16e: {  	v42 =	vor.u32 v43, v34;
	v51 =	vmax.f32 v12, $0.0e+00;
	v12 =	vmax.f32 v52, $0.0e+00;
	v52 =	vld [tilespmem:$0x1FCD0]  }
0x16f: {  	v4 =	vmax.f32 v37, $0.0e+00;
	v37 =	vld.idx.msk [tilespmem:v44+s17+$0x0], $0xffff  }
0x170: {  	v50 =	vmul.f32 v4, v3;
	v4 =	vld.idx.msk [tilespmem:v33+s16+$0x0], $0xffff  }
0x171: {  	v24 =	vld.idx.msk [tilespmem:v38+s18+$0x0], $0xffff  }
0x172: {  	v14 =	vld.idx.msk [tilespmem:v38+s20+$0x0], $0xffff  }
0x173: {  	v57 =	vmul.f32 v12, v21;
	v12 =	vld.idx.msk [tilespmem:v42+s4+$0x0], $0xffff  }
0x174: {  	v21 =	vld.idx.msk [tilespmem:v42+s15+$0x0], $0xffff  }
0x175: {  	v62 =	vor.u32 v45, v35;
	v40 =	vmul.f32 v59, v23;
	v23 =	vld [tilespmem:$0x1FBF0]  }
0x176: {  	v56 =	vor.u32 v44, v35;
	v38 =	vld [tilespmem:$0x1FC60]  }
0x177: {  	v3 =	vmul.f32 v51, v41;
	v51 =	vld [tilespmem:$0x1FCC0]  }
0x178: {  	v0 =	vadd.f32 v50, v0;
	v50 =	vld [tilespmem:$0x1FCB0]  }
0x179: {  	v59 =	vld [tilespmem:$0x1FC10]  }
0x17a: {  	v17 =	vld.idx.msk [tilespmem:v62+s20+$0x0], $0xffff;
	v23 =	vmul.f32 v55, v23  }
0x17b: {  	v0 =	vadd.f32 v3, v0;
	v3 =	vld.idx.msk [tilespmem:v56+s18+$0x0], $0xffff  }
0x17c: {  	v53 =	vadd.f32 v40, v39;
	v39 =	vld [tilespmem:$0x1FC70];
	v1 =	vadd.f32 v23, v1  }
0x17d: {  	v40 =	vld [tilespmem:$0x1FC80]  }
0x17e: {  	v8 =	vadd.f32 v53, v8;
	v1 =	vadd.f32 v1, v20;
	v20 =	vld [tilespmem:$0x1FC20]  }
0x17f: {  	v53 =	vld [tilespmem:$0x1FCE0]  }
0x180: {  	v55 =	vld [tilespmem:$0x1FD00];
	v8 =	vmax.f32 v8, $0.0e+00  }
0x181: {  	v58 =	vmul.f32 v8, v15;
	v8 =	vld.idx.msk [tilespmem:v43+s16+$0x0], $0xffff  }
0x182: {  	v43 =	vld [tilespmem:$0x1FCA0]  }
0x183: {  	v15 =	vmul.f32 v20, v59;
	v20 =	vld [tilespmem:$0x1FC30]  }
0x184: {  	v30 =	vmul.f32 v40, v39;
	v39 =	vld [tilespmem:$0x1FD40]  }
0x185: {  	v23 =	vor.u32 v44, v34;
	v44 =	vld [tilespmem:$0x1FD50]  }
0x186: {  	v33 =	vmul.f32 v53, v52;
	v52 =	vld [tilespmem:$0x1FD90]  }
0x187: {  	v53 =	vld [tilespmem:$0x1FDA0]  }
0x188: {  	v36 =	vmul.f32 v55, v54;
	v54 =	vld [tilespmem:$0x1FDB0];
	v20 =	vmul.f32 v60, v20  }
0x189: {  	v55 =	vld [tilespmem:$0x1FDC0]  }
0x18a: {  	v42 =	vor.u32 v45, v34;
	v61 =	vadd.f32 v20, v15;
	v20 =	vld [tilespmem:$0x1FC50]  }
0x18b: {  	v1 =	vmax.f32 v1, $0.0e+00;
	v31 =	vld.idx.msk [tilespmem:v23+s4+$0x0], $0xffff  }
0x18c: {  	v1 =	vmul.f32 v1, v6;
	v6 =	vld.idx.msk [tilespmem:v23+s15+$0x0], $0xffff  }
0x18d: {  	v23 =	vld [tilespmem:$0x1FC90]  }
0x18e: {  	v15 =	vld.idx.msk [tilespmem:v56+s20+$0x0], $0xffff  }
0x18f: {  	v0 =	vadd.f32 v57, v0;
	v41 =	vadd.f32 v61, v13;
	v13 =	vld.idx.msk [tilespmem:v42+s15+$0x0], $0xffff;
	v20 =	vmul.f32 v38, v20  }
0x190: {  	v38 =	vld [tilespmem:$0x1FD10]  }
0x191: {  	v0 =	vadd.f32 v58, v0;
	v20 =	vadd.f32 v30, v20;
	v30 =	vmul.f32 v51, v50;
	v50 =	vld [tilespmem:$0x1FD70]  }
0x192: {  	v23 =	vmul.f32 v43, v23;
	v51 =	vld [tilespmem:$0x1FD80]  }
0x193: {  	v0 =	vadd.f32 v1, v0;
	v56 =	vadd.f32 v20, v10;
	v20 =	vld.idx.msk [tilespmem:v62+s18+$0x0], $0xffff  }
0x194: {  	v1 =	vmax.f32 v41, $0.0e+00;
	v57 =	vadd.f32 v30, v23;
	v23 =	vadd.f32 v36, v33;
	v10 =	vld.idx.msk [tilespmem:v42+s4+$0x0], $0xffff  }
0x195: {  	v58 =	vor.u32 v46, v35;
	v1 =	vmul.f32 v1, v2;
	v33 =	vld.idx.msk [tilespmem:v45+s16+$0x0], $0xffff  }
0x196: {  	v59 =	vmax.f32 v56, $0.0e+00;
	v60 =	vadd.f32 v57, v18;
	v61 =	vadd.f32 v23, v19;
	v23 =	vld [tilespmem:$0x1FD20]  }
0x197: {  	v0 =	vadd.f32 v1, v0;
	v1 =	vmul.f32 v59, v7;
	v59 =	vld [tilespmem:$0x1FDE0]  }
0x198: {  	v2 =	vmax.f32 v60, $0.0e+00;
	v60 =	vld [tilespmem:$0x1FDF0]  }
0x199: {  	v62 =	vor.u32 v46, v34;
	v41 =	vmax.f32 v61, $0.0e+00;
	v61 =	vld [tilespmem:$0x1FE00]  }
0x19a: {  	v40 =	vmul.f32 v2, v5;
	v2 =	vld.idx.msk [tilespmem:v45+s17+$0x0], $0xffff  }
0x19b: {  	v5 =	vld.idx.msk [tilespmem:v58+s20+$0x0], $0xffff  }
0x19c: {  	v56 =	vor.u32 v47, v34;
	v19 =	vmul.f32 v23, v38;
	v23 =	vld [tilespmem:$0x1FD30]  }
0x19d: {  	v45 =	vld [tilespmem:$0x1FD60]  }
0x19e: {  	v30 =	vld.idx.msk [tilespmem:v62+s4+$0x0], $0xffff  }
0x19f: {  	v18 =	vld.idx.msk [tilespmem:v62+s15+$0x0], $0xffff  }
0x1a0: {  	v0 =	vadd.f32 v1, v0;
	v43 =	vmul.f32 v41, v26;
	v1 =	vld.idx.msk [tilespmem:v46+s16+$0x0], $0xffff  }
0x1a1: {  	v26 =	vmul.f32 v51, v50;
	v50 =	vld.idx.msk [tilespmem:v56+s4+$0x0], $0xffff;
	v23 =	vmul.f32 v39, v23  }
0x1a2: {  	v14 =	vmul.f32 v21, v14;
	v62 =	vor.u32 v48, v35;
	v21 =	vld.idx.msk [tilespmem:v56+s15+$0x0], $0xffff  }
0x1a3: {  	v12 =	vmul.f32 v12, v24;
	v51 =	vor.u32 v48, v34;
	v42 =	vadd.f32 v23, v19;
	v19 =	vld.idx.msk [tilespmem:v58+s18+$0x0], $0xffff  }
0x1a4: {  	v36 =	vmul.f32 v53, v52;
	v38 =	vmul.f32 v55, v54;
	v58 =	vld [tilespmem:$0x1FDD0]  }
0x1a5: {  	v0 =	vadd.f32 v40, v0;
	v54 =	vld.idx.msk [tilespmem:v47+s16+$0x0], $0xffff;
	v40 =	vmul.f32 v61, v60;
	v60 =	vor.u32 v49, v34  }
0x1a6: {  	v57 =	vadd.f32 v38, v36;
	v36 =	vld.idx.msk [tilespmem:v46+s17+$0x0], $0xffff;
	v7 =	vadd.f32 v42, v9;
	v9 =	vmul.f32 v45, v44  }
0x1a7: {  	v12 =	vadd.f32 v14, v12;
	v3 =	vmul.f32 v31, v3;
	v56 =	vor.u32 v49, v35;
	v55 =	vld.idx.msk [tilespmem:v62+s18+$0x0], $0xffff  }
0x1a8: {  	v6 =	vmul.f32 v6, v15;
	v61 =	vld.idx.msk [tilespmem:v51+s15+$0x0], $0xffff;
	v23 =	vor.u32 v47, v35;
	v9 =	vadd.f32 v26, v9  }
0x1a9: {  	v8 =	vadd.f32 v12, v8;
	v10 =	vmul.f32 v10, v20;
	v38 =	vmul.f32 v59, v58;
	v58 =	vld [tilespmem:$0x1FFC0]  }
0x1aa: {  	v0 =	vadd.f32 v43, v0;
	v20 =	vld.idx.msk [tilespmem:v60+s4+$0x0], $0xffff;
	v7 =	vmax.f32 v7, $0.0e+00;
	v9 =	vadd.f32 v9, v27  }
0x1ab: {  	v45 =	vadd.f32 v57, v25;
	v57 =	vld.idx.msk [tilespmem:v62+s20+$0x0], $0xffff;
	v7 =	vmul.f32 v7, v16;
	v46 =	vadd.f32 v40, v38  }
0x1ac: {  	v8 =	vmax.f32 v8, $0.0e+00;
	v3 =	vadd.f32 v6, v3;
	v26 =	vld.idx.msk [tilespmem:v56+s18+$0x0], $0xffff;
	v9 =	vmax.f32 v9, $0.0e+00  }
0x1ad: {  	v41 =	vld.idx.msk [tilespmem:v23+s18+$0x0], $0xffff;
	v0 =	vadd.f32 v7, v0;
	v52 =	vmul.f32 v9, v11;
	v4 =	vadd.f32 v46, v4  }
0x1ae: {  	v13 =	vmul.f32 v13, v17;
	v23 =	vld.idx.msk [tilespmem:v23+s20+$0x0], $0xffff;
	v16 =	vmax.f32 v45, $0.0e+00;
	v27 =	vor.u32 v58, v34  }
0x1af: {  	v59 =	vld.idx.msk [tilespmem:v51+s4+$0x0], $0xffff;
	v53 =	vmul.f32 v16, v29;
	v0 =	vadd.f32 v52, v0;
	v4 =	vmax.f32 v4, $0.0e+00  }
0x1b0: {  	v3 =	vadd.f32 v3, v32;
	v16 =	vld.idx.msk [tilespmem:v56+s20+$0x0], $0xffff;
	v4 =	vmul.f32 v4, v22;
	v22 =	vor.u32 v58, v35  }
0x1b1: {  	v5 =	vmul.f32 v18, v5;
	v31 =	vmul.f32 v30, v19;
	v29 =	vld.idx.msk [tilespmem:v60+s15+$0x0], $0xffff;
	v0 =	vadd.f32 v53, v0  }
0x1b2: {  	v3 =	vmax.f32 v3, $0.0e+00;
	v62 =	vld.idx.msk [tilespmem:v48+s16+$0x0], $0xffff;
	v25 =	vmul.f32 v8, v28;
	v28 =	vadd.f32 v13, v10  }
0x1b3: {  	v3 =	vmul.f32 v3, v37;
	v5 =	vadd.f32 v5, v31;
	v0 =	vadd.f32 v4, v0;
	v39 =	vld.idx.msk [tilespmem:v27+s4+$0x0], $0xffff  }
0x1b4: {  	v6 =	vmul.f32 v61, v57;
	v8 =	vmul.f32 v20, v26;
	v34 =	vadd.f32 v28, v33;
	v40 =	vld.idx.msk [tilespmem:v27+s15+$0x0], $0xffff  }
0x1b5: {  	v37 =	vmul.f32 v50, v41;
	v38 =	vmul.f32 v21, v23;
	v0 =	vadd.f32 v25, v0;
	v32 =	vld.idx.msk [tilespmem:v22+s18+$0x0], $0xffff  }
0x1b6: {  	v1 =	vadd.f32 v5, v1;
	v12 =	vmul.f32 v59, v55;
	v10 =	vmul.f32 v29, v16;
	v35 =	vld.idx.msk [tilespmem:v22+s20+$0x0], $0xffff  }
0x1b7: {  	v43 =	vld.idx.msk [tilespmem:v47+s17+$0x0], $0xffff;
	v41 =	vadd.f32 v38, v37;
	v0 =	vadd.f32 v3, v0;
	v3 =	vmax.f32 v34, $0.0e+00  }
0x1b8: {  	v44 =	vld.idx.msk [tilespmem:v49+s16+$0x0], $0xffff;
	v6 =	vadd.f32 v6, v12;
	v2 =	vmul.f32 v3, v2  }
0x1b9: {  	v46 =	vld.idx.msk [tilespmem:v48+s17+$0x0], $0xffff;
	v1 =	vmax.f32 v1, $0.0e+00;
	v8 =	vadd.f32 v10, v8;
	v45 =	vadd.f32 v41, v54  }
0x1ba: {  	v1 =	vmul.f32 v1, v36;
	v47 =	vld.idx.msk [tilespmem:v58+s16+$0x0], $0xffff;
	v6 =	vadd.f32 v6, v62;
	v0 =	vadd.f32 v2, v0  }
0x1bb: {  	v50 =	vld.idx.msk [tilespmem:v49+s17+$0x0], $0xffff;
	v48 =	vmul.f32 v39, v32;
	v2 =	vmax.f32 v45, $0.0e+00;
	v4 =	vmul.f32 v40, v35  }
0x1bc: {  	v51 =	vmul.f32 v2, v43;
	v0 =	vadd.f32 v1, v0  }
0x1bd: {  	v54 =	vld.idx.msk [tilespmem:v58+s17+$0x0], $0xffff;
	v53 =	vadd.f32 v8, v44;
	v52 =	vmax.f32 v6, $0.0e+00;
	v4 =	vadd.f32 v4, v48  }
0x1be: {  	v55 =	vmul.f32 v52, v46;
	v0 =	vadd.f32 v51, v0  }
0x1bf: {  	v56 =	vmax.f32 v53, $0.0e+00;
	v57 =	vadd.f32 v4, v47  }
0x1c0: {  	v58 =	vmul.f32 v56, v50;
	v0 =	vadd.f32 v55, v0  }
0x1c1: {  	v59 =	vmax.f32 v57, $0.0e+00  }
0x1c2: {  	v60 =	vmul.f32 v59, v54;
	v0 =	vadd.f32 v58, v0;
	_ =	sdelay $0x1  }
0x1c3: {  	v0 =	vadd.f32 v60, v0;
	_ =	sdelay $0x1  }
0x1c4: {  	v0 =	vmul.f32 $1.442695020e+00, v0;
	_ =	sdelay $0x1  }
0x1c5: {  	(erf) = vpow2.f32 v0;
	_ =	sdelay $0x2  }
0x1c6: {  	v61 =	vld [tilespmem:s24+$0x0];
	_ =	sdelay $0x2  }
0x1c7: {  	p0 =	sne.s32 s23, $0x1F0  }
.Ltmp3:
0x1c8: {  	_ = 	snop;
	(pc) =	sbr.rel @p0 .LBB2_7-.Ltmp3, $4  }
0x1c9: {  	_ = 	snop  }
0x1ca: {  	v62 =	vpop (erf)  }
0x1cb: {  	s26 =	sadd.s32 $0x10, s26;
	v21 =	vld [tilespmem:$0x1FE10];
	[tilespmem:s28+$0x0] =	vst v62  }
0x1cc: {  	s23 =	sadd.s32 $0x10, s23;
	s24 =	sadd.s32 $0x10, s24;
	s28 =	sadd.s32 $0x10, s28;
	[tilespmem:v61+s10+$0x0] =	vst.idx.add.f32.msk $0xffff, v62  }
0x1cd: {  	s14 =	sadd.s32 $0x1, s14  }
0x1ce: {  	p0 =	sne.s32 s14, $0x31  }
.Ltmp4:
0x1cf: {  	s21 =	sadd.s32 s11, s21;
	(pc) =	sbr.rel @p0 .LBB2_6-.Ltmp4, $4  }
0x1d0: {  	[hbm4b:s21+s4] =	stream.linear.scatter [tilespmem:s13], [sflag:$0x2], $0x200, $0x38;
	[tilespmem:$0x1C940] =	vst v63  }
0x1d1: {  	_ =	swait.ge [sflag:s22], $0x200  }
0x1d2: {  	[sflag:s22] =	ssyncset.done $0x0  }
0x1d3: {  	[sflag:s22] =	ssyncadd.s32 $0xFFFFFE00  }
0x1d4: {  	s14 =	rddreg [dreg:$0x6]  }
0x1d5: {  	[hbm4b:s14+s4] =	stream.linear.scatter [tilespmem:s10], [sflag:$0x2], $0xC380, $0x38;
	[tilespmem:$0x1C940] =	vst v63  }
0x1d6: {  	_ =	swait.ge [sflag:s22], $0xC380  }
0x1d7: {  	s21 =	rddreg [dreg:$0x8]  }
0x1d8: {  	s29 =	rddreg [dreg:$0x7];
	s21 =	sadd.s32 $0x1, s21  }
0x1d9: {  	p0 =	sne.s32 s21, s29  }
.Ltmp5:
0x1da: {  	_ = 	snop;
	(pc) =	sbr.rel @p0 .LBB2_1-.Ltmp5, $3  }
0x1db: {  	_ =	sdelay $0x1  }
0x1dc: {  	[sflag:s22] =	ssyncset.done $0x0  }
0x1dd: {  	v20 =	vimm.f32 $0.0e+00;
	[sflag:s22] =	ssyncadd.s32 $0xFFFF3C80  }
0x1de: {  	_ =	sfence.sel $0x180000  }
0x1df: {  	[bflag:$0x0] =	sbarrier.arrive $0xFFFF  }
0x1e0: {  	_ =	strace $0x90000047  }
0x1e1: {  	s0 =	stileid.u32;
	[bflag:$0x2] =	sbarrier.arrive $0xFFFF  }
0x1e2: {  	p0 =	sne.s32 s0, $0x0;
	s0 =	rddreg [dreg:$0x4]  }
0x1e3: {  	s0 =	sadd.s32 @!p0 $0x100000, s0  }
0x1e4: {  	[sflag:s0] =	ssyncadd.tile.s32 @!p0 $0x1;
	_ =	shalt  }
.Lfunc_end2:
_tile_overlayer_lowered:
.L_overlay_start_2:
0x1e5: {  	(tag) =	ssettag $0x2  }
0x1e6: {  	s0 =	rddreg [dreg:$0x0];
	s2 =	stileid.u32  }
0x1e7: {  	s1 =	rddreg [dreg:$0x1];
	p0 =	sne.s32 s2, $0x0  }
0x1e8: {  	s3 =	rddreg [dreg:$0x2];
	[bflag:$0x3] =	sbarrier.arrive $0xFFFF;
	s2 =	simm.s32 @!p0 $0x1C02  }
0x1e9: {  	[timem:s3], [sflag:s2] =	dma.local @!p0 [hbm:s0], s1  }
0x1ea: {  	s0 =	simm.s32 @!p0 $0x2  }
0x1eb: {  	_ =	swait.ge @!p0 [sflag:s0], s1  }
0x1ec: {  	s1 =	ssub.s32 @!p0 $0x0, s1;
	[sflag:s0] =	ssyncset.done @!p0 $0x0  }
0x1ed: {  	[sflag:s0] =	ssyncadd.s32 @!p0 s1  }
0x1ee: {  	[bflag:$0x3] =	sbarrier.arrive $0xFFFF  }
0x1ef: {  	_ =	shalt  }

// kernel: attflow_k2.3.cloned.1.call-start
scs
__scs_entry_jumppad:
0x0: {  	(pc) =	sbr.rel $0x88, $3  }
0x1: {  	(tag) =	ssettag $0x0;
	lr =	simm.s32 $0x1  }
0x2: {  	[smem:$0x3F95] =	sst lr;
	_ =	strace $0xD0000000  }
0x3: {  	_ = 	snop  }
0x4: {  	_ = 	snop  }
0x5: {  	_ = 	snop  }
0x6: {  	_ = 	snop  }
0x7: {  	_ = 	snop  }
__scs_overlays_trampoline_lowered:
0x8: {  	[smem:$0x3FA4] =	sst s0  }
0x9: {  	[smem:$0x3FA5] =	sst s1  }
0xa: {  	[smem:$0x3FA6] =	sst s2  }
0xb: {  	[smem:$0x3FA7] =	sst s3  }
0xc: {  	[smem:$0x3FA8] =	sst s4  }
0xd: {  	[smem:$0x3FA9] =	sst s5  }
0xe: {  	[smem:$0x3FAA] =	sst s6  }
0xf: {  	[smem:$0x3FAB] =	sst s7  }
0x10: {  	[smem:$0x3FAC] =	sst s8  }
0x11: {  	[smem:$0x3FAD] =	sst s9;
	s0 =	simm.s32 @!p0 $0x0  }
0x12: {  	s1 =	sld [smem:$0x3F93];
	s0 =	simm.s32 @p0 $0x1  }
0x13: {  	[smem:$0x3FAE] =	sst s0;
	s0 =	simm.s32 @!p1 $0x0  }
0x14: {  	s2 =	sld [smem:$0x3F92];
	s0 =	simm.s32 @p1 $0x1  }
0x15: {  	[smem:$0x3FAF] =	sst s0;
	s0 =	simm.s32 @!p2 $0x0  }
0x16: {  	s3 =	sld [smem:$0x3FDB];
	s0 =	simm.s32 @p2 $0x1  }
0x17: {  	s4 =	simm.s32 $0x1BF5;
	[smem:$0x3FB1] =	sst s0  }
0x18: {  	s0 =	sld [smem:$0x3F94];
	_ =	swait.ge [sflag:s4], $0x0  }
0x19: {  	s7 =	sld [smem:$0x3F95]  }
0x1a: {  	s8 =	sadd.s32 $0xFFFFE003, lr  }
0x1b: {  	s9 =	sadd.s32 $0xFFFFFEF7, lr;
	s5 =	simm.s32 $0xFFFFFFFF;
	p2 =	slt.u32 s8, $0xFFFFF086  }
0x1c: {  	p1 =	slt.u32 s9, $0xF7A;
	s5 =	simm.s32 @!p2 $0x0  }
0x1d: {  	s5 =	simm.s32 @p1 $0x1;
	p0 =	seq.s32 s7, s2  }
0x1e: {  	s7 =	smul.u32 @!p0 $0xF7A, s2;
	p2 =	seq.s32 @!p0 s5, $0x0  }
0x1f: {  	s9 =	smul.u32 $0xF7A, s1;
	s8 =	simm.s32 @!p0 $0x1BF5;
	p2 =	por !p2, p0  }
0x20: {  	[sflag:s8] =	ssyncset.s32 @!p0 $0xFFFFF086;
	s6 =	sadd.s32 @!p0 s3, s7;
	s7 =	simm.s32 @!p0 $0x108  }
0x21: {  	s3 =	sadd.s32 s3, s9;
	s6 =	sadd.s32 @!p0 $0x88, s6;
	s7 =	simm.s32 @p2 $0x1082  }
0x22: {  	[simem:s7], [sflag:s8] =	dma.local @!p0 [hbm:s6], $0xF7A  }
0x23: {  	s9 =	sor.u32 $0xD0000000, s2;
	s6 =	simm.s32 $0x108;
	_ =	swait.ge @!p0 [sflag:s8], $0x0  }
0x24: {  	s3 =	sadd.s32 $0x88, s3;
	s6 =	simm.s32 @!p1 $0x1082;
	[sflag:s4] =	ssyncset.s32 $0xFFFFF086  }
0x25: {  	[simem:s6], [sflag:s4] =	dma.local [hbm:s3], $0xF7A  }
0x26: {  	[smem:$0x3F95] =	sst s1;
	(tag) =	ssettag s2;
	_ =	strace s9  }
0x27: {  	s1 =	sld [smem:$0x3FA5]  }
0x28: {  	s2 =	sld [smem:$0x3FA6]  }
0x29: {  	s4 =	sld [smem:$0x3FA8]  }
0x2a: {  	p0 =	seq.s32 s5, $0x0;
	s5 =	sld [smem:$0x3FA9]  }
0x2b: {  	s6 =	sld [smem:$0x3FAA]  }
0x2c: {  	s7 =	sld [smem:$0x3FAB]  }
0x2d: {  	s3 =	simm.s32 $0x108;
	s8 =	sld [smem:$0x3FAC]  }
0x2e: {  	s3 =	simm.s32 @!p0 $0x1082;
	s9 =	sld [smem:$0x3FAD]  }
0x2f: {  	lr =	sadd.s32 s0, s3;
	s0 =	sld [smem:$0x3FA4]  }
0x30: {  	s3 =	sld [smem:$0x3FA7]  }
0x31: {  	[smem:$0x3FB0] =	sst s10  }
0x32: {  	s10 =	sld [smem:$0x3FAE];
	_ =	sdelay $0x3  }
0x33: {  	p0 =	seq.s32 s10, $0x1;
	s10 =	sld [smem:$0x3FB0];
	_ =	sdelay $0x3  }
0x34: {  	[smem:$0x3FB0] =	sst s10  }
0x35: {  	s10 =	sld [smem:$0x3FAF];
	_ =	sdelay $0x3  }
0x36: {  	p1 =	seq.s32 s10, $0x1;
	s10 =	sld [smem:$0x3FB0];
	_ =	sdelay $0x3  }
0x37: {  	[smem:$0x3FB0] =	sst s10  }
0x38: {  	s10 =	sld [smem:$0x3FB1]  }
0x39: {  	_ = 	snop;
	(pc) =	sbr.ind lr, $3  }
0x3a: {  	_ = 	snop  }
0x3b: {  	_ = 	snop  }
0x3c: {  	p2 =	seq.s32 s10, $0x1;
	s10 =	sld [smem:$0x3FB0]  }
0x3d: {  	_ =	shalt  }
0x3e: {  	_ =	shalt  }
0x3f: {  	_ =	shalt  }
0x40: {  	_ =	shalt  }
0x41: {  	_ =	shalt  }
0x42: {  	_ =	shalt  }
0x43: {  	_ =	shalt  }
0x44: {  	_ =	shalt  }
0x45: {  	_ =	shalt  }
0x46: {  	_ =	shalt  }
0x47: {  	_ =	shalt  }
0x48: {  	_ =	shalt  }
0x49: {  	_ =	shalt  }
0x4a: {  	_ =	shalt  }
0x4b: {  	_ =	shalt  }
0x4c: {  	_ =	shalt  }
0x4d: {  	_ =	shalt  }
0x4e: {  	_ =	shalt  }
0x4f: {  	_ =	shalt  }
0x50: {  	_ =	shalt  }
0x51: {  	_ =	shalt  }
0x52: {  	_ =	shalt  }
0x53: {  	_ =	shalt  }
0x54: {  	_ =	shalt  }
0x55: {  	_ =	shalt  }
0x56: {  	_ =	shalt  }
0x57: {  	_ =	shalt  }
0x58: {  	_ =	shalt  }
0x59: {  	_ =	shalt  }
0x5a: {  	_ =	shalt  }
0x5b: {  	_ =	shalt  }
0x5c: {  	_ =	shalt  }
0x5d: {  	_ =	shalt  }
0x5e: {  	_ =	shalt  }
0x5f: {  	_ =	shalt  }
0x60: {  	_ =	shalt  }
0x61: {  	_ =	shalt  }
0x62: {  	_ =	shalt  }
0x63: {  	_ =	shalt  }
0x64: {  	_ =	shalt  }
0x65: {  	_ =	shalt  }
0x66: {  	_ =	shalt  }
0x67: {  	_ =	shalt  }
0x68: {  	_ =	shalt  }
0x69: {  	_ =	shalt  }
0x6a: {  	_ =	shalt  }
0x6b: {  	_ =	shalt  }
0x6c: {  	_ =	shalt  }
0x6d: {  	_ =	shalt  }
0x6e: {  	_ =	shalt  }
0x6f: {  	_ =	shalt  }
0x70: {  	_ =	shalt  }
0x71: {  	_ =	shalt  }
0x72: {  	_ =	shalt  }
0x73: {  	_ =	shalt  }
0x74: {  	_ =	shalt  }
0x75: {  	_ =	shalt  }
0x76: {  	_ =	shalt  }
0x77: {  	_ =	shalt  }
0x78: {  	_ =	shalt  }
0x79: {  	_ =	shalt  }
0x7a: {  	_ =	shalt  }
0x7b: {  	_ =	shalt  }
0x7c: {  	_ =	shalt  }
0x7d: {  	_ =	shalt  }
0x7e: {  	_ =	shalt  }
0x7f: {  	_ =	shalt  }
0x80: {  	_ =	shalt  }
0x81: {  	_ =	shalt  }
0x82: {  	_ =	shalt  }
0x83: {  	_ =	shalt  }
0x84: {  	_ =	shalt  }
0x85: {  	_ =	shalt  }
0x86: {  	_ =	shalt  }
0x87: {  	_ =	shalt  }
.Lfunc_end0:
.L_simem_size_0:
called_computation.1_lowered:
.L_overlay_start_0:
0x88: {  	s2 =	sld [smem:$0x3FD9]  }
0x89: {  	s3 =	sld [smem:$0x3FFE];
	_ =	sdelay $0x1  }
0x8a: {  	s1 =	srdreg.scid  }
0x8b: {  	s0 =	sand.u32 $0x1, s1  }
0x8c: {  	s16 =	sshll.u32 s0, $0xA;
	s2 =	sadd.s32 s3, s2  }
0x8d: {  	s2 =	sadd.s32 s2, s16  }
0x8e: {  	[smem:$0x3FBC] =	sst s2  }
0x8f: {  	_ = 	snop  }
0x90: {  	(tm) =	ssettm $0x1  }
0x91: {  	s17 =	sld [smem:$0x3FFB];
	_ =	sdelay $0x3  }
0x92: {  	_ =	strace s17  }
0x93: {  	s2 =	sld [smem:$0x3FFC];
	_ =	sdelay $0x3  }
0x94: {  	_ =	strace s2  }
0x95: {  	s2 =	sld [smem:$0x3FFD];
	_ =	sdelay $0x3  }
0x96: {  	_ =	strace s2  }
0x97: {  	_ =	strace $0x8FFFFFFF  }
0x98: {  	s18 =	sld [smem:$0x3FDB];
	_ =	sdelay $0x1  }
0x99: {  	s19 =	simm.s32 $_scs_section_size  }
0x9a: {  	s4 =	simm.s32 $_size__tile_overlayer_lowered;
	s5 =	simm.s32 $_tile_overlayer_lowered  }
0x9b: {  	s22 =	simm.s32 $0x1BFF;
	s21 =	sshll.u32 s5, $0x1;
	s2 =	sadd.s32 s19, s18  }
0x9c: {  	s6 =	simm.s32 $0x0;
	s20 =	sshll.u32 s4, $0x1;
	s4 =	sadd.s32 s21, s2  }
0x9d: {  	[timem:s6], [sflag:s22] =	dma.local [hbm:s4], s20  }
0x9e: {  	_ =	swait.ge [sflag:s22], s20  }
0x9f: {  	s3 =	ssub.s32 $0x0, s20;
	[sflag:s22] =	ssyncset.done $0x0  }
0xa0: {  	[sflag:s22] =	ssyncadd.s32 s3;
	_ =	sdelay $0x1  }
0xa1: {  	s23 =	simm.s32 $0x1B8B  }
0xa2: {  	_ =	swait.ge [sflag:s23], $0x1  }
0xa3: {  	[sflag:s23] =	ssyncset.done $0x0  }
0xa4: {  	s25 =	simm.s32 $0x1B8E;
	s24 =	sld [smem:$0x3FFE];
	[sflag:s23] =	ssyncadd.s32 $0xFFFFFFFF  }
0xa5: {  	s26 =	simm.s32 $execute0_lowered;
	[smem:$0x3FD2] =	sst s25  }
0xa6: {  	s4 =	sshll.u32 s26, $0x1;
	_ =	strace $0x80000049;
	[dreg:$0x1] =	wrdreg $0xFFFFFFFF  }
0xa7: {  	s28 =	simm.s32 $_size_execute0_lowered;
	s2 =	sadd.s32 s2, s4;
	[dreg:$0x0] =	wrdreg $0x0  }
0xa8: {  	s4 =	sshll.u32 s28, $0x1;
	[dreg:$0x2] =	wrdreg s2  }
0xa9: {  	[dreg:$0x3] =	wrdreg s4  }
0xaa: {  	[dreg:$0x4] =	wrdreg $0xC0  }
0xab: {  	_ =	task [dreg:s6], $0x5FFFF  }
0xac: {  	[dreg:$0x1] =	wrdreg $0xFFFFFFFF  }
0xad: {  	[dreg:$0x0] =	wrdreg $0x60  }
0xae: {  	[dreg:$0x2] =	wrdreg s24  }
0xaf: {  	[dreg:$0x3] =	wrdreg $0x9  }
0xb0: {  	_ =	task.clear_ibuf [dreg:s6], $0x4FFFF;
	_ =	strace $0x90000049  }
0xb1: {  	s29 =	simm.s32 $0x9;
	_ =	strace $0x8000004B  }
0xb2: {  	_ =	swait.ge [sflag:s29], $0x1  }
0xb3: {  	[sflag:s29] =	ssyncadd.s32 $0xFFFFFFFF  }
0xb4: {  	_ =	strace $0x9000004B  }
0xb5: {  	_ =	sfence  }
0xb6: {  	s30 =	sld [smem:$0x0];
	_ =	sdelay $0x2  }
0xb7: {  	s31 =	sshll.u32 s1, $0xD;
	s1 =	sshrl.u32 s1, $0x2  }
0xb8: {  	s3 =	sand.u32 $0x4000, s31;
	s1 =	sadd.s32 s1, s30  }
0xb9: {  	s0 =	sor.u32 s3, s0;
	s1 =	sshll.u32 s1, $0x11  }
0xba: {  	s0 =	sor.u32 s1, s0  }
0xbb: {  	s0 =	sadd.s32 $0x8F2B, s0  }
0xbc: {  	[sflag:s0] =	ssyncadd.remote.s32 $0x1  }
0xbd: {  	_ =	sfence.sel $0xFFFF  }
0xbe: {  	[dreg:$0x0] =	wrdreg $0xFFFFFFFF;
	(pc) =	sbr.abs _section_cstart, $3  }
0xbf: {  	[dreg:$0x1] =	wrdreg $0xFFFFFFFF  }
0xc0: {  	_ =	task.clear_ibuf [dreg:s6], $0x2FFFF;
	_ =	strace $0x9FFFFFFF  }
0xc1: {  	(tm) =	ssettm $0x7FFFFFFF  }
tec
execute0_lowered:
.L_overlay_start_1:
0x0: {  	(tag) =	ssettag $0x1  }
0x1: {  	s8 =	rddreg [dreg:$0x0]  }
0x2: {  	s0 =	rddreg [dreg:$0x1];
	s2 =	simm.s32 $0x0;
	s3 =	srdreg.scid  }
0x3: {  	s1 =	stileid.u32;
	s12 =	simm.s32 $0x1;
	s13 =	simm.s32 $0x19280  }
0x4: {  	s14 =	simm.s32 $0x19E00;
	s15 =	simm.s32 $0x1A000;
	s16 =	simm.s32 $0x1A200  }
0x5: {  	s17 =	simm.s32 $0xC380;
	s18 =	simm.s32 $0x0;
	[smem:$0x7FF] =	sst s2  }
0x6: {  	s7 =	sand.u32 $0x1, s3;
	s30 =	sshll.u32 s1, $0x1;
	s3 =	sadd.s32 $0xE00, s8  }
0x7: {  	s4 =	sadd.s32 $0x19600, s8;
	s5 =	sadd.s32 $0xAC400, s8;
	s9 =	sor.u32 s7, s30  }
0x8: {  	s6 =	sadd.s32 $0xC4C00, s8;
	s11 =	ssub.s32 $0x2, s7;
	s10 =	smul.u32 $0x1870, s9  }
0x9: {  	_ =	strace $0x8000004A;
	s7 =	sadd.s32 $0x31E00, s8;
	s31 =	sshrl.u32 s11, $0x1  }
0xa: {  	s11 =	ssub.s32 s11, s31;
	s10 =	sadd.s32 s10, s8;
	s8 =	smul.u32 $0x6200, s9  }
0xb: {  	v0 =	vimm.f32 $0.0e+00;
	s9 =	sadd.s32 $0x33800, s10;
	s10 =	smax.u32 s11, $0x1;
	s11 =	simm.s32 $0x18700  }
.LBB2_1:
0xc: {  	s19 =	simm.s32 $0x40;
	s20 =	simm.s32 $0x0  }
.LBB2_2:
0xd: {  	p0 =	sne.s32 s19, $0x30DC0;
	[tilespmem:s20+$0xC380] =	vst v0;
	s20 =	smov.u32 s19;
	s19 =	sadd.s32 $0x40, s19  }
.Ltmp0:
0xe: {  	(pc) =	sbr.rel @p0 .LBB2_2-.Ltmp0, $2  }
0xf: {  	_ =	sdelay $0x2  }
0x10: {  	s20 =	sshra.s32 s20, $0x2  }
0x11: {  	[tilespmem:s20+$0xC380] =	vst v0;
	s19 =	simm.s32 $0x0;
	s20 =	simm.s32 $0x0;
	s21 =	simm.s32 $0x0  }
.LBB2_4:
0x12: {  	s22 =	smul.u32 $0x170, s21;
	_ =	sdelay $0x1  }
0x13: {  	s23 =	sadd.s32 s6, s22  }
0x14: {  	[tilespmem:s11], [sflag:$0x1] =	stream.linear.gather [hbm4b:s23+s19], $0xB80, $0x38;
	[tilespmem:$0x1A400] =	vst v63  }
0x15: {  	_ =	swait.ge [sflag:s12], $0xB80  }
0x16: {  	[sflag:s12] =	ssyncset.done $0x0  }
0x17: {  	s22 =	sadd.s32 s7, s22;
	[sflag:s12] =	ssyncadd.s32 $0xFFFFF480  }
0x18: {  	[tilespmem:s13], [sflag:$0x1] =	stream.linear.gather [hbm4b:s22+s19], $0xB80, $0x38;
	[tilespmem:$0x1A400] =	vst v63  }
0x19: {  	_ =	swait.ge [sflag:s12], $0xB80  }
0x1a: {  	[sflag:s12] =	ssyncset.done $0x0  }
0x1b: {  	s22 =	simm.s32 $0x0;
	[sflag:s12] =	ssyncadd.s32 $0xFFFFF480  }
0x1c: {  	v1 =	vld [tilespmem:s22+$0x19280];
	_ =	sdelay $0x4  }
0x1d: {  	(erf) = vrcp.f32 v1;
	_ =	sdelay $0x4  }
0x1e: {  	v2 =	vld [tilespmem:s22+$0x18700];
	_ =	sdelay $0x1  }
0x1f: {  	v1 =	vmov s20;
	_ =	sdelay $0x1  }
0x20: {  	v3 =	vpop (erf)  }
0x21: {  	v2 =	vmul.f32 v3, v2;
	_ =	sdelay $0x1  }
0x22: {  	[tilespmem:v1+s22+$0x0 ss:$0x1] =	vst.idx.msk $0xffff, v2  }
0x23: {  	v2 =	vld [tilespmem:s22+$0x19290];
	_ =	sdelay $0x4  }
0x24: {  	(erf) = vrcp.f32 v2;
	_ =	sdelay $0x4  }
0x25: {  	v2 =	vld [tilespmem:s22+$0x18710];
	_ =	sdelay $0x3  }
0x26: {  	v3 =	vpop (erf)  }
0x27: {  	v2 =	vmul.f32 v3, v2;
	_ =	sdelay $0x1  }
0x28: {  	[tilespmem:v1+s22+$0x10 ss:$0x1] =	vst.idx.msk $0xffff, v2  }
0x29: {  	v2 =	vld [tilespmem:s22+$0x192A0];
	_ =	sdelay $0x4  }
0x2a: {  	(erf) = vrcp.f32 v2;
	_ =	sdelay $0x4  }
0x2b: {  	v2 =	vld [tilespmem:s22+$0x18720];
	_ =	sdelay $0x3  }
0x2c: {  	v3 =	vpop (erf)  }
0x2d: {  	v2 =	vmul.f32 v3, v2;
	_ =	sdelay $0x1  }
0x2e: {  	[tilespmem:v1+s22+$0x20 ss:$0x1] =	vst.idx.msk $0xffff, v2  }
0x2f: {  	v2 =	vld [tilespmem:s22+$0x192B0];
	_ =	sdelay $0x4  }
0x30: {  	(erf) = vrcp.f32 v2;
	_ =	sdelay $0x4  }
0x31: {  	v2 =	vld [tilespmem:s22+$0x18730];
	_ =	sdelay $0x3  }
0x32: {  	v3 =	vpop (erf)  }
0x33: {  	v2 =	vmul.f32 v3, v2;
	_ =	sdelay $0x1  }
0x34: {  	[tilespmem:v1+s22+$0x30 ss:$0x1] =	vst.idx.msk $0xffff, v2  }
0x35: {  	v2 =	vld [tilespmem:s22+$0x192C0];
	_ =	sdelay $0x4  }
0x36: {  	(erf) = vrcp.f32 v2;
	_ =	sdelay $0x4  }
0x37: {  	v2 =	vld [tilespmem:s22+$0x18740];
	_ =	sdelay $0x3  }
0x38: {  	v3 =	vpop (erf)  }
0x39: {  	v2 =	vmul.f32 v3, v2;
	_ =	sdelay $0x1  }
0x3a: {  	[tilespmem:v1+s22+$0x40 ss:$0x1] =	vst.idx.msk $0xffff, v2  }
0x3b: {  	v2 =	vld [tilespmem:s22+$0x192D0];
	_ =	sdelay $0x4  }
0x3c: {  	(erf) = vrcp.f32 v2;
	_ =	sdelay $0x4  }
0x3d: {  	v2 =	vld [tilespmem:s22+$0x18750];
	_ =	sdelay $0x3  }
0x3e: {  	v3 =	vpop (erf)  }
0x3f: {  	v2 =	vmul.f32 v3, v2;
	_ =	sdelay $0x1  }
0x40: {  	[tilespmem:v1+s22+$0x50 ss:$0x1] =	vst.idx.msk $0xffff, v2  }
0x41: {  	v2 =	vld [tilespmem:s22+$0x192E0];
	_ =	sdelay $0x4  }
0x42: {  	(erf) = vrcp.f32 v2;
	_ =	sdelay $0x4  }
0x43: {  	v2 =	vld [tilespmem:s22+$0x18760];
	_ =	sdelay $0x3  }
0x44: {  	v3 =	vpop (erf)  }
0x45: {  	v2 =	vmul.f32 v3, v2;
	_ =	sdelay $0x1  }
0x46: {  	[tilespmem:v1+s22+$0x60 ss:$0x1] =	vst.idx.msk $0xffff, v2  }
0x47: {  	v2 =	vld [tilespmem:s22+$0x192F0];
	_ =	sdelay $0x4  }
0x48: {  	(erf) = vrcp.f32 v2;
	_ =	sdelay $0x4  }
0x49: {  	v2 =	vld [tilespmem:s22+$0x18770];
	_ =	sdelay $0x3  }
0x4a: {  	v3 =	vpop (erf)  }
0x4b: {  	s24 =	simm.s32 $0x400;
	s23 =	simm.s32 $0x200;
	v2 =	vmul.f32 v3, v2  }
.LBB2_5:
0x4c: {  	p0 =	sne.s32 s24, $0x2C00  }
0x4d: {  	[tilespmem:v1+s22+$0x70 ss:$0x1] =	vst.idx.msk $0xffff, v2;
	s22 =	sshra.s32 s23, $0x2;
	s23 =	smov.u32 s24;
	s24 =	sadd.s32 $0x200, s24  }
0x4e: {  	v2 =	vld [tilespmem:s22+$0x19280];
	_ =	sdelay $0x4  }
0x4f: {  	(erf) = vrcp.f32 v2;
	_ =	sdelay $0x4  }
0x50: {  	v2 =	vld [tilespmem:s22+$0x18700];
	_ =	sdelay $0x3  }
0x51: {  	v3 =	vpop (erf)  }
0x52: {  	v2 =	vmul.f32 v3, v2;
	_ =	sdelay $0x1  }
0x53: {  	[tilespmem:v1+s22+$0x0 ss:$0x1] =	vst.idx.msk $0xffff, v2  }
0x54: {  	v2 =	vld [tilespmem:s22+$0x19290];
	_ =	sdelay $0x4  }
0x55: {  	(erf) = vrcp.f32 v2;
	_ =	sdelay $0x4  }
0x56: {  	v2 =	vld [tilespmem:s22+$0x18710];
	_ =	sdelay $0x3  }
0x57: {  	v3 =	vpop (erf)  }
0x58: {  	v2 =	vmul.f32 v3, v2;
	_ =	sdelay $0x1  }
0x59: {  	[tilespmem:v1+s22+$0x10 ss:$0x1] =	vst.idx.msk $0xffff, v2  }
0x5a: {  	v2 =	vld [tilespmem:s22+$0x192A0];
	_ =	sdelay $0x4  }
0x5b: {  	(erf) = vrcp.f32 v2;
	_ =	sdelay $0x4  }
0x5c: {  	v2 =	vld [tilespmem:s22+$0x18720];
	_ =	sdelay $0x3  }
0x5d: {  	v3 =	vpop (erf)  }
0x5e: {  	v2 =	vmul.f32 v3, v2;
	_ =	sdelay $0x1  }
0x5f: {  	[tilespmem:v1+s22+$0x20 ss:$0x1] =	vst.idx.msk $0xffff, v2  }
0x60: {  	v2 =	vld [tilespmem:s22+$0x192B0];
	_ =	sdelay $0x4  }
0x61: {  	(erf) = vrcp.f32 v2;
	_ =	sdelay $0x4  }
0x62: {  	v2 =	vld [tilespmem:s22+$0x18730];
	_ =	sdelay $0x3  }
0x63: {  	v3 =	vpop (erf)  }
0x64: {  	v2 =	vmul.f32 v3, v2;
	_ =	sdelay $0x1  }
0x65: {  	[tilespmem:v1+s22+$0x30 ss:$0x1] =	vst.idx.msk $0xffff, v2  }
0x66: {  	v2 =	vld [tilespmem:s22+$0x192C0];
	_ =	sdelay $0x4  }
0x67: {  	(erf) = vrcp.f32 v2;
	_ =	sdelay $0x4  }
0x68: {  	v2 =	vld [tilespmem:s22+$0x18740];
	_ =	sdelay $0x3  }
0x69: {  	v3 =	vpop (erf)  }
0x6a: {  	v2 =	vmul.f32 v3, v2;
	_ =	sdelay $0x1  }
0x6b: {  	[tilespmem:v1+s22+$0x40 ss:$0x1] =	vst.idx.msk $0xffff, v2  }
0x6c: {  	v2 =	vld [tilespmem:s22+$0x192D0]  }
0x6d: {  	v3 =	vld [tilespmem:s22+$0x18750];
	_ =	sdelay $0x3  }
0x6e: {  	(erf) = vrcp.f32 v2;
	_ =	sdelay $0x8  }
0x6f: {  	v2 =	vpop (erf)  }
0x70: {  	v2 =	vmul.f32 v2, v3;
	_ =	sdelay $0x1  }
0x71: {  	[tilespmem:v1+s22+$0x50 ss:$0x1] =	vst.idx.msk $0xffff, v2  }
0x72: {  	v2 =	vld [tilespmem:s22+$0x192E0]  }
0x73: {  	v3 =	vld [tilespmem:s22+$0x18760];
	_ =	sdelay $0x3  }
0x74: {  	(erf) = vrcp.f32 v2;
	_ =	sdelay $0x8  }
0x75: {  	v2 =	vpop (erf)  }
0x76: {  	v2 =	vmul.f32 v2, v3;
	_ =	sdelay $0x1  }
0x77: {  	[tilespmem:v1+s22+$0x60 ss:$0x1] =	vst.idx.msk $0xffff, v2  }
0x78: {  	v2 =	vld [tilespmem:s22+$0x192F0]  }
0x79: {  	v3 =	vld [tilespmem:s22+$0x18770];
	_ =	sdelay $0x3  }
0x7a: {  	(erf) = vrcp.f32 v2;
	_ =	sdelay $0x5  }
.Ltmp1:
0x7b: {  	(pc) =	sbr.rel @p0 .LBB2_5-.Ltmp1, $3  }
0x7c: {  	_ =	sdelay $0x1  }
0x7d: {  	v2 =	vpop (erf)  }
0x7e: {  	v2 =	vmul.f32 v2, v3  }
0x7f: {  	_ =	sdelay $0x3  }
0x80: {  	s23 =	sshra.s32 s23, $0x2;
	[tilespmem:v1+s22+$0x70 ss:$0x1] =	vst.idx.msk $0xffff, v2  }
0x81: {  	v2 =	vld [tilespmem:s23+$0x19280];
	_ =	sdelay $0x4  }
0x82: {  	(erf) = vrcp.f32 v2;
	_ =	sdelay $0x4  }
0x83: {  	v2 =	vld [tilespmem:s23+$0x18700];
	_ =	sdelay $0x3  }
0x84: {  	v3 =	vpop (erf)  }
0x85: {  	v2 =	vmul.f32 v3, v2;
	_ =	sdelay $0x1  }
0x86: {  	[tilespmem:v1+s23+$0x0 ss:$0x1] =	vst.idx.msk $0xffff, v2  }
0x87: {  	v2 =	vld [tilespmem:s23+$0x19290];
	_ =	sdelay $0x4  }
0x88: {  	(erf) = vrcp.f32 v2;
	_ =	sdelay $0x4  }
0x89: {  	v2 =	vld [tilespmem:s23+$0x18710];
	_ =	sdelay $0x3  }
0x8a: {  	v3 =	vpop (erf)  }
0x8b: {  	v2 =	vmul.f32 v3, v2;
	_ =	sdelay $0x1  }
0x8c: {  	[tilespmem:v1+s23+$0x10 ss:$0x1] =	vst.idx.msk $0xffff, v2  }
0x8d: {  	v2 =	vld [tilespmem:s23+$0x192A0];
	_ =	sdelay $0x4  }
0x8e: {  	(erf) = vrcp.f32 v2;
	_ =	sdelay $0x4  }
0x8f: {  	v2 =	vld [tilespmem:s23+$0x18720];
	_ =	sdelay $0x3  }
0x90: {  	v3 =	vpop (erf)  }
0x91: {  	v2 =	vmul.f32 v3, v2;
	_ =	sdelay $0x1  }
0x92: {  	[tilespmem:v1+s23+$0x20 ss:$0x1] =	vst.idx.msk $0xffff, v2  }
0x93: {  	v2 =	vld [tilespmem:s23+$0x192B0];
	_ =	sdelay $0x4  }
0x94: {  	(erf) = vrcp.f32 v2;
	_ =	sdelay $0x4  }
0x95: {  	v2 =	vld [tilespmem:s23+$0x18730];
	_ =	sdelay $0x3  }
0x96: {  	v3 =	vpop (erf)  }
0x97: {  	v2 =	vmul.f32 v3, v2;
	_ =	sdelay $0x1  }
0x98: {  	[tilespmem:v1+s23+$0x30 ss:$0x1] =	vst.idx.msk $0xffff, v2  }
0x99: {  	v2 =	vld [tilespmem:s23+$0x192C0];
	_ =	sdelay $0x4  }
0x9a: {  	(erf) = vrcp.f32 v2;
	_ =	sdelay $0x4  }
0x9b: {  	v2 =	vld [tilespmem:s23+$0x18740];
	_ =	sdelay $0x3  }
0x9c: {  	v3 =	vpop (erf)  }
0x9d: {  	v2 =	vmul.f32 v3, v2;
	_ =	sdelay $0x1  }
0x9e: {  	[tilespmem:v1+s23+$0x40 ss:$0x1] =	vst.idx.msk $0xffff, v2  }
0x9f: {  	v2 =	vld [tilespmem:s23+$0x192D0];
	_ =	sdelay $0x4  }
0xa0: {  	(erf) = vrcp.f32 v2;
	_ =	sdelay $0x4  }
0xa1: {  	v2 =	vld [tilespmem:s23+$0x18750];
	_ =	sdelay $0x3  }
0xa2: {  	v3 =	vpop (erf)  }
0xa3: {  	v2 =	vmul.f32 v3, v2;
	_ =	sdelay $0x1  }
0xa4: {  	[tilespmem:v1+s23+$0x50 ss:$0x1] =	vst.idx.msk $0xffff, v2  }
0xa5: {  	v2 =	vld [tilespmem:s23+$0x192E0];
	_ =	sdelay $0x4  }
0xa6: {  	(erf) = vrcp.f32 v2;
	_ =	sdelay $0x4  }
0xa7: {  	v2 =	vld [tilespmem:s23+$0x18760];
	_ =	sdelay $0x3  }
0xa8: {  	v3 =	vpop (erf)  }
0xa9: {  	v2 =	vmul.f32 v3, v2;
	_ =	sdelay $0x1  }
0xaa: {  	[tilespmem:v1+s23+$0x60 ss:$0x1] =	vst.idx.msk $0xffff, v2  }
0xab: {  	v2 =	vld [tilespmem:s23+$0x192F0];
	_ =	sdelay $0x4  }
0xac: {  	(erf) = vrcp.f32 v2;
	_ =	sdelay $0x4  }
0xad: {  	v2 =	vld [tilespmem:s23+$0x18770]  }
0xae: {  	s21 =	sadd.s32 $0x1, s21  }
0xaf: {  	p0 =	sne.s32 s21, $0x11  }
.Ltmp2:
0xb0: {  	_ = 	snop;
	(pc) =	sbr.rel @p0 .LBB2_4-.Ltmp2, $3  }
0xb1: {  	v3 =	vpop (erf)  }
0xb2: {  	v2 =	vmul.f32 v3, v2;
	_ =	sdelay $0x1  }
0xb3: {  	s20 =	sadd.s32 $0xB80, s20;
	s22 =	simm.s32 $0x0;
	[tilespmem:v1+s23+$0x70 ss:$0x1] =	vst.idx.msk $0xffff, v2  }
0xb4: {  	s19 =	simm.s32 $0x0  }
.LBB2_8:
0xb5: {  	s20 =	sshll.u32 s19, $0x9  }
0xb6: {  	s20 =	sadd.s32 s8, s20  }
0xb7: {  	s20 =	sshrl.u32 s20, $0x3  }
0xb8: {  	s21 =	sadd.s32 s3, s20  }
0xb9: {  	[tilespmem:s14], [sflag:$0x1] =	stream.linear.gather [hbm4b:s21+s22], $0x200, $0x38;
	[tilespmem:$0x1A400] =	vst v63  }
0xba: {  	_ =	swait.ge [sflag:s12], $0x200  }
0xbb: {  	[sflag:s12] =	ssyncset.done $0x0  }
0xbc: {  	s31 =	sadd.s32 s4, s20;
	[sflag:s12] =	ssyncadd.s32 $0xFFFFFE00  }
0xbd: {  	[tilespmem:s15], [sflag:$0x1] =	stream.linear.gather [hbm4b:s31+s22], $0x200, $0x38;
	[tilespmem:$0x1A400] =	vst v63  }
0xbe: {  	_ =	swait.ge [sflag:s12], $0x200  }
0xbf: {  	[sflag:s12] =	ssyncset.done $0x0  }
0xc0: {  	s20 =	sadd.s32 s5, s20;
	[sflag:s12] =	ssyncadd.s32 $0xFFFFFE00  }
0xc1: {  	[tilespmem:s16], [sflag:$0x1] =	stream.linear.gather [hbm4b:s20+s22], $0x200, $0x38;
	[tilespmem:$0x1A400] =	vst v63  }
0xc2: {  	_ =	swait.ge [sflag:s12], $0x200  }
0xc3: {  	[sflag:s12] =	ssyncset.done $0x0  }
0xc4: {  	s21 =	simm.s32 $0x0;
	s20 =	simm.s32 $0x40;
	[sflag:s12] =	ssyncadd.s32 $0xFFFFFE00  }
.LBB2_9:
0xc5: {  	p0 =	sne.s32 s20, $0x7C0;
	v1 =	vld [tilespmem:s21+$0x19E00];
	_ =	sdelay $0x6  }
0xc6: {  	v2 =	vld [tilespmem:s21+$0x1A000]  }
0xc7: {  	v1 =	vld.idx.msk [tilespmem:v1+s2+$0x0], $0xffff  }
0xc8: {  	v3 =	vld [tilespmem:s21+$0x1A200];
	_ =	sdelay $0x2  }
.Ltmp3:
0xc9: {  	(pc) =	sbr.rel @p0 .LBB2_9-.Ltmp3, $3  }
0xca: {  	_ = 	snop  }
0xcb: {  	v1 =	vmul.f32 v1, v3;
	_ =	sdelay $0x1  }
0xcc: {  	s21 =	sshra.s32 s20, $0x2;
	s20 =	sadd.s32 $0x40, s20;
	[tilespmem:v2+s17+$0x0] =	vst.idx.add.f32.msk $0xffff, v1  }
0xcd: {  	v1 =	vld [tilespmem:s21+$0x19E00];
	_ =	sdelay $0x5  }
0xce: {  	v2 =	vld [tilespmem:s21+$0x1A000]  }
0xcf: {  	v3 =	vld [tilespmem:s21+$0x1A200]  }
0xd0: {  	v1 =	vld.idx.msk [tilespmem:v1+s2+$0x0], $0xffff  }
0xd1: {  	s19 =	sadd.s32 $0x1, s19  }
0xd2: {  	p0 =	sne.s32 s19, $0x31  }
.Ltmp4:
0xd3: {  	_ = 	snop;
	(pc) =	sbr.rel @p0 .LBB2_8-.Ltmp4, $3  }
0xd4: {  	_ = 	snop  }
0xd5: {  	v1 =	vmul.f32 v1, v3;
	_ =	sdelay $0x1  }
0xd6: {  	[tilespmem:v2+s17+$0x0] =	vst.idx.add.f32.msk $0xffff, v1  }
0xd7: {  	s18 =	sadd.s32 $0x1, s18  }
0xd8: {  	p0 =	sne.s32 s18, s10  }
.Ltmp5:
0xd9: {  	_ = 	snop;
	(pc) =	sbr.rel @p0 .LBB2_1-.Ltmp5, $4  }
0xda: {  	[hbm4b:s9+s2] =	stream.linear.scatter [tilespmem:s17], [sflag:$0x1], $0xC380, $0x38;
	[tilespmem:$0x1A400] =	vst v63  }
0xdb: {  	_ =	swait.ge [sflag:s12], $0xC380  }
0xdc: {  	[sflag:s12] =	ssyncset.done $0x0  }
0xdd: {  	[sflag:s12] =	ssyncadd.s32 $0xFFFF3C80  }
0xde: {  	_ =	sfence.sel $0x180000  }
0xdf: {  	[bflag:$0x0] =	sbarrier.arrive $0xFFFF  }
0xe0: {  	p0 =	sne.s32 s1, $0x0;
	_ =	strace $0x9000004A  }
0xe1: {  	s0 =	sadd.s32 @!p0 $0x100000, s0;
	[bflag:$0x2] =	sbarrier.arrive $0xFFFF  }
0xe2: {  	[sflag:s0] =	ssyncadd.tile.s32 @!p0 $0x1;
	_ =	shalt  }
.Lfunc_end2:
_tile_overlayer_lowered:
.L_overlay_start_2:
0xe3: {  	(tag) =	ssettag $0x2  }
0xe4: {  	s0 =	rddreg [dreg:$0x0];
	s2 =	stileid.u32  }
0xe5: {  	s1 =	rddreg [dreg:$0x1];
	p0 =	sne.s32 s2, $0x0  }
0xe6: {  	s3 =	rddreg [dreg:$0x2];
	[bflag:$0x3] =	sbarrier.arrive $0xFFFF;
	s2 =	simm.s32 @!p0 $0x1C01  }
0xe7: {  	[timem:s3], [sflag:s2] =	dma.local @!p0 [hbm:s0], s1  }
0xe8: {  	s0 =	simm.s32 @!p0 $0x1  }
0xe9: {  	_ =	swait.ge @!p0 [sflag:s0], s1  }
0xea: {  	s1 =	ssub.s32 @!p0 $0x0, s1;
	[sflag:s0] =	ssyncset.done @!p0 $0x0  }
0xeb: {  	[sflag:s0] =	ssyncadd.s32 @!p0 s1  }
0xec: {  	[bflag:$0x3] =	sbarrier.arrive $0xFFFF  }
0xed: {  	_ =	shalt  }

</sc_bundles>
